<compile_context>
chip_gen: v7x
topology: tpu7x:2x2x1
jax: 0.10.2.dev20260603
libtpu: 0.0.44.dev20260713+nightly
codegen_flags: <defaults>
</compile_context>

<pallas_src>
import jax
import jax.numpy as jnp
from jax import lax
from jax.experimental import pallas as pl
from jax.experimental.pallas import tpu as pltpu
from jax.experimental.pallas import tpu_sc as plsc

N = 10000
E = 320000
D = 128

NC = 2
NS = 16
NW = NC * NS

CH = 128
NCH_W = 80
EP = NW * NCH_W * CH

C_FAST = 0
NQ = 2
QF = 56
QS = 24
PAIR_CH = NQ * (QF + QS)

NP = 10240
RPT = NP // NS


def _zero_rows_buf(buf, nrows):
    z = jnp.zeros((16,), jnp.float32)

    def body(i, _):
        r = i // (D // 16)
        j = i % (D // 16)
        buf[r, pl.ds(j * 16, 16)] = z
        return 0

    lax.fori_loop(0, nrows * (D // 16), body, 0)


def _sc_scatter_body(g_hbm, src_hbm, dst_hbm, out_hbm,
                     sidx, didx, rows0, rows1, acc, sem0, sem1):
    cid = lax.axis_index("c")
    sid = lax.axis_index("s")
    wid = sid * NC + cid

    _zero_rows_buf(rows0, CH)

    def zbody(k, _):
        pltpu.sync_copy(rows0, acc.at[pl.ds(sid * RPT + k * CH, CH)])
        return 0

    lax.fori_loop(0, RPT // CH, zbody, 0)

    plsc.subcore_barrier()

    is_fast = cid == C_FAST
    mypairs = jnp.where(is_fast, QF // 2, QS // 2)
    mybase = sid * PAIR_CH + jnp.where(is_fast, 0, NQ * QF)

    for q in range(NQ):
        @pl.when(is_fast)
        def _():
            pltpu.sync_copy(src_hbm.at[pl.ds(mybase + q * QF, QF)],
                            sidx.at[pl.ds(0, QF)])
            pltpu.sync_copy(dst_hbm.at[pl.ds(mybase + q * QF, QF)],
                            didx.at[pl.ds(0, QF)])

        @pl.when(jnp.logical_not(is_fast))
        def _():
            pltpu.sync_copy(src_hbm.at[pl.ds(mybase + q * QS, QS)],
                            sidx.at[pl.ds(0, QS)])
            pltpu.sync_copy(dst_hbm.at[pl.ds(mybase + q * QS, QS)],
                            didx.at[pl.ds(0, QS)])

        pltpu.async_copy(g_hbm.at[sidx.at[0]], rows0, sem0)

        def pbody(i, _):
            c0 = i * 2
            c1 = c0 + 1
            pltpu.make_async_copy(g_hbm.at[sidx.at[c0]], rows0, sem0).wait()
            pltpu.async_copy(g_hbm.at[sidx.at[c1]], rows1, sem1)
            pltpu.sync_copy(rows0, acc.at[didx.at[c0]], add=True)
            pltpu.make_async_copy(g_hbm.at[sidx.at[c1]], rows1, sem1).wait()

            @pl.when(i < mypairs - 1)
            def _():
                pltpu.async_copy(g_hbm.at[sidx.at[c0 + 2]], rows0, sem0)

            pltpu.sync_copy(rows1, acc.at[didx.at[c1]], add=True)
            return 0

        lax.fori_loop(0, mypairs, pbody, 0)

    plsc.subcore_barrier()

    pltpu.sync_copy(acc.at[pl.ds(sid * RPT, RPT)],
                    out_hbm.at[cid, pl.ds(sid * RPT, RPT)])


def _sc_scatter(g, src2d, dst2d):
    mesh = plsc.VectorSubcoreMesh(core_axis_name="c", subcore_axis_name="s")
    return pl.kernel(
        _sc_scatter_body,
        out_type=jax.ShapeDtypeStruct((NC, NP, D), jnp.float32),
        mesh=mesh,
        scratch_types=[
            pltpu.VMEM((QF, CH), jnp.int32),
            pltpu.VMEM((QF, CH), jnp.int32),
            pltpu.VMEM((CH, D), jnp.float32),
            pltpu.VMEM((CH, D), jnp.float32),
            pltpu.VMEM_SHARED((NP, D), jnp.float32),
            pltpu.SemaphoreType.DMA,
            pltpu.SemaphoreType.DMA,
        ],
    )(g, src2d, dst2d)


def _sc_deg_body(dst_hbm, deg_hbm, didx, ones_v, zbuf, acc):
    cid = lax.axis_index("c")
    sid = lax.axis_index("s")
    wid = sid * NC + cid

    z = jnp.zeros((16,), jnp.float32)
    o = jnp.ones((16,), jnp.float32)
    for i in range(CH // 16):
        zbuf[pl.ds(i * 16, 16)] = z
        ones_v[pl.ds(i * 16, 16)] = o

    def zbody(k, _):
        pltpu.sync_copy(zbuf, acc.at[pl.ds(sid * RPT + k * CH, CH)])
        return 0

    lax.fori_loop(0, RPT // CH, zbody, 0)

    pltpu.sync_copy(dst_hbm.at[pl.ds(wid * NCH_W, NCH_W)], didx)

    plsc.subcore_barrier()

    def body(c, _):
        pltpu.sync_copy(ones_v, acc.at[didx.at[c]], add=True)
        return 0

    lax.fori_loop(0, NCH_W, body, 0)

    plsc.subcore_barrier()

    pltpu.sync_copy(acc.at[pl.ds(sid * RPT, RPT)],
                    deg_hbm.at[cid, pl.ds(sid * RPT, RPT)])


def _sc_deg(dst2d):
    mesh = plsc.VectorSubcoreMesh(core_axis_name="c", subcore_axis_name="s")
    return pl.kernel(
        _sc_deg_body,
        out_type=jax.ShapeDtypeStruct((NC, NP), jnp.float32),
        mesh=mesh,
        scratch_types=[
            pltpu.VMEM((NCH_W, CH), jnp.int32),
            pltpu.VMEM((CH,), jnp.float32),
            pltpu.VMEM((CH,), jnp.float32),
            pltpu.VMEM_SHARED((NP,), jnp.float32),
        ],
    )(dst2d)



BR = 1000
GRID = N // BR


def _dinv(d0, d1):
    return lax.rsqrt(d0 + d1 + 1.0)


def _k1_body(x_ref, w_ref, d0_ref, d1_ref, g_ref):
    dinv = _dinv(d0_ref[...], d1_ref[...])
    g_ref[...] = jnp.dot(x_ref[...], w_ref[...],
                         preferred_element_type=jnp.float32) * dinv


def _tc_k1(x, W1, d0, d1):
    return pl.pallas_call(
        _k1_body,
        grid=(GRID,),
        in_specs=[
            pl.BlockSpec((BR, D), lambda i: (i, 0)),
            pl.BlockSpec((D, D), lambda i: (0, 0)),
            pl.BlockSpec((BR, 1), lambda i: (i, 0)),
            pl.BlockSpec((BR, 1), lambda i: (i, 0)),
        ],
        out_specs=pl.BlockSpec((BR, D), lambda i: (i, 0)),
        out_shape=jax.ShapeDtypeStruct((N, D), jnp.float32),
    )(x, W1, d0, d1)


def _k2_body(p0_ref, p1_ref, g1_ref, d0_ref, d1_ref, b1_ref, w2_ref, g2_ref):
    dinv = _dinv(d0_ref[...], d1_ref[...])
    h = dinv * (p0_ref[...] + p1_ref[...] + g1_ref[...]) + b1_ref[...]
    h = jnp.maximum(h, 0.0)
    g2_ref[...] = jnp.dot(h, w2_ref[...],
                          preferred_element_type=jnp.float32) * dinv


def _tc_k2(p0, p1, g1, d0, d1, b1, W2):
    return pl.pallas_call(
        _k2_body,
        grid=(GRID,),
        in_specs=[
            pl.BlockSpec((BR, D), lambda i: (i, 0)),
            pl.BlockSpec((BR, D), lambda i: (i, 0)),
            pl.BlockSpec((BR, D), lambda i: (i, 0)),
            pl.BlockSpec((BR, 1), lambda i: (i, 0)),
            pl.BlockSpec((BR, 1), lambda i: (i, 0)),
            pl.BlockSpec((1, D), lambda i: (0, 0)),
            pl.BlockSpec((D, D), lambda i: (0, 0)),
        ],
        out_specs=pl.BlockSpec((BR, D), lambda i: (i, 0)),
        out_shape=jax.ShapeDtypeStruct((N, D), jnp.float32),
    )(p0, p1, g1, d0, d1, b1, W2)


def _k3_body(p0_ref, p1_ref, g2_ref, d0_ref, d1_ref, b2_ref, z_ref):
    dinv = _dinv(d0_ref[...], d1_ref[...])
    z_ref[...] = dinv * (p0_ref[...] + p1_ref[...] + g2_ref[...]) + b2_ref[...]


def _tc_k3(p0, p1, g2, d0, d1, b2):
    return pl.pallas_call(
        _k3_body,
        grid=(GRID,),
        in_specs=[
            pl.BlockSpec((BR, D), lambda i: (i, 0)),
            pl.BlockSpec((BR, D), lambda i: (i, 0)),
            pl.BlockSpec((BR, D), lambda i: (i, 0)),
            pl.BlockSpec((BR, 1), lambda i: (i, 0)),
            pl.BlockSpec((BR, 1), lambda i: (i, 0)),
            pl.BlockSpec((1, D), lambda i: (0, 0)),
        ],
        out_specs=pl.BlockSpec((BR, D), lambda i: (i, 0)),
        out_shape=jax.ShapeDtypeStruct((N, D), jnp.float32),
    )(p0, p1, g2, d0, d1, b2)


def kernel(x, edge_index, W1, b1, W2, b2):
    src = edge_index[0]
    dst = edge_index[1]
    pad = EP - E
    src2d = jnp.concatenate(
        [src, jnp.zeros((pad,), jnp.int32)]).reshape(EP // CH, CH)
    dst2d = jnp.concatenate(
        [dst, jnp.full((pad,), NP - 1, jnp.int32)]).reshape(EP // CH, CH)

    degp = _sc_deg(dst2d)
    d0 = degp[0, :N].reshape(N, 1)
    d1 = degp[1, :N].reshape(N, 1)

    g1 = _tc_k1(x, W1, d0, d1)
    s1 = _sc_scatter(g1, src2d, dst2d)
    g2 = _tc_k2(s1[0, :N], s1[1, :N], g1, d0, d1, b1.reshape(1, D), W2)
    s2 = _sc_scatter(g2, src2d, dst2d)
    z = _tc_k3(s2[0, :N], s2[1, :N], g2, d0, d1, b2.reshape(1, D))
    return z

# --- scband reference (transcript-rebuilt; emitter-appended) ---
"""Pipeline reference for scband-gcnencoder-80307298500865 (READ-ONLY COPY).

The authoritative reference and input builder live on the scoring server;
editing this copy changes nothing except your own understanding.
"""

import jax, jax.numpy as jnp
import numpy as np

N = 10000
E = 320000
D_IN = 128
D_H = 128
D_OUT = 128


def setup_inputs(seed: int = 0) -> dict:
    key = jax.random.key(seed)
    k1, k2, k3, k4, k5, k6 = jax.random.split(key, 6)
    x = jax.random.normal(k1, (N, D_IN), dtype=jnp.float32)
    edge_index = jax.random.randint(k2, (2, E), 0, N, dtype=jnp.int32)
    # GCNConv layer 1 params (glorot init)
    W1 = jax.random.normal(k3, (D_IN, D_H), dtype=jnp.float32) * (1.0 / np.sqrt(D_IN))
    b1 = jnp.zeros((D_H,), dtype=jnp.float32)
    # GCNConv layer 2 params
    W2 = jax.random.normal(k4, (D_H, D_OUT), dtype=jnp.float32) * (1.0 / np.sqrt(D_H))
    b2 = jnp.zeros((D_OUT,), dtype=jnp.float32)
    return {"x": x, "edge_index": edge_index, "W1": W1, "b1": b1, "W2": W2, "b2": b2}


def _gcn_conv(x, edge_index, W, b):
    # Faithful PyG GCNConv: linear transform, add self-loops, symmetric normalization,
    # scatter-add aggregation, then bias.
    n = x.shape[0]
    h = x @ W
    src = edge_index[0]
    dst = edge_index[1]
    loop = jnp.arange(n, dtype=src.dtype)
    src_f = jnp.concatenate([src, loop])
    dst_f = jnp.concatenate([dst, loop])
    deg = jnp.zeros((n,), dtype=h.dtype).at[dst_f].add(1.0)
    dinv = jnp.where(deg > 0, deg ** -0.5, 0.0)
    norm = dinv[src_f] * dinv[dst_f]
    msg = h[src_f] * norm[:, None]
    out = jnp.zeros((n, h.shape[1]), dtype=h.dtype).at[dst_f].add(msg)
    return out + b


def reference(x, edge_index, W1, b1, W2, b2):
    # GCNEncoder forward: conv1 -> relu -> (dropout, p=0 eval) -> conv2
    h = _gcn_conv(x, edge_index, W1, b1)
    h = jax.nn.relu(h)
    z = _gcn_conv(h, edge_index, W2, b2)
    return z

if __name__ == "__main__":
    import jax
    _d = setup_inputs()
    print(jax.jit(kernel)(*tuple(_d.values())))

</pallas_src>

<mosaic_0001>
#map = affine_map<(d0, d1) -> (0, 0)>
#map1 = affine_map<(d0, d1) -> (0, 0, 0)>
module attributes {stable_mosaic.version = 14 : i64} {
  func.func @_sc_scatter_body(%arg0: i32, %arg1: i32, %arg2: memref<10000x128xf32, #tpu.memory_space<hbm>>, %arg3: memref<2560x128xi32, #tpu.memory_space<hbm>>, %arg4: memref<2560x128xi32, #tpu.memory_space<hbm>>, %arg5: memref<2x10240x128xf32, #tpu.memory_space<hbm>>, %arg6: memref<56x128xi32, #tpu.memory_space<vmem>>, %arg7: memref<56x128xi32, #tpu.memory_space<vmem>>, %arg8: memref<128x128xf32, #tpu.memory_space<vmem>>, %arg9: memref<128x128xf32, #tpu.memory_space<vmem>>, %arg10: memref<10240x128xf32, #tpu.memory_space<vmem_shared>>, %arg11: memref<!tpu.dma_semaphore, #tpu.memory_space<semaphore_mem>>, %arg12: memref<!tpu.dma_semaphore, #tpu.memory_space<semaphore_mem>>) attributes {dimension_semantics = [#tpu.dimension_semantics<core_parallel>, #tpu.dimension_semantics<subcore_parallel>], iteration_bounds = array<i64: 2, 16>, scalar_prefetch = 0 : i64, scratch_operands = 7 : i64, tpu.core_type = #tpu.core_type<sc_vector_subcore>, window_params = [{transform_indices = #map}, {transform_indices = #map}, {transform_indices = #map}, {transform_indices = #map1}]} {
    %mul3A = arith.constant 2 : i32
    %mul3A_0 = arith.muli %arg1, %mul3A : i32
    %add3A = arith.addi %mul3A_0, %arg0 : i32
    %broadcast_in_dim3A = arith.constant 0.000000e+00 : f32
    %broadcast_in_dim3A_1 = vector.broadcast %broadcast_in_dim3A : f32 to vector<16xf32>
    %scan3A = arith.constant 0 : i32
    %scan3A_2 = arith.constant 0 : i32
    %scan3A_3 = arith.constant 1024 : i32
    %scan3A_4 = arith.addi %scan3A_2, %scan3A_3 : i32
    %scan3A_5 = arith.constant 1 : i32
    %scan3A_6 = scf.for %scan3A_77 = %scan3A_2 to %scan3A_4 step %scan3A_5 iter_args(%scan3A_78 = %scan3A) -> (i32)  : i32 {
      %jit3A_79 = arith.constant 8 : i32
      %div3A = arith.divsi %scan3A_77, %jit3A_79 : i32
      %sign3A = arith.constant 0 : i32
      %sign3A_80 = arith.cmpi sgt, %scan3A_77, %sign3A : i32
      %sign3A_81 = arith.extui %sign3A_80 : i1 to i32
      %sign3A_82 = arith.constant 0 : i32
      %sign3A_83 = arith.cmpi slt, %scan3A_77, %sign3A_82 : i32
      %sign3A_84 = arith.extui %sign3A_83 : i1 to i32
      %sign3A_85 = arith.subi %sign3A_81, %sign3A_84 : i32
      %sign3A_86 = arith.constant 0 : i32
      %sign3A_87 = arith.cmpi sgt, %jit3A_79, %sign3A_86 : i32
      %sign3A_88 = arith.extui %sign3A_87 : i1 to i32
      %sign3A_89 = arith.constant 0 : i32
      %sign3A_90 = arith.cmpi slt, %jit3A_79, %sign3A_89 : i32
      %sign3A_91 = arith.extui %sign3A_90 : i1 to i32
      %sign3A_92 = arith.subi %sign3A_88, %sign3A_91 : i32
      %ne3A = arith.cmpi ne, %sign3A_85, %sign3A_92 : i32
      %rem3A = arith.remsi %scan3A_77, %jit3A_79 : i32
      %ne3A_93 = arith.constant 0 : i32
      %ne3A_94 = arith.cmpi ne, %rem3A, %ne3A_93 : i32
      %and3A = arith.andi %ne3A, %ne3A_94 : i1
      %sub3A = arith.constant 1 : i32
      %sub3A_95 = arith.subi %div3A, %sub3A : i32
      %select_n3A_96 = arith.select %and3A, %sub3A_95, %div3A : i32
      %jit3A_97 = arith.constant 8 : i32
      %eq3A_98 = arith.constant 0 : i32
      %eq3A_99 = arith.cmpi eq, %jit3A_97, %eq3A_98 : i32
      %jit3A_100 = arith.constant 1 : i32
      %select_n3A_101 = arith.select %eq3A_99, %jit3A_100, %jit3A_97 : i32
      %rem3A_102 = arith.remsi %scan3A_77, %select_n3A_101 : i32
      %ne3A_103 = arith.constant 0 : i32
      %ne3A_104 = arith.cmpi ne, %rem3A_102, %ne3A_103 : i32
      %lt3A = arith.constant 0 : i32
      %lt3A_105 = arith.cmpi slt, %rem3A_102, %lt3A : i32
      %lt3A_106 = arith.constant 0 : i32
      %lt3A_107 = arith.cmpi slt, %select_n3A_101, %lt3A_106 : i32
      %ne3A_108 = arith.xori %lt3A_105, %lt3A_107 : i1
      %and3A_109 = arith.andi %ne3A_108, %ne3A_104 : i1
      %add3A_110 = arith.addi %rem3A_102, %select_n3A_101 : i32
      %select_n3A_111 = arith.select %and3A_109, %add3A_110, %rem3A_102 : i32
      %mul3A_112 = arith.constant 16 : i32
      %mul3A_113 = arith.muli %select_n3A_111, %mul3A_112 : i32
      %swap3A = arith.index_cast %select_n3A_96 : i32 to index
      %swap3A_114 = arith.index_cast %mul3A_113 : i32 to index
      %swap3A_115 = tpu.vector_load %arg8[%swap3A, %swap3A_114] {strides = array<i32>} : memref<128x128xf32, #tpu.memory_space<vmem>>, vector<1x16xf32>,
      %swap3A_116 = vector.shape_cast %swap3A_115 : vector<1x16xf32> to vector<16xf32>
      %swap3A_117 = vector.shape_cast %broadcast_in_dim3A_1 : vector<16xf32> to vector<1x16xf32>
      tpu.vector_store %arg8[%swap3A, %swap3A_114], %swap3A_117 {strides = array<i32>} : memref<128x128xf32, #tpu.memory_space<vmem>>, vector<1x16xf32>,
      %scan3A_118 = arith.constant 0 : i32
      scf.yield %scan3A_118 : i32
    }
    %scan3A_7 = arith.constant 1024 : i32
    %scan3A_8 = arith.constant 0 : i32
    %scan3A_9 = arith.constant 0 : i32
    %scan3A_10 = arith.constant 5 : i32
    %scan3A_11 = arith.addi %scan3A_9, %scan3A_10 : i32
    %scan3A_12 = arith.constant 1 : i32
    %scan3A_13 = scf.for %scan3A_77 = %scan3A_9 to %scan3A_11 step %scan3A_12 iter_args(%scan3A_78 = %scan3A_8) -> (i32)  : i32 {
      %mul3A_79 = arith.constant 640 : i32
      %mul3A_80 = arith.muli %arg1, %mul3A_79 : i32
      %mul3A_81 = arith.constant 128 : i32
      %mul3A_82 = arith.muli %scan3A_77, %mul3A_81 : i32
      %add3A_83 = arith.addi %mul3A_80, %mul3A_82 : i32
      "tpu.region"() ({
        %run_scoped3A = tpu.sem_alloc : memref<!tpu.dma_semaphore, #tpu.memory_space<semaphore_mem>>
        %dma_start3A_85 = arith.constant 0 : i32
        %dma_start3A_86 = tpu.memref_slice %arg10[%add3A_83, %dma_start3A_85] : memref<10240x128xf32, #tpu.memory_space<vmem_shared>> -> memref<128x128xf32, #tpu.memory_space<vmem_shared>>
        %dma_start3A_87 = arith.constant 0 : i32
        %dma_start3A_88 = tpu.memref_slice %arg10[%add3A_83, %dma_start3A_87] : memref<10240x128xf32, #tpu.memory_space<vmem_shared>> -> memref<128x128xf32, #tpu.memory_space<vmem_shared>>
        tpu.enqueue_dma source(%arg8 : memref<128x128xf32, #tpu.memory_space<vmem>>) target(%dma_start3A_88 : memref<128x128xf32, #tpu.memory_space<vmem_shared>>) target_semaphore(%run_scoped3A : memref<!tpu.dma_semaphore, #tpu.memory_space<semaphore_mem>>)
        %dma_wait3A = arith.constant 0 : i32
        %dma_wait3A_89 = tpu.memref_slice %arg10[%add3A_83, %dma_wait3A] : memref<10240x128xf32, #tpu.memory_space<vmem_shared>> -> memref<128x128xf32, #tpu.memory_space<vmem_shared>>
        %dma_wait3A_90 = arith.constant 0 : i32
        %dma_wait3A_91 = tpu.memref_slice %arg10[%add3A_83, %dma_wait3A_90] : memref<10240x128xf32, #tpu.memory_space<vmem_shared>> -> memref<128x128xf32, #tpu.memory_space<vmem_shared>>
        tpu.wait_dma2 semaphore(%run_scoped3A : memref<!tpu.dma_semaphore, #tpu.memory_space<semaphore_mem>>) src(%arg8 : memref<128x128xf32, #tpu.memory_space<vmem>>) dst(%dma_wait3A_91 : memref<128x128xf32, #tpu.memory_space<vmem_shared>>)
        tpu.yield
      }) : () -> ()
      %scan3A_84 = arith.constant 0 : i32
      scf.yield %scan3A_84 : i32
    }
    %scan3A_14 = arith.constant 5 : i32
    %barrier3A = arith.constant 0 : index
    tpu.barrier barrier_id(%barrier3A)
    %eq3A = arith.constant 0 : i32
    %eq3A_15 = arith.cmpi eq, %arg0, %eq3A : i32
    %jit3A = arith.constant 28 : i32
    %jit3A_16 = arith.constant 12 : i32
    %select_n3A = arith.select %eq3A_15, %jit3A, %jit3A_16 : i32
    %mul3A_17 = arith.constant 160 : i32
    %mul3A_18 = arith.muli %arg1, %mul3A_17 : i32
    %jit3A_19 = arith.constant 0 : i32
    %jit3A_20 = arith.constant 112 : i32
    %select_n3A_21 = arith.select %eq3A_15, %jit3A_19, %jit3A_20 : i32
    %add3A_22 = arith.addi %mul3A_18, %select_n3A_21 : i32
    %convert_element_type3A = arith.extui %eq3A_15 : i1 to i32
    %cond3A = arith.constant 0 : i32
    %cond3A_23 = arith.cmpi ne, %convert_element_type3A, %cond3A : i32
    scf.if %cond3A_23 {
      %add3A_77 = arith.constant 0 : i32
      %add3A_78 = arith.addi %add3A_22, %add3A_77 : i32
      "tpu.region"() ({
        %run_scoped3A = tpu.sem_alloc : memref<!tpu.dma_semaphore, #tpu.memory_space<semaphore_mem>>
        %dma_start3A_81 = arith.constant 0 : i32
        %dma_start3A_82 = arith.constant 0 : i32
        %dma_start3A_83 = tpu.memref_slice %arg6[%dma_start3A_81, %dma_start3A_82] : memref<56x128xi32, #tpu.memory_space<vmem>> -> memref<56x128xi32, #tpu.memory_space<vmem>>
        %dma_start3A_84 = arith.constant 0 : i32
        %dma_start3A_85 = tpu.memref_slice %arg3[%add3A_78, %dma_start3A_84] : memref<2560x128xi32, #tpu.memory_space<hbm>> -> memref<56x128xi32, #tpu.memory_space<hbm>>
        %dma_start3A_86 = arith.constant 0 : i32
        %dma_start3A_87 = arith.constant 0 : i32
        %dma_start3A_88 = tpu.memref_slice %arg6[%dma_start3A_86, %dma_start3A_87] : memref<56x128xi32, #tpu.memory_space<vmem>> -> memref<56x128xi32, #tpu.memory_space<vmem>>
        %dma_start3A_89 = arith.constant 0 : i32
        %dma_start3A_90 = tpu.memref_slice %arg3[%add3A_78, %dma_start3A_89] : memref<2560x128xi32, #tpu.memory_space<hbm>> -> memref<56x128xi32, #tpu.memory_space<hbm>>
        tpu.enqueue_dma source(%dma_start3A_90 : memref<56x128xi32, #tpu.memory_space<hbm>>) target(%dma_start3A_88 : memref<56x128xi32, #tpu.memory_space<vmem>>) target_semaphore(%run_scoped3A : memref<!tpu.dma_semaphore, #tpu.memory_space<semaphore_mem>>)
        %dma_wait3A = arith.constant 0 : i32
        %dma_wait3A_91 = arith.constant 0 : i32
        %dma_wait3A_92 = tpu.memref_slice %arg6[%dma_wait3A, %dma_wait3A_91] : memref<56x128xi32, #tpu.memory_space<vmem>> -> memref<56x128xi32, #tpu.memory_space<vmem>>
        %dma_wait3A_93 = arith.constant 0 : i32
        %dma_wait3A_94 = tpu.memref_slice %arg3[%add3A_78, %dma_wait3A_93] : memref<2560x128xi32, #tpu.memory_space<hbm>> -> memref<56x128xi32, #tpu.memory_space<hbm>>
        %dma_wait3A_95 = arith.constant 0 : i32
        %dma_wait3A_96 = arith.constant 0 : i32
        %dma_wait3A_97 = tpu.memref_slice %arg6[%dma_wait3A_95, %dma_wait3A_96] : memref<56x128xi32, #tpu.memory_space<vmem>> -> memref<56x128xi32, #tpu.memory_space<vmem>>
        %dma_wait3A_98 = arith.constant 0 : i32
        %dma_wait3A_99 = tpu.memref_slice %arg3[%add3A_78, %dma_wait3A_98] : memref<2560x128xi32, #tpu.memory_space<hbm>> -> memref<56x128xi32, #tpu.memory_space<hbm>>
        tpu.wait_dma2 semaphore(%run_scoped3A : memref<!tpu.dma_semaphore, #tpu.memory_space<semaphore_mem>>) src(%dma_wait3A_99 : memref<56x128xi32, #tpu.memory_space<hbm>>) dst(%dma_wait3A_97 : memref<56x128xi32, #tpu.memory_space<vmem>>)
        tpu.yield
      }) : () -> ()
      %add3A_79 = arith.constant 0 : i32
      %add3A_80 = arith.addi %add3A_22, %add3A_79 : i32
      "tpu.region"() ({
        %run_scoped3A = tpu.sem_alloc : memref<!tpu.dma_semaphore, #tpu.memory_space<semaphore_mem>>
        %dma_start3A_81 = arith.constant 0 : i32
        %dma_start3A_82 = arith.constant 0 : i32
        %dma_start3A_83 = tpu.memref_slice %arg7[%dma_start3A_81, %dma_start3A_82] : memref<56x128xi32, #tpu.memory_space<vmem>> -> memref<56x128xi32, #tpu.memory_space<vmem>>
        %dma_start3A_84 = arith.constant 0 : i32
        %dma_start3A_85 = tpu.memref_slice %arg4[%add3A_80, %dma_start3A_84] : memref<2560x128xi32, #tpu.memory_space<hbm>> -> memref<56x128xi32, #tpu.memory_space<hbm>>
        %dma_start3A_86 = arith.constant 0 : i32
        %dma_start3A_87 = arith.constant 0 : i32
        %dma_start3A_88 = tpu.memref_slice %arg7[%dma_start3A_86, %dma_start3A_87] : memref<56x128xi32, #tpu.memory_space<vmem>> -> memref<56x128xi32, #tpu.memory_space<vmem>>
        %dma_start3A_89 = arith.constant 0 : i32
        %dma_start3A_90 = tpu.memref_slice %arg4[%add3A_80, %dma_start3A_89] : memref<2560x128xi32, #tpu.memory_space<hbm>> -> memref<56x128xi32, #tpu.memory_space<hbm>>
        tpu.enqueue_dma source(%dma_start3A_90 : memref<56x128xi32, #tpu.memory_space<hbm>>) target(%dma_start3A_88 : memref<56x128xi32, #tpu.memory_space<vmem>>) target_semaphore(%run_scoped3A : memref<!tpu.dma_semaphore, #tpu.memory_space<semaphore_mem>>)
        %dma_wait3A = arith.constant 0 : i32
        %dma_wait3A_91 = arith.constant 0 : i32
        %dma_wait3A_92 = tpu.memref_slice %arg7[%dma_wait3A, %dma_wait3A_91] : memref<56x128xi32, #tpu.memory_space<vmem>> -> memref<56x128xi32, #tpu.memory_space<vmem>>
        %dma_wait3A_93 = arith.constant 0 : i32
        %dma_wait3A_94 = tpu.memref_slice %arg4[%add3A_80, %dma_wait3A_93] : memref<2560x128xi32, #tpu.memory_space<hbm>> -> memref<56x128xi32, #tpu.memory_space<hbm>>
        %dma_wait3A_95 = arith.constant 0 : i32
        %dma_wait3A_96 = arith.constant 0 : i32
        %dma_wait3A_97 = tpu.memref_slice %arg7[%dma_wait3A_95, %dma_wait3A_96] : memref<56x128xi32, #tpu.memory_space<vmem>> -> memref<56x128xi32, #tpu.memory_space<vmem>>
        %dma_wait3A_98 = arith.constant 0 : i32
        %dma_wait3A_99 = tpu.memref_slice %arg4[%add3A_80, %dma_wait3A_98] : memref<2560x128xi32, #tpu.memory_space<hbm>> -> memref<56x128xi32, #tpu.memory_space<hbm>>
        tpu.wait_dma2 semaphore(%run_scoped3A : memref<!tpu.dma_semaphore, #tpu.memory_space<semaphore_mem>>) src(%dma_wait3A_99 : memref<56x128xi32, #tpu.memory_space<hbm>>) dst(%dma_wait3A_97 : memref<56x128xi32, #tpu.memory_space<vmem>>)
        tpu.yield
      }) : () -> ()
    } else {
    }
    %not3A = arith.constant true
    %not3A_24 = arith.xori %eq3A_15, %not3A : i1
    %convert_element_type3A_25 = arith.extui %not3A_24 : i1 to i32
    %cond3A_26 = arith.constant 0 : i32
    %cond3A_27 = arith.cmpi ne, %convert_element_type3A_25, %cond3A_26 : i32
    scf.if %cond3A_27 {
      %add3A_77 = arith.constant 0 : i32
      %add3A_78 = arith.addi %add3A_22, %add3A_77 : i32
      "tpu.region"() ({
        %run_scoped3A = tpu.sem_alloc : memref<!tpu.dma_semaphore, #tpu.memory_space<semaphore_mem>>
        %dma_start3A_81 = arith.constant 0 : i32
        %dma_start3A_82 = arith.constant 0 : i32
        %dma_start3A_83 = tpu.memref_slice %arg6[%dma_start3A_81, %dma_start3A_82] : memref<56x128xi32, #tpu.memory_space<vmem>> -> memref<24x128xi32, #tpu.memory_space<vmem>>
        %dma_start3A_84 = arith.constant 0 : i32
        %dma_start3A_85 = tpu.memref_slice %arg3[%add3A_78, %dma_start3A_84] : memref<2560x128xi32, #tpu.memory_space<hbm>> -> memref<24x128xi32, #tpu.memory_space<hbm>>
        %dma_start3A_86 = arith.constant 0 : i32
        %dma_start3A_87 = arith.constant 0 : i32
        %dma_start3A_88 = tpu.memref_slice %arg6[%dma_start3A_86, %dma_start3A_87] : memref<56x128xi32, #tpu.memory_space<vmem>> -> memref<24x128xi32, #tpu.memory_space<vmem>>
        %dma_start3A_89 = arith.constant 0 : i32
        %dma_start3A_90 = tpu.memref_slice %arg3[%add3A_78, %dma_start3A_89] : memref<2560x128xi32, #tpu.memory_space<hbm>> -> memref<24x128xi32, #tpu.memory_space<hbm>>
        tpu.enqueue_dma source(%dma_start3A_90 : memref<24x128xi32, #tpu.memory_space<hbm>>) target(%dma_start3A_88 : memref<24x128xi32, #tpu.memory_space<vmem>>) target_semaphore(%run_scoped3A : memref<!tpu.dma_semaphore, #tpu.memory_space<semaphore_mem>>)
        %dma_wait3A = arith.constant 0 : i32
        %dma_wait3A_91 = arith.constant 0 : i32
        %dma_wait3A_92 = tpu.memref_slice %arg6[%dma_wait3A, %dma_wait3A_91] : memref<56x128xi32, #tpu.memory_space<vmem>> -> memref<24x128xi32, #tpu.memory_space<vmem>>
        %dma_wait3A_93 = arith.constant 0 : i32
        %dma_wait3A_94 = tpu.memref_slice %arg3[%add3A_78, %dma_wait3A_93] : memref<2560x128xi32, #tpu.memory_space<hbm>> -> memref<24x128xi32, #tpu.memory_space<hbm>>
        %dma_wait3A_95 = arith.constant 0 : i32
        %dma_wait3A_96 = arith.constant 0 : i32
        %dma_wait3A_97 = tpu.memref_slice %arg6[%dma_wait3A_95, %dma_wait3A_96] : memref<56x128xi32, #tpu.memory_space<vmem>> -> memref<24x128xi32, #tpu.memory_space<vmem>>
        %dma_wait3A_98 = arith.constant 0 : i32
        %dma_wait3A_99 = tpu.memref_slice %arg3[%add3A_78, %dma_wait3A_98] : memref<2560x128xi32, #tpu.memory_space<hbm>> -> memref<24x128xi32, #tpu.memory_space<hbm>>
        tpu.wait_dma2 semaphore(%run_scoped3A : memref<!tpu.dma_semaphore, #tpu.memory_space<semaphore_mem>>) src(%dma_wait3A_99 : memref<24x128xi32, #tpu.memory_space<hbm>>) dst(%dma_wait3A_97 : memref<24x128xi32, #tpu.memory_space<vmem>>)
        tpu.yield
      }) : () -> ()
      %add3A_79 = arith.constant 0 : i32
      %add3A_80 = arith.addi %add3A_22, %add3A_79 : i32
      "tpu.region"() ({
        %run_scoped3A = tpu.sem_alloc : memref<!tpu.dma_semaphore, #tpu.memory_space<semaphore_mem>>
        %dma_start3A_81 = arith.constant 0 : i32
        %dma_start3A_82 = arith.constant 0 : i32
        %dma_start3A_83 = tpu.memref_slice %arg7[%dma_start3A_81, %dma_start3A_82] : memref<56x128xi32, #tpu.memory_space<vmem>> -> memref<24x128xi32, #tpu.memory_space<vmem>>
        %dma_start3A_84 = arith.constant 0 : i32
        %dma_start3A_85 = tpu.memref_slice %arg4[%add3A_80, %dma_start3A_84] : memref<2560x128xi32, #tpu.memory_space<hbm>> -> memref<24x128xi32, #tpu.memory_space<hbm>>
        %dma_start3A_86 = arith.constant 0 : i32
        %dma_start3A_87 = arith.constant 0 : i32
        %dma_start3A_88 = tpu.memref_slice %arg7[%dma_start3A_86, %dma_start3A_87] : memref<56x128xi32, #tpu.memory_space<vmem>> -> memref<24x128xi32, #tpu.memory_space<vmem>>
        %dma_start3A_89 = arith.constant 0 : i32
        %dma_start3A_90 = tpu.memref_slice %arg4[%add3A_80, %dma_start3A_89] : memref<2560x128xi32, #tpu.memory_space<hbm>> -> memref<24x128xi32, #tpu.memory_space<hbm>>
        tpu.enqueue_dma source(%dma_start3A_90 : memref<24x128xi32, #tpu.memory_space<hbm>>) target(%dma_start3A_88 : memref<24x128xi32, #tpu.memory_space<vmem>>) target_semaphore(%run_scoped3A : memref<!tpu.dma_semaphore, #tpu.memory_space<semaphore_mem>>)
        %dma_wait3A = arith.constant 0 : i32
        %dma_wait3A_91 = arith.constant 0 : i32
        %dma_wait3A_92 = tpu.memref_slice %arg7[%dma_wait3A, %dma_wait3A_91] : memref<56x128xi32, #tpu.memory_space<vmem>> -> memref<24x128xi32, #tpu.memory_space<vmem>>
        %dma_wait3A_93 = arith.constant 0 : i32
        %dma_wait3A_94 = tpu.memref_slice %arg4[%add3A_80, %dma_wait3A_93] : memref<2560x128xi32, #tpu.memory_space<hbm>> -> memref<24x128xi32, #tpu.memory_space<hbm>>
        %dma_wait3A_95 = arith.constant 0 : i32
        %dma_wait3A_96 = arith.constant 0 : i32
        %dma_wait3A_97 = tpu.memref_slice %arg7[%dma_wait3A_95, %dma_wait3A_96] : memref<56x128xi32, #tpu.memory_space<vmem>> -> memref<24x128xi32, #tpu.memory_space<vmem>>
        %dma_wait3A_98 = arith.constant 0 : i32
        %dma_wait3A_99 = tpu.memref_slice %arg4[%add3A_80, %dma_wait3A_98] : memref<2560x128xi32, #tpu.memory_space<hbm>> -> memref<24x128xi32, #tpu.memory_space<hbm>>
        tpu.wait_dma2 semaphore(%run_scoped3A : memref<!tpu.dma_semaphore, #tpu.memory_space<semaphore_mem>>) src(%dma_wait3A_99 : memref<24x128xi32, #tpu.memory_space<hbm>>) dst(%dma_wait3A_97 : memref<24x128xi32, #tpu.memory_space<vmem>>)
        tpu.yield
      }) : () -> ()
    } else {
    }
    %dma_start3A = arith.constant 0 : i32
    %dma_start3A_28 = arith.constant 0 : i32
    %dma_start3A_29 = tpu.memref_slice %arg6[%dma_start3A, %dma_start3A_28] : memref<56x128xi32, #tpu.memory_space<vmem>> -> memref<1x128xi32, #tpu.memory_space<vmem>>
    %dma_start3A_30 = tpu.memref_squeeze %dma_start3A_29 : memref<1x128xi32, #tpu.memory_space<vmem>> -> memref<128xi32, #tpu.memory_space<vmem>>
    %dma_start3A_31 = arith.constant 0 : i32
    %dma_start3A_32 = arith.constant 0 : i32
    %dma_start3A_33 = tpu.memref_slice %arg2[%dma_start3A_31, %dma_start3A_32] : memref<10000x128xf32, #tpu.memory_space<hbm>> -> memref<10000x128xf32, #tpu.memory_space<hbm>>
    tpu.enqueue_indirect_dma source(%dma_start3A_33 : memref<10000x128xf32, #tpu.memory_space<hbm>>) target(%arg8 : memref<128x128xf32, #tpu.memory_space<vmem>>) offsets(%dma_start3A_30 : memref<128xi32, #tpu.memory_space<vmem>>) semaphore(%arg11 : memref<!tpu.dma_semaphore, #tpu.memory_space<semaphore_mem>>)
    %while3A = arith.constant 0 : i32
    %while3A_34 = arith.constant 0 : i32
    %while3A_35 = arith.subi %select_n3A, %while3A : i32
    %while3A_36 = arith.addi %while3A, %while3A_35 : i32
    %while3A_37 = arith.constant 1 : i32
    %while3A_38 = arith.divsi %while3A_35, %while3A_37 : i32
    %while3A_39 = arith.muli %while3A_38, %while3A_37 : i32
    %while3A_40 = arith.addi %while3A, %while3A_39 : i32
    %while3A_41 = arith.constant 1 : i32
    %while3A_42 = scf.for %while3A_77 = %while3A to %while3A_40 step %while3A_41 iter_args(%while3A_78 = %while3A_34) -> (i32)  : i32 {
      %mul3A_79 = arith.constant 2 : i32
      %mul3A_80 = arith.muli %while3A_77, %mul3A_79 : i32
      %add3A_81 = arith.constant 1 : i32
      %add3A_82 = arith.addi %mul3A_80, %add3A_81 : i32
      %dma_wait3A = arith.constant 0 : i32
      %dma_wait3A_83 = tpu.memref_slice %arg6[%mul3A_80, %dma_wait3A] : memref<56x128xi32, #tpu.memory_space<vmem>> -> memref<1x128xi32, #tpu.memory_space<vmem>>
      %dma_wait3A_84 = tpu.memref_squeeze %dma_wait3A_83 : memref<1x128xi32, #tpu.memory_space<vmem>> -> memref<128xi32, #tpu.memory_space<vmem>>
      %dma_wait3A_85 = arith.constant 0 : i32
      %dma_wait3A_86 = arith.constant 0 : i32
      %dma_wait3A_87 = tpu.memref_slice %arg2[%dma_wait3A_85, %dma_wait3A_86] : memref<10000x128xf32, #tpu.memory_space<hbm>> -> memref<10000x128xf32, #tpu.memory_space<hbm>>
      tpu.wait_indirect_dma semaphore(%arg11 : memref<!tpu.dma_semaphore, #tpu.memory_space<semaphore_mem>>) src(%dma_wait3A_87 : memref<10000x128xf32, #tpu.memory_space<hbm>>) dst(%arg8 : memref<128x128xf32, #tpu.memory_space<vmem>>)
      %dma_start3A_88 = arith.constant 0 : i32
      %dma_start3A_89 = tpu.memref_slice %arg6[%add3A_82, %dma_start3A_88] : memref<56x128xi32, #tpu.memory_space<vmem>> -> memref<1x128xi32, #tpu.memory_space<vmem>>
      %dma_start3A_90 = tpu.memref_squeeze %dma_start3A_89 : memref<1x128xi32, #tpu.memory_space<vmem>> -> memref<128xi32, #tpu.memory_space<vmem>>
      %dma_start3A_91 = arith.constant 0 : i32
      %dma_start3A_92 = arith.constant 0 : i32
      %dma_start3A_93 = tpu.memref_slice %arg2[%dma_start3A_91, %dma_start3A_92] : memref<10000x128xf32, #tpu.memory_space<hbm>> -> memref<10000x128xf32, #tpu.memory_space<hbm>>
      tpu.enqueue_indirect_dma source(%dma_start3A_93 : memref<10000x128xf32, #tpu.memory_space<hbm>>) target(%arg9 : memref<128x128xf32, #tpu.memory_space<vmem>>) offsets(%dma_start3A_90 : memref<128xi32, #tpu.memory_space<vmem>>) semaphore(%arg12 : memref<!tpu.dma_semaphore, #tpu.memory_space<semaphore_mem>>)
      "tpu.region"() ({
        %run_scoped3A = tpu.sem_alloc : memref<!tpu.dma_semaphore, #tpu.memory_space<semaphore_mem>>
        %dma_start3A_105 = arith.constant 0 : i32
        %dma_start3A_106 = tpu.memref_slice %arg7[%mul3A_80, %dma_start3A_105] : memref<56x128xi32, #tpu.memory_space<vmem>> -> memref<1x128xi32, #tpu.memory_space<vmem>>
        %dma_start3A_107 = tpu.memref_squeeze %dma_start3A_106 : memref<1x128xi32, #tpu.memory_space<vmem>> -> memref<128xi32, #tpu.memory_space<vmem>>
        %dma_start3A_108 = arith.constant 0 : i32
        %dma_start3A_109 = arith.constant 0 : i32
        %dma_start3A_110 = tpu.memref_slice %arg10[%dma_start3A_108, %dma_start3A_109] : memref<10240x128xf32, #tpu.memory_space<vmem_shared>> -> memref<10240x128xf32, #tpu.memory_space<vmem_shared>>
        tpu.enqueue_indirect_dma source(%arg8 : memref<128x128xf32, #tpu.memory_space<vmem>>) target(%dma_start3A_110 : memref<10240x128xf32, #tpu.memory_space<vmem_shared>>) offsets(%dma_start3A_107 : memref<128xi32, #tpu.memory_space<vmem>>) semaphore(%run_scoped3A : memref<!tpu.dma_semaphore, #tpu.memory_space<semaphore_mem>>) {add = true}
        %dma_wait3A_111 = arith.constant 0 : i32
        %dma_wait3A_112 = tpu.memref_slice %arg7[%mul3A_80, %dma_wait3A_111] : memref<56x128xi32, #tpu.memory_space<vmem>> -> memref<1x128xi32, #tpu.memory_space<vmem>>
        %dma_wait3A_113 = tpu.memref_squeeze %dma_wait3A_112 : memref<1x128xi32, #tpu.memory_space<vmem>> -> memref<128xi32, #tpu.memory_space<vmem>>
        %dma_wait3A_114 = arith.constant 0 : i32
        %dma_wait3A_115 = arith.constant 0 : i32
        %dma_wait3A_116 = tpu.memref_slice %arg10[%dma_wait3A_114, %dma_wait3A_115] : memref<10240x128xf32, #tpu.memory_space<vmem_shared>> -> memref<10240x128xf32, #tpu.memory_space<vmem_shared>>
        tpu.wait_indirect_dma semaphore(%run_scoped3A : memref<!tpu.dma_semaphore, #tpu.memory_space<semaphore_mem>>) src(%arg8 : memref<128x128xf32, #tpu.memory_space<vmem>>) dst(%dma_wait3A_116 : memref<10240x128xf32, #tpu.memory_space<vmem_shared>>)
        tpu.yield
      }) : () -> ()
      %dma_wait3A_94 = arith.constant 0 : i32
      %dma_wait3A_95 = tpu.memref_slice %arg6[%add3A_82, %dma_wait3A_94] : memref<56x128xi32, #tpu.memory_space<vmem>> -> memref<1x128xi32, #tpu.memory_space<vmem>>
      %dma_wait3A_96 = tpu.memref_squeeze %dma_wait3A_95 : memref<1x128xi32, #tpu.memory_space<vmem>> -> memref<128xi32, #tpu.memory_space<vmem>>
      %dma_wait3A_97 = arith.constant 0 : i32
      %dma_wait3A_98 = arith.constant 0 : i32
      %dma_wait3A_99 = tpu.memref_slice %arg2[%dma_wait3A_97, %dma_wait3A_98] : memref<10000x128xf32, #tpu.memory_space<hbm>> -> memref<10000x128xf32, #tpu.memory_space<hbm>>
      tpu.wait_indirect_dma semaphore(%arg12 : memref<!tpu.dma_semaphore, #tpu.memory_space<semaphore_mem>>) src(%dma_wait3A_99 : memref<10000x128xf32, #tpu.memory_space<hbm>>) dst(%arg9 : memref<128x128xf32, #tpu.memory_space<vmem>>)
      %sub3A = arith.constant 1 : i32
      %sub3A_100 = arith.subi %select_n3A, %sub3A : i32
      %lt3A = arith.cmpi slt, %while3A_77, %sub3A_100 : i32
      %convert_element_type3A_101 = arith.extui %lt3A : i1 to i32
      %cond3A_102 = arith.constant 0 : i32
      %cond3A_103 = arith.cmpi ne, %convert_element_type3A_101, %cond3A_102 : i32
      scf.if %cond3A_103 {
        %add3A_105 = arith.constant 2 : i32
        %add3A_106 = arith.addi %mul3A_80, %add3A_105 : i32
        %dma_start3A_107 = arith.constant 0 : i32
        %dma_start3A_108 = tpu.memref_slice %arg6[%add3A_106, %dma_start3A_107] : memref<56x128xi32, #tpu.memory_space<vmem>> -> memref<1x128xi32, #tpu.memory_space<vmem>>
        %dma_start3A_109 = tpu.memref_squeeze %dma_start3A_108 : memref<1x128xi32, #tpu.memory_space<vmem>> -> memref<128xi32, #tpu.memory_space<vmem>>
        %dma_start3A_110 = arith.constant 0 : i32
        %dma_start3A_111 = arith.constant 0 : i32
        %dma_start3A_112 = tpu.memref_slice %arg2[%dma_start3A_110, %dma_start3A_111] : memref<10000x128xf32, #tpu.memory_space<hbm>> -> memref<10000x128xf32, #tpu.memory_space<hbm>>
        tpu.enqueue_indirect_dma source(%dma_start3A_112 : memref<10000x128xf32, #tpu.memory_space<hbm>>) target(%arg8 : memref<128x128xf32, #tpu.memory_space<vmem>>) offsets(%dma_start3A_109 : memref<128xi32, #tpu.memory_space<vmem>>) semaphore(%arg11 : memref<!tpu.dma_semaphore, #tpu.memory_space<semaphore_mem>>)
      } else {
      }
      "tpu.region"() ({
        %run_scoped3A = tpu.sem_alloc : memref<!tpu.dma_semaphore, #tpu.memory_space<semaphore_mem>>
        %dma_start3A_105 = arith.constant 0 : i32
        %dma_start3A_106 = tpu.memref_slice %arg7[%add3A_82, %dma_start3A_105] : memref<56x128xi32, #tpu.memory_space<vmem>> -> memref<1x128xi32, #tpu.memory_space<vmem>>
        %dma_start3A_107 = tpu.memref_squeeze %dma_start3A_106 : memref<1x128xi32, #tpu.memory_space<vmem>> -> memref<128xi32, #tpu.memory_space<vmem>>
        %dma_start3A_108 = arith.constant 0 : i32
        %dma_start3A_109 = arith.constant 0 : i32
        %dma_start3A_110 = tpu.memref_slice %arg10[%dma_start3A_108, %dma_start3A_109] : memref<10240x128xf32, #tpu.memory_space<vmem_shared>> -> memref<10240x128xf32, #tpu.memory_space<vmem_shared>>
        tpu.enqueue_indirect_dma source(%arg9 : memref<128x128xf32, #tpu.memory_space<vmem>>) target(%dma_start3A_110 : memref<10240x128xf32, #tpu.memory_space<vmem_shared>>) offsets(%dma_start3A_107 : memref<128xi32, #tpu.memory_space<vmem>>) semaphore(%run_scoped3A : memref<!tpu.dma_semaphore, #tpu.memory_space<semaphore_mem>>) {add = true}
        %dma_wait3A_111 = arith.constant 0 : i32
        %dma_wait3A_112 = tpu.memref_slice %arg7[%add3A_82, %dma_wait3A_111] : memref<56x128xi32, #tpu.memory_space<vmem>> -> memref<1x128xi32, #tpu.memory_space<vmem>>
        %dma_wait3A_113 = tpu.memref_squeeze %dma_wait3A_112 : memref<1x128xi32, #tpu.memory_space<vmem>> -> memref<128xi32, #tpu.memory_space<vmem>>
        %dma_wait3A_114 = arith.constant 0 : i32
        %dma_wait3A_115 = arith.constant 0 : i32
        %dma_wait3A_116 = tpu.memref_slice %arg10[%dma_wait3A_114, %dma_wait3A_115] : memref<10240x128xf32, #tpu.memory_space<vmem_shared>> -> memref<10240x128xf32, #tpu.memory_space<vmem_shared>>
        tpu.wait_indirect_dma semaphore(%run_scoped3A : memref<!tpu.dma_semaphore, #tpu.memory_space<semaphore_mem>>) src(%arg9 : memref<128x128xf32, #tpu.memory_space<vmem>>) dst(%dma_wait3A_116 : memref<10240x128xf32, #tpu.memory_space<vmem_shared>>)
        tpu.yield
      }) : () -> ()
      %while3A_104 = arith.constant 0 : i32
      scf.yield %while3A_104 : i32
    }
    %while3A_43 = arith.constant 1 : i32
    %while3A_44 = scf.for %while3A_77 = %while3A_40 to %while3A_36 step %while3A_43 iter_args(%while3A_78 = %while3A_42) -> (i32)  : i32 {
      %mul3A_79 = arith.constant 2 : i32
      %mul3A_80 = arith.muli %while3A_77, %mul3A_79 : i32
      %add3A_81 = arith.constant 1 : i32
      %add3A_82 = arith.addi %mul3A_80, %add3A_81 : i32
      %dma_wait3A = arith.constant 0 : i32
      %dma_wait3A_83 = tpu.memref_slice %arg6[%mul3A_80, %dma_wait3A] : memref<56x128xi32, #tpu.memory_space<vmem>> -> memref<1x128xi32, #tpu.memory_space<vmem>>
      %dma_wait3A_84 = tpu.memref_squeeze %dma_wait3A_83 : memref<1x128xi32, #tpu.memory_space<vmem>> -> memref<128xi32, #tpu.memory_space<vmem>>
      %dma_wait3A_85 = arith.constant 0 : i32
      %dma_wait3A_86 = arith.constant 0 : i32
      %dma_wait3A_87 = tpu.memref_slice %arg2[%dma_wait3A_85, %dma_wait3A_86] : memref<10000x128xf32, #tpu.memory_space<hbm>> -> memref<10000x128xf32, #tpu.memory_space<hbm>>
      tpu.wait_indirect_dma semaphore(%arg11 : memref<!tpu.dma_semaphore, #tpu.memory_space<semaphore_mem>>) src(%dma_wait3A_87 : memref<10000x128xf32, #tpu.memory_space<hbm>>) dst(%arg8 : memref<128x128xf32, #tpu.memory_space<vmem>>)
      %dma_start3A_88 = arith.constant 0 : i32
      %dma_start3A_89 = tpu.memref_slice %arg6[%add3A_82, %dma_start3A_88] : memref<56x128xi32, #tpu.memory_space<vmem>> -> memref<1x128xi32, #tpu.memory_space<vmem>>
      %dma_start3A_90 = tpu.memref_squeeze %dma_start3A_89 : memref<1x128xi32, #tpu.memory_space<vmem>> -> memref<128xi32, #tpu.memory_space<vmem>>
      %dma_start3A_91 = arith.constant 0 : i32
      %dma_start3A_92 = arith.constant 0 : i32
      %dma_start3A_93 = tpu.memref_slice %arg2[%dma_start3A_91, %dma_start3A_92] : memref<10000x128xf32, #tpu.memory_space<hbm>> -> memref<10000x128xf32, #tpu.memory_space<hbm>>
      tpu.enqueue_indirect_dma source(%dma_start3A_93 : memref<10000x128xf32, #tpu.memory_space<hbm>>) target(%arg9 : memref<128x128xf32, #tpu.memory_space<vmem>>) offsets(%dma_start3A_90 : memref<128xi32, #tpu.memory_space<vmem>>) semaphore(%arg12 : memref<!tpu.dma_semaphore, #tpu.memory_space<semaphore_mem>>)
      "tpu.region"() ({
        %run_scoped3A = tpu.sem_alloc : memref<!tpu.dma_semaphore, #tpu.memory_space<semaphore_mem>>
        %dma_start3A_105 = arith.constant 0 : i32
        %dma_start3A_106 = tpu.memref_slice %arg7[%mul3A_80, %dma_start3A_105] : memref<56x128xi32, #tpu.memory_space<vmem>> -> memref<1x128xi32, #tpu.memory_space<vmem>>
        %dma_start3A_107 = tpu.memref_squeeze %dma_start3A_106 : memref<1x128xi32, #tpu.memory_space<vmem>> -> memref<128xi32, #tpu.memory_space<vmem>>
        %dma_start3A_108 = arith.constant 0 : i32
        %dma_start3A_109 = arith.constant 0 : i32
        %dma_start3A_110 = tpu.memref_slice %arg10[%dma_start3A_108, %dma_start3A_109] : memref<10240x128xf32, #tpu.memory_space<vmem_shared>> -> memref<10240x128xf32, #tpu.memory_space<vmem_shared>>
        tpu.enqueue_indirect_dma source(%arg8 : memref<128x128xf32, #tpu.memory_space<vmem>>) target(%dma_start3A_110 : memref<10240x128xf32, #tpu.memory_space<vmem_shared>>) offsets(%dma_start3A_107 : memref<128xi32, #tpu.memory_space<vmem>>) semaphore(%run_scoped3A : memref<!tpu.dma_semaphore, #tpu.memory_space<semaphore_mem>>) {add = true}
        %dma_wait3A_111 = arith.constant 0 : i32
        %dma_wait3A_112 = tpu.memref_slice %arg7[%mul3A_80, %dma_wait3A_111] : memref<56x128xi32, #tpu.memory_space<vmem>> -> memref<1x128xi32, #tpu.memory_space<vmem>>
        %dma_wait3A_113 = tpu.memref_squeeze %dma_wait3A_112 : memref<1x128xi32, #tpu.memory_space<vmem>> -> memref<128xi32, #tpu.memory_space<vmem>>
        %dma_wait3A_114 = arith.constant 0 : i32
        %dma_wait3A_115 = arith.constant 0 : i32
        %dma_wait3A_116 = tpu.memref_slice %arg10[%dma_wait3A_114, %dma_wait3A_115] : memref<10240x128xf32, #tpu.memory_space<vmem_shared>> -> memref<10240x128xf32, #tpu.memory_space<vmem_shared>>
        tpu.wait_indirect_dma semaphore(%run_scoped3A : memref<!tpu.dma_semaphore, #tpu.memory_space<semaphore_mem>>) src(%arg8 : memref<128x128xf32, #tpu.memory_space<vmem>>) dst(%dma_wait3A_116 : memref<10240x128xf32, #tpu.memory_space<vmem_shared>>)
        tpu.yield
      }) : () -> ()
      %dma_wait3A_94 = arith.constant 0 : i32
      %dma_wait3A_95 = tpu.memref_slice %arg6[%add3A_82, %dma_wait3A_94] : memref<56x128xi32, #tpu.memory_space<vmem>> -> memref<1x128xi32, #tpu.memory_space<vmem>>
      %dma_wait3A_96 = tpu.memref_squeeze %dma_wait3A_95 : memref<1x128xi32, #tpu.memory_space<vmem>> -> memref<128xi32, #tpu.memory_space<vmem>>
      %dma_wait3A_97 = arith.constant 0 : i32
      %dma_wait3A_98 = arith.constant 0 : i32
      %dma_wait3A_99 = tpu.memref_slice %arg2[%dma_wait3A_97, %dma_wait3A_98] : memref<10000x128xf32, #tpu.memory_space<hbm>> -> memref<10000x128xf32, #tpu.memory_space<hbm>>
      tpu.wait_indirect_dma semaphore(%arg12 : memref<!tpu.dma_semaphore, #tpu.memory_space<semaphore_mem>>) src(%dma_wait3A_99 : memref<10000x128xf32, #tpu.memory_space<hbm>>) dst(%arg9 : memref<128x128xf32, #tpu.memory_space<vmem>>)
      %sub3A = arith.constant 1 : i32
      %sub3A_100 = arith.subi %select_n3A, %sub3A : i32
      %lt3A = arith.cmpi slt, %while3A_77, %sub3A_100 : i32
      %convert_element_type3A_101 = arith.extui %lt3A : i1 to i32
      %cond3A_102 = arith.constant 0 : i32
      %cond3A_103 = arith.cmpi ne, %convert_element_type3A_101, %cond3A_102 : i32
      scf.if %cond3A_103 {
        %add3A_105 = arith.constant 2 : i32
        %add3A_106 = arith.addi %mul3A_80, %add3A_105 : i32
        %dma_start3A_107 = arith.constant 0 : i32
        %dma_start3A_108 = tpu.memref_slice %arg6[%add3A_106, %dma_start3A_107] : memref<56x128xi32, #tpu.memory_space<vmem>> -> memref<1x128xi32, #tpu.memory_space<vmem>>
        %dma_start3A_109 = tpu.memref_squeeze %dma_start3A_108 : memref<1x128xi32, #tpu.memory_space<vmem>> -> memref<128xi32, #tpu.memory_space<vmem>>
        %dma_start3A_110 = arith.constant 0 : i32
        %dma_start3A_111 = arith.constant 0 : i32
        %dma_start3A_112 = tpu.memref_slice %arg2[%dma_start3A_110, %dma_start3A_111] : memref<10000x128xf32, #tpu.memory_space<hbm>> -> memref<10000x128xf32, #tpu.memory_space<hbm>>
        tpu.enqueue_indirect_dma source(%dma_start3A_112 : memref<10000x128xf32, #tpu.memory_space<hbm>>) target(%arg8 : memref<128x128xf32, #tpu.memory_space<vmem>>) offsets(%dma_start3A_109 : memref<128xi32, #tpu.memory_space<vmem>>) semaphore(%arg11 : memref<!tpu.dma_semaphore, #tpu.memory_space<semaphore_mem>>)
      } else {
      }
      "tpu.region"() ({
        %run_scoped3A = tpu.sem_alloc : memref<!tpu.dma_semaphore, #tpu.memory_space<semaphore_mem>>
        %dma_start3A_105 = arith.constant 0 : i32
        %dma_start3A_106 = tpu.memref_slice %arg7[%add3A_82, %dma_start3A_105] : memref<56x128xi32, #tpu.memory_space<vmem>> -> memref<1x128xi32, #tpu.memory_space<vmem>>
        %dma_start3A_107 = tpu.memref_squeeze %dma_start3A_106 : memref<1x128xi32, #tpu.memory_space<vmem>> -> memref<128xi32, #tpu.memory_space<vmem>>
        %dma_start3A_108 = arith.constant 0 : i32
        %dma_start3A_109 = arith.constant 0 : i32
        %dma_start3A_110 = tpu.memref_slice %arg10[%dma_start3A_108, %dma_start3A_109] : memref<10240x128xf32, #tpu.memory_space<vmem_shared>> -> memref<10240x128xf32, #tpu.memory_space<vmem_shared>>
        tpu.enqueue_indirect_dma source(%arg9 : memref<128x128xf32, #tpu.memory_space<vmem>>) target(%dma_start3A_110 : memref<10240x128xf32, #tpu.memory_space<vmem_shared>>) offsets(%dma_start3A_107 : memref<128xi32, #tpu.memory_space<vmem>>) semaphore(%run_scoped3A : memref<!tpu.dma_semaphore, #tpu.memory_space<semaphore_mem>>) {add = true}
        %dma_wait3A_111 = arith.constant 0 : i32
        %dma_wait3A_112 = tpu.memref_slice %arg7[%add3A_82, %dma_wait3A_111] : memref<56x128xi32, #tpu.memory_space<vmem>> -> memref<1x128xi32, #tpu.memory_space<vmem>>
        %dma_wait3A_113 = tpu.memref_squeeze %dma_wait3A_112 : memref<1x128xi32, #tpu.memory_space<vmem>> -> memref<128xi32, #tpu.memory_space<vmem>>
        %dma_wait3A_114 = arith.constant 0 : i32
        %dma_wait3A_115 = arith.constant 0 : i32
        %dma_wait3A_116 = tpu.memref_slice %arg10[%dma_wait3A_114, %dma_wait3A_115] : memref<10240x128xf32, #tpu.memory_space<vmem_shared>> -> memref<10240x128xf32, #tpu.memory_space<vmem_shared>>
        tpu.wait_indirect_dma semaphore(%run_scoped3A : memref<!tpu.dma_semaphore, #tpu.memory_space<semaphore_mem>>) src(%arg9 : memref<128x128xf32, #tpu.memory_space<vmem>>) dst(%dma_wait3A_116 : memref<10240x128xf32, #tpu.memory_space<vmem_shared>>)
        tpu.yield
      }) : () -> ()
      %while3A_104 = arith.constant 0 : i32
      scf.yield %while3A_104 : i32
    }
    %convert_element_type3A_45 = arith.extui %eq3A_15 : i1 to i32
    %cond3A_46 = arith.constant 0 : i32
    %cond3A_47 = arith.cmpi ne, %convert_element_type3A_45, %cond3A_46 : i32
    scf.if %cond3A_47 {
      %add3A_77 = arith.constant 56 : i32
      %add3A_78 = arith.addi %add3A_22, %add3A_77 : i32
      "tpu.region"() ({
        %run_scoped3A = tpu.sem_alloc : memref<!tpu.dma_semaphore, #tpu.memory_space<semaphore_mem>>
        %dma_start3A_81 = arith.constant 0 : i32
        %dma_start3A_82 = arith.constant 0 : i32
        %dma_start3A_83 = tpu.memref_slice %arg6[%dma_start3A_81, %dma_start3A_82] : memref<56x128xi32, #tpu.memory_space<vmem>> -> memref<56x128xi32, #tpu.memory_space<vmem>>
        %dma_start3A_84 = arith.constant 0 : i32
        %dma_start3A_85 = tpu.memref_slice %arg3[%add3A_78, %dma_start3A_84] : memref<2560x128xi32, #tpu.memory_space<hbm>> -> memref<56x128xi32, #tpu.memory_space<hbm>>
        %dma_start3A_86 = arith.constant 0 : i32
        %dma_start3A_87 = arith.constant 0 : i32
        %dma_start3A_88 = tpu.memref_slice %arg6[%dma_start3A_86, %dma_start3A_87] : memref<56x128xi32, #tpu.memory_space<vmem>> -> memref<56x128xi32, #tpu.memory_space<vmem>>
        %dma_start3A_89 = arith.constant 0 : i32
        %dma_start3A_90 = tpu.memref_slice %arg3[%add3A_78, %dma_start3A_89] : memref<2560x128xi32, #tpu.memory_space<hbm>> -> memref<56x128xi32, #tpu.memory_space<hbm>>
        tpu.enqueue_dma source(%dma_start3A_90 : memref<56x128xi32, #tpu.memory_space<hbm>>) target(%dma_start3A_88 : memref<56x128xi32, #tpu.memory_space<vmem>>) target_semaphore(%run_scoped3A : memref<!tpu.dma_semaphore, #tpu.memory_space<semaphore_mem>>)
        %dma_wait3A = arith.constant 0 : i32
        %dma_wait3A_91 = arith.constant 0 : i32
        %dma_wait3A_92 = tpu.memref_slice %arg6[%dma_wait3A, %dma_wait3A_91] : memref<56x128xi32, #tpu.memory_space<vmem>> -> memref<56x128xi32, #tpu.memory_space<vmem>>
        %dma_wait3A_93 = arith.constant 0 : i32
        %dma_wait3A_94 = tpu.memref_slice %arg3[%add3A_78, %dma_wait3A_93] : memref<2560x128xi32, #tpu.memory_space<hbm>> -> memref<56x128xi32, #tpu.memory_space<hbm>>
        %dma_wait3A_95 = arith.constant 0 : i32
        %dma_wait3A_96 = arith.constant 0 : i32
        %dma_wait3A_97 = tpu.memref_slice %arg6[%dma_wait3A_95, %dma_wait3A_96] : memref<56x128xi32, #tpu.memory_space<vmem>> -> memref<56x128xi32, #tpu.memory_space<vmem>>
        %dma_wait3A_98 = arith.constant 0 : i32
        %dma_wait3A_99 = tpu.memref_slice %arg3[%add3A_78, %dma_wait3A_98] : memref<2560x128xi32, #tpu.memory_space<hbm>> -> memref<56x128xi32, #tpu.memory_space<hbm>>
        tpu.wait_dma2 semaphore(%run_scoped3A : memref<!tpu.dma_semaphore, #tpu.memory_space<semaphore_mem>>) src(%dma_wait3A_99 : memref<56x128xi32, #tpu.memory_space<hbm>>) dst(%dma_wait3A_97 : memref<56x128xi32, #tpu.memory_space<vmem>>)
        tpu.yield
      }) : () -> ()
      %add3A_79 = arith.constant 56 : i32
      %add3A_80 = arith.addi %add3A_22, %add3A_79 : i32
      "tpu.region"() ({
        %run_scoped3A = tpu.sem_alloc : memref<!tpu.dma_semaphore, #tpu.memory_space<semaphore_mem>>
        %dma_start3A_81 = arith.constant 0 : i32
        %dma_start3A_82 = arith.constant 0 : i32
        %dma_start3A_83 = tpu.memref_slice %arg7[%dma_start3A_81, %dma_start3A_82] : memref<56x128xi32, #tpu.memory_space<vmem>> -> memref<56x128xi32, #tpu.memory_space<vmem>>
        %dma_start3A_84 = arith.constant 0 : i32
        %dma_start3A_85 = tpu.memref_slice %arg4[%add3A_80, %dma_start3A_84] : memref<2560x128xi32, #tpu.memory_space<hbm>> -> memref<56x128xi32, #tpu.memory_space<hbm>>
        %dma_start3A_86 = arith.constant 0 : i32
        %dma_start3A_87 = arith.constant 0 : i32
        %dma_start3A_88 = tpu.memref_slice %arg7[%dma_start3A_86, %dma_start3A_87] : memref<56x128xi32, #tpu.memory_space<vmem>> -> memref<56x128xi32, #tpu.memory_space<vmem>>
        %dma_start3A_89 = arith.constant 0 : i32
        %dma_start3A_90 = tpu.memref_slice %arg4[%add3A_80, %dma_start3A_89] : memref<2560x128xi32, #tpu.memory_space<hbm>> -> memref<56x128xi32, #tpu.memory_space<hbm>>
        tpu.enqueue_dma source(%dma_start3A_90 : memref<56x128xi32, #tpu.memory_space<hbm>>) target(%dma_start3A_88 : memref<56x128xi32, #tpu.memory_space<vmem>>) target_semaphore(%run_scoped3A : memref<!tpu.dma_semaphore, #tpu.memory_space<semaphore_mem>>)
        %dma_wait3A = arith.constant 0 : i32
        %dma_wait3A_91 = arith.constant 0 : i32
        %dma_wait3A_92 = tpu.memref_slice %arg7[%dma_wait3A, %dma_wait3A_91] : memref<56x128xi32, #tpu.memory_space<vmem>> -> memref<56x128xi32, #tpu.memory_space<vmem>>
        %dma_wait3A_93 = arith.constant 0 : i32
        %dma_wait3A_94 = tpu.memref_slice %arg4[%add3A_80, %dma_wait3A_93] : memref<2560x128xi32, #tpu.memory_space<hbm>> -> memref<56x128xi32, #tpu.memory_space<hbm>>
        %dma_wait3A_95 = arith.constant 0 : i32
        %dma_wait3A_96 = arith.constant 0 : i32
        %dma_wait3A_97 = tpu.memref_slice %arg7[%dma_wait3A_95, %dma_wait3A_96] : memref<56x128xi32, #tpu.memory_space<vmem>> -> memref<56x128xi32, #tpu.memory_space<vmem>>
        %dma_wait3A_98 = arith.constant 0 : i32
        %dma_wait3A_99 = tpu.memref_slice %arg4[%add3A_80, %dma_wait3A_98] : memref<2560x128xi32, #tpu.memory_space<hbm>> -> memref<56x128xi32, #tpu.memory_space<hbm>>
        tpu.wait_dma2 semaphore(%run_scoped3A : memref<!tpu.dma_semaphore, #tpu.memory_space<semaphore_mem>>) src(%dma_wait3A_99 : memref<56x128xi32, #tpu.memory_space<hbm>>) dst(%dma_wait3A_97 : memref<56x128xi32, #tpu.memory_space<vmem>>)
        tpu.yield
      }) : () -> ()
    } else {
    }
    %not3A_48 = arith.constant true
    %not3A_49 = arith.xori %eq3A_15, %not3A_48 : i1
    %convert_element_type3A_50 = arith.extui %not3A_49 : i1 to i32
    %cond3A_51 = arith.constant 0 : i32
    %cond3A_52 = arith.cmpi ne, %convert_element_type3A_50, %cond3A_51 : i32
    scf.if %cond3A_52 {
      %add3A_77 = arith.constant 24 : i32
      %add3A_78 = arith.addi %add3A_22, %add3A_77 : i32
      "tpu.region"() ({
        %run_scoped3A = tpu.sem_alloc : memref<!tpu.dma_semaphore, #tpu.memory_space<semaphore_mem>>
        %dma_start3A_81 = arith.constant 0 : i32
        %dma_start3A_82 = arith.constant 0 : i32
        %dma_start3A_83 = tpu.memref_slice %arg6[%dma_start3A_81, %dma_start3A_82] : memref<56x128xi32, #tpu.memory_space<vmem>> -> memref<24x128xi32, #tpu.memory_space<vmem>>
        %dma_start3A_84 = arith.constant 0 : i32
        %dma_start3A_85 = tpu.memref_slice %arg3[%add3A_78, %dma_start3A_84] : memref<2560x128xi32, #tpu.memory_space<hbm>> -> memref<24x128xi32, #tpu.memory_space<hbm>>
        %dma_start3A_86 = arith.constant 0 : i32
        %dma_start3A_87 = arith.constant 0 : i32
        %dma_start3A_88 = tpu.memref_slice %arg6[%dma_start3A_86, %dma_start3A_87] : memref<56x128xi32, #tpu.memory_space<vmem>> -> memref<24x128xi32, #tpu.memory_space<vmem>>
        %dma_start3A_89 = arith.constant 0 : i32
        %dma_start3A_90 = tpu.memref_slice %arg3[%add3A_78, %dma_start3A_89] : memref<2560x128xi32, #tpu.memory_space<hbm>> -> memref<24x128xi32, #tpu.memory_space<hbm>>
        tpu.enqueue_dma source(%dma_start3A_90 : memref<24x128xi32, #tpu.memory_space<hbm>>) target(%dma_start3A_88 : memref<24x128xi32, #tpu.memory_space<vmem>>) target_semaphore(%run_scoped3A : memref<!tpu.dma_semaphore, #tpu.memory_space<semaphore_mem>>)
        %dma_wait3A = arith.constant 0 : i32
        %dma_wait3A_91 = arith.constant 0 : i32
        %dma_wait3A_92 = tpu.memref_slice %arg6[%dma_wait3A, %dma_wait3A_91] : memref<56x128xi32, #tpu.memory_space<vmem>> -> memref<24x128xi32, #tpu.memory_space<vmem>>
        %dma_wait3A_93 = arith.constant 0 : i32
        %dma_wait3A_94 = tpu.memref_slice %arg3[%add3A_78, %dma_wait3A_93] : memref<2560x128xi32, #tpu.memory_space<hbm>> -> memref<24x128xi32, #tpu.memory_space<hbm>>
        %dma_wait3A_95 = arith.constant 0 : i32
        %dma_wait3A_96 = arith.constant 0 : i32
        %dma_wait3A_97 = tpu.memref_slice %arg6[%dma_wait3A_95, %dma_wait3A_96] : memref<56x128xi32, #tpu.memory_space<vmem>> -> memref<24x128xi32, #tpu.memory_space<vmem>>
        %dma_wait3A_98 = arith.constant 0 : i32
        %dma_wait3A_99 = tpu.memref_slice %arg3[%add3A_78, %dma_wait3A_98] : memref<2560x128xi32, #tpu.memory_space<hbm>> -> memref<24x128xi32, #tpu.memory_space<hbm>>
        tpu.wait_dma2 semaphore(%run_scoped3A : memref<!tpu.dma_semaphore, #tpu.memory_space<semaphore_mem>>) src(%dma_wait3A_99 : memref<24x128xi32, #tpu.memory_space<hbm>>) dst(%dma_wait3A_97 : memref<24x128xi32, #tpu.memory_space<vmem>>)
        tpu.yield
      }) : () -> ()
      %add3A_79 = arith.constant 24 : i32
      %add3A_80 = arith.addi %add3A_22, %add3A_79 : i32
      "tpu.region"() ({
        %run_scoped3A = tpu.sem_alloc : memref<!tpu.dma_semaphore, #tpu.memory_space<semaphore_mem>>
        %dma_start3A_81 = arith.constant 0 : i32
        %dma_start3A_82 = arith.constant 0 : i32
        %dma_start3A_83 = tpu.memref_slice %arg7[%dma_start3A_81, %dma_start3A_82] : memref<56x128xi32, #tpu.memory_space<vmem>> -> memref<24x128xi32, #tpu.memory_space<vmem>>
        %dma_start3A_84 = arith.constant 0 : i32
        %dma_start3A_85 = tpu.memref_slice %arg4[%add3A_80, %dma_start3A_84] : memref<2560x128xi32, #tpu.memory_space<hbm>> -> memref<24x128xi32, #tpu.memory_space<hbm>>
        %dma_start3A_86 = arith.constant 0 : i32
        %dma_start3A_87 = arith.constant 0 : i32
        %dma_start3A_88 = tpu.memref_slice %arg7[%dma_start3A_86, %dma_start3A_87] : memref<56x128xi32, #tpu.memory_space<vmem>> -> memref<24x128xi32, #tpu.memory_space<vmem>>
        %dma_start3A_89 = arith.constant 0 : i32
        %dma_start3A_90 = tpu.memref_slice %arg4[%add3A_80, %dma_start3A_89] : memref<2560x128xi32, #tpu.memory_space<hbm>> -> memref<24x128xi32, #tpu.memory_space<hbm>>
        tpu.enqueue_dma source(%dma_start3A_90 : memref<24x128xi32, #tpu.memory_space<hbm>>) target(%dma_start3A_88 : memref<24x128xi32, #tpu.memory_space<vmem>>) target_semaphore(%run_scoped3A : memref<!tpu.dma_semaphore, #tpu.memory_space<semaphore_mem>>)
        %dma_wait3A = arith.constant 0 : i32
        %dma_wait3A_91 = arith.constant 0 : i32
        %dma_wait3A_92 = tpu.memref_slice %arg7[%dma_wait3A, %dma_wait3A_91] : memref<56x128xi32, #tpu.memory_space<vmem>> -> memref<24x128xi32, #tpu.memory_space<vmem>>
        %dma_wait3A_93 = arith.constant 0 : i32
        %dma_wait3A_94 = tpu.memref_slice %arg4[%add3A_80, %dma_wait3A_93] : memref<2560x128xi32, #tpu.memory_space<hbm>> -> memref<24x128xi32, #tpu.memory_space<hbm>>
        %dma_wait3A_95 = arith.constant 0 : i32
        %dma_wait3A_96 = arith.constant 0 : i32
        %dma_wait3A_97 = tpu.memref_slice %arg7[%dma_wait3A_95, %dma_wait3A_96] : memref<56x128xi32, #tpu.memory_space<vmem>> -> memref<24x128xi32, #tpu.memory_space<vmem>>
        %dma_wait3A_98 = arith.constant 0 : i32
        %dma_wait3A_99 = tpu.memref_slice %arg4[%add3A_80, %dma_wait3A_98] : memref<2560x128xi32, #tpu.memory_space<hbm>> -> memref<24x128xi32, #tpu.memory_space<hbm>>
        tpu.wait_dma2 semaphore(%run_scoped3A : memref<!tpu.dma_semaphore, #tpu.memory_space<semaphore_mem>>) src(%dma_wait3A_99 : memref<24x128xi32, #tpu.memory_space<hbm>>) dst(%dma_wait3A_97 : memref<24x128xi32, #tpu.memory_space<vmem>>)
        tpu.yield
      }) : () -> ()
    } else {
    }
    %dma_start3A_53 = arith.constant 0 : i32
    %dma_start3A_54 = arith.constant 0 : i32
    %dma_start3A_55 = tpu.memref_slice %arg6[%dma_start3A_53, %dma_start3A_54] : memref<56x128xi32, #tpu.memory_space<vmem>> -> memref<1x128xi32, #tpu.memory_space<vmem>>
    %dma_start3A_56 = tpu.memref_squeeze %dma_start3A_55 : memref<1x128xi32, #tpu.memory_space<vmem>> -> memref<128xi32, #tpu.memory_space<vmem>>
    %dma_start3A_57 = arith.constant 0 : i32
    %dma_start3A_58 = arith.constant 0 : i32
    %dma_start3A_59 = tpu.memref_slice %arg2[%dma_start3A_57, %dma_start3A_58] : memref<10000x128xf32, #tpu.memory_space<hbm>> -> memref<10000x128xf32, #tpu.memory_space<hbm>>
    tpu.enqueue_indirect_dma source(%dma_start3A_59 : memref<10000x128xf32, #tpu.memory_space<hbm>>) target(%arg8 : memref<128x128xf32, #tpu.memory_space<vmem>>) offsets(%dma_start3A_56 : memref<128xi32, #tpu.memory_space<vmem>>) semaphore(%arg11 : memref<!tpu.dma_semaphore, #tpu.memory_space<semaphore_mem>>)
    %while3A_60 = arith.constant 0 : i32
    %while3A_61 = arith.constant 0 : i32
    %while3A_62 = arith.subi %select_n3A, %while3A_60 : i32
    %while3A_63 = arith.addi %while3A_60, %while3A_62 : i32
    %while3A_64 = arith.constant 1 : i32
    %while3A_65 = arith.divsi %while3A_62, %while3A_64 : i32
    %while3A_66 = arith.muli %while3A_65, %while3A_64 : i32
    %while3A_67 = arith.addi %while3A_60, %while3A_66 : i32
    %while3A_68 = arith.constant 1 : i32
    %while3A_69 = scf.for %while3A_77 = %while3A_60 to %while3A_67 step %while3A_68 iter_args(%while3A_78 = %while3A_61) -> (i32)  : i32 {
      %mul3A_79 = arith.constant 2 : i32
      %mul3A_80 = arith.muli %while3A_77, %mul3A_79 : i32
      %add3A_81 = arith.constant 1 : i32
      %add3A_82 = arith.addi %mul3A_80, %add3A_81 : i32
      %dma_wait3A = arith.constant 0 : i32
      %dma_wait3A_83 = tpu.memref_slice %arg6[%mul3A_80, %dma_wait3A] : memref<56x128xi32, #tpu.memory_space<vmem>> -> memref<1x128xi32, #tpu.memory_space<vmem>>
      %dma_wait3A_84 = tpu.memref_squeeze %dma_wait3A_83 : memref<1x128xi32, #tpu.memory_space<vmem>> -> memref<128xi32, #tpu.memory_space<vmem>>
      %dma_wait3A_85 = arith.constant 0 : i32
      %dma_wait3A_86 = arith.constant 0 : i32
      %dma_wait3A_87 = tpu.memref_slice %arg2[%dma_wait3A_85, %dma_wait3A_86] : memref<10000x128xf32, #tpu.memory_space<hbm>> -> memref<10000x128xf32, #tpu.memory_space<hbm>>
      tpu.wait_indirect_dma semaphore(%arg11 : memref<!tpu.dma_semaphore, #tpu.memory_space<semaphore_mem>>) src(%dma_wait3A_87 : memref<10000x128xf32, #tpu.memory_space<hbm>>) dst(%arg8 : memref<128x128xf32, #tpu.memory_space<vmem>>)
      %dma_start3A_88 = arith.constant 0 : i32
      %dma_start3A_89 = tpu.memref_slice %arg6[%add3A_82, %dma_start3A_88] : memref<56x128xi32, #tpu.memory_space<vmem>> -> memref<1x128xi32, #tpu.memory_space<vmem>>
      %dma_start3A_90 = tpu.memref_squeeze %dma_start3A_89 : memref<1x128xi32, #tpu.memory_space<vmem>> -> memref<128xi32, #tpu.memory_space<vmem>>
      %dma_start3A_91 = arith.constant 0 : i32
      %dma_start3A_92 = arith.constant 0 : i32
      %dma_start3A_93 = tpu.memref_slice %arg2[%dma_start3A_91, %dma_start3A_92] : memref<10000x128xf32, #tpu.memory_space<hbm>> -> memref<10000x128xf32, #tpu.memory_space<hbm>>
      tpu.enqueue_indirect_dma source(%dma_start3A_93 : memref<10000x128xf32, #tpu.memory_space<hbm>>) target(%arg9 : memref<128x128xf32, #tpu.memory_space<vmem>>) offsets(%dma_start3A_90 : memref<128xi32, #tpu.memory_space<vmem>>) semaphore(%arg12 : memref<!tpu.dma_semaphore, #tpu.memory_space<semaphore_mem>>)
      "tpu.region"() ({
        %run_scoped3A = tpu.sem_alloc : memref<!tpu.dma_semaphore, #tpu.memory_space<semaphore_mem>>
        %dma_start3A_105 = arith.constant 0 : i32
        %dma_start3A_106 = tpu.memref_slice %arg7[%mul3A_80, %dma_start3A_105] : memref<56x128xi32, #tpu.memory_space<vmem>> -> memref<1x128xi32, #tpu.memory_space<vmem>>
        %dma_start3A_107 = tpu.memref_squeeze %dma_start3A_106 : memref<1x128xi32, #tpu.memory_space<vmem>> -> memref<128xi32, #tpu.memory_space<vmem>>
        %dma_start3A_108 = arith.constant 0 : i32
        %dma_start3A_109 = arith.constant 0 : i32
        %dma_start3A_110 = tpu.memref_slice %arg10[%dma_start3A_108, %dma_start3A_109] : memref<10240x128xf32, #tpu.memory_space<vmem_shared>> -> memref<10240x128xf32, #tpu.memory_space<vmem_shared>>
        tpu.enqueue_indirect_dma source(%arg8 : memref<128x128xf32, #tpu.memory_space<vmem>>) target(%dma_start3A_110 : memref<10240x128xf32, #tpu.memory_space<vmem_shared>>) offsets(%dma_start3A_107 : memref<128xi32, #tpu.memory_space<vmem>>) semaphore(%run_scoped3A : memref<!tpu.dma_semaphore, #tpu.memory_space<semaphore_mem>>) {add = true}
        %dma_wait3A_111 = arith.constant 0 : i32
        %dma_wait3A_112 = tpu.memref_slice %arg7[%mul3A_80, %dma_wait3A_111] : memref<56x128xi32, #tpu.memory_space<vmem>> -> memref<1x128xi32, #tpu.memory_space<vmem>>
        %dma_wait3A_113 = tpu.memref_squeeze %dma_wait3A_112 : memref<1x128xi32, #tpu.memory_space<vmem>> -> memref<128xi32, #tpu.memory_space<vmem>>
        %dma_wait3A_114 = arith.constant 0 : i32
        %dma_wait3A_115 = arith.constant 0 : i32
        %dma_wait3A_116 = tpu.memref_slice %arg10[%dma_wait3A_114, %dma_wait3A_115] : memref<10240x128xf32, #tpu.memory_space<vmem_shared>> -> memref<10240x128xf32, #tpu.memory_space<vmem_shared>>
        tpu.wait_indirect_dma semaphore(%run_scoped3A : memref<!tpu.dma_semaphore, #tpu.memory_space<semaphore_mem>>) src(%arg8 : memref<128x128xf32, #tpu.memory_space<vmem>>) dst(%dma_wait3A_116 : memref<10240x128xf32, #tpu.memory_space<vmem_shared>>)
        tpu.yield
      }) : () -> ()
      %dma_wait3A_94 = arith.constant 0 : i32
      %dma_wait3A_95 = tpu.memref_slice %arg6[%add3A_82, %dma_wait3A_94] : memref<56x128xi32, #tpu.memory_space<vmem>> -> memref<1x128xi32, #tpu.memory_space<vmem>>
      %dma_wait3A_96 = tpu.memref_squeeze %dma_wait3A_95 : memref<1x128xi32, #tpu.memory_space<vmem>> -> memref<128xi32, #tpu.memory_space<vmem>>
      %dma_wait3A_97 = arith.constant 0 : i32
      %dma_wait3A_98 = arith.constant 0 : i32
      %dma_wait3A_99 = tpu.memref_slice %arg2[%dma_wait3A_97, %dma_wait3A_98] : memref<10000x128xf32, #tpu.memory_space<hbm>> -> memref<10000x128xf32, #tpu.memory_space<hbm>>
      tpu.wait_indirect_dma semaphore(%arg12 : memref<!tpu.dma_semaphore, #tpu.memory_space<semaphore_mem>>) src(%dma_wait3A_99 : memref<10000x128xf32, #tpu.memory_space<hbm>>) dst(%arg9 : memref<128x128xf32, #tpu.memory_space<vmem>>)
      %sub3A = arith.constant 1 : i32
      %sub3A_100 = arith.subi %select_n3A, %sub3A : i32
      %lt3A = arith.cmpi slt, %while3A_77, %sub3A_100 : i32
      %convert_element_type3A_101 = arith.extui %lt3A : i1 to i32
      %cond3A_102 = arith.constant 0 : i32
      %cond3A_103 = arith.cmpi ne, %convert_element_type3A_101, %cond3A_102 : i32
      scf.if %cond3A_103 {
        %add3A_105 = arith.constant 2 : i32
        %add3A_106 = arith.addi %mul3A_80, %add3A_105 : i32
        %dma_start3A_107 = arith.constant 0 : i32
        %dma_start3A_108 = tpu.memref_slice %arg6[%add3A_106, %dma_start3A_107] : memref<56x128xi32, #tpu.memory_space<vmem>> -> memref<1x128xi32, #tpu.memory_space<vmem>>
        %dma_start3A_109 = tpu.memref_squeeze %dma_start3A_108 : memref<1x128xi32, #tpu.memory_space<vmem>> -> memref<128xi32, #tpu.memory_space<vmem>>
        %dma_start3A_110 = arith.constant 0 : i32
        %dma_start3A_111 = arith.constant 0 : i32
        %dma_start3A_112 = tpu.memref_slice %arg2[%dma_start3A_110, %dma_start3A_111] : memref<10000x128xf32, #tpu.memory_space<hbm>> -> memref<10000x128xf32, #tpu.memory_space<hbm>>
        tpu.enqueue_indirect_dma source(%dma_start3A_112 : memref<10000x128xf32, #tpu.memory_space<hbm>>) target(%arg8 : memref<128x128xf32, #tpu.memory_space<vmem>>) offsets(%dma_start3A_109 : memref<128xi32, #tpu.memory_space<vmem>>) semaphore(%arg11 : memref<!tpu.dma_semaphore, #tpu.memory_space<semaphore_mem>>)
      } else {
      }
      "tpu.region"() ({
        %run_scoped3A = tpu.sem_alloc : memref<!tpu.dma_semaphore, #tpu.memory_space<semaphore_mem>>
        %dma_start3A_105 = arith.constant 0 : i32
        %dma_start3A_106 = tpu.memref_slice %arg7[%add3A_82, %dma_start3A_105] : memref<56x128xi32, #tpu.memory_space<vmem>> -> memref<1x128xi32, #tpu.memory_space<vmem>>
        %dma_start3A_107 = tpu.memref_squeeze %dma_start3A_106 : memref<1x128xi32, #tpu.memory_space<vmem>> -> memref<128xi32, #tpu.memory_space<vmem>>
        %dma_start3A_108 = arith.constant 0 : i32
        %dma_start3A_109 = arith.constant 0 : i32
        %dma_start3A_110 = tpu.memref_slice %arg10[%dma_start3A_108, %dma_start3A_109] : memref<10240x128xf32, #tpu.memory_space<vmem_shared>> -> memref<10240x128xf32, #tpu.memory_space<vmem_shared>>
        tpu.enqueue_indirect_dma source(%arg9 : memref<128x128xf32, #tpu.memory_space<vmem>>) target(%dma_start3A_110 : memref<10240x128xf32, #tpu.memory_space<vmem_shared>>) offsets(%dma_start3A_107 : memref<128xi32, #tpu.memory_space<vmem>>) semaphore(%run_scoped3A : memref<!tpu.dma_semaphore, #tpu.memory_space<semaphore_mem>>) {add = true}
        %dma_wait3A_111 = arith.constant 0 : i32
        %dma_wait3A_112 = tpu.memref_slice %arg7[%add3A_82, %dma_wait3A_111] : memref<56x128xi32, #tpu.memory_space<vmem>> -> memref<1x128xi32, #tpu.memory_space<vmem>>
        %dma_wait3A_113 = tpu.memref_squeeze %dma_wait3A_112 : memref<1x128xi32, #tpu.memory_space<vmem>> -> memref<128xi32, #tpu.memory_space<vmem>>
        %dma_wait3A_114 = arith.constant 0 : i32
        %dma_wait3A_115 = arith.constant 0 : i32
        %dma_wait3A_116 = tpu.memref_slice %arg10[%dma_wait3A_114, %dma_wait3A_115] : memref<10240x128xf32, #tpu.memory_space<vmem_shared>> -> memref<10240x128xf32, #tpu.memory_space<vmem_shared>>
        tpu.wait_indirect_dma semaphore(%run_scoped3A : memref<!tpu.dma_semaphore, #tpu.memory_space<semaphore_mem>>) src(%arg9 : memref<128x128xf32, #tpu.memory_space<vmem>>) dst(%dma_wait3A_116 : memref<10240x128xf32, #tpu.memory_space<vmem_shared>>)
        tpu.yield
      }) : () -> ()
      %while3A_104 = arith.constant 0 : i32
      scf.yield %while3A_104 : i32
    }
    %while3A_70 = arith.constant 1 : i32
    %while3A_71 = scf.for %while3A_77 = %while3A_67 to %while3A_63 step %while3A_70 iter_args(%while3A_78 = %while3A_69) -> (i32)  : i32 {
      %mul3A_79 = arith.constant 2 : i32
      %mul3A_80 = arith.muli %while3A_77, %mul3A_79 : i32
      %add3A_81 = arith.constant 1 : i32
      %add3A_82 = arith.addi %mul3A_80, %add3A_81 : i32
      %dma_wait3A = arith.constant 0 : i32
      %dma_wait3A_83 = tpu.memref_slice %arg6[%mul3A_80, %dma_wait3A] : memref<56x128xi32, #tpu.memory_space<vmem>> -> memref<1x128xi32, #tpu.memory_space<vmem>>
      %dma_wait3A_84 = tpu.memref_squeeze %dma_wait3A_83 : memref<1x128xi32, #tpu.memory_space<vmem>> -> memref<128xi32, #tpu.memory_space<vmem>>
      %dma_wait3A_85 = arith.constant 0 : i32
      %dma_wait3A_86 = arith.constant 0 : i32
      %dma_wait3A_87 = tpu.memref_slice %arg2[%dma_wait3A_85, %dma_wait3A_86] : memref<10000x128xf32, #tpu.memory_space<hbm>> -> memref<10000x128xf32, #tpu.memory_space<hbm>>
      tpu.wait_indirect_dma semaphore(%arg11 : memref<!tpu.dma_semaphore, #tpu.memory_space<semaphore_mem>>) src(%dma_wait3A_87 : memref<10000x128xf32, #tpu.memory_space<hbm>>) dst(%arg8 : memref<128x128xf32, #tpu.memory_space<vmem>>)
      %dma_start3A_88 = arith.constant 0 : i32
      %dma_start3A_89 = tpu.memref_slice %arg6[%add3A_82, %dma_start3A_88] : memref<56x128xi32, #tpu.memory_space<vmem>> -> memref<1x128xi32, #tpu.memory_space<vmem>>
      %dma_start3A_90 = tpu.memref_squeeze %dma_start3A_89 : memref<1x128xi32, #tpu.memory_space<vmem>> -> memref<128xi32, #tpu.memory_space<vmem>>
      %dma_start3A_91 = arith.constant 0 : i32
      %dma_start3A_92 = arith.constant 0 : i32
      %dma_start3A_93 = tpu.memref_slice %arg2[%dma_start3A_91, %dma_start3A_92] : memref<10000x128xf32, #tpu.memory_space<hbm>> -> memref<10000x128xf32, #tpu.memory_space<hbm>>
      tpu.enqueue_indirect_dma source(%dma_start3A_93 : memref<10000x128xf32, #tpu.memory_space<hbm>>) target(%arg9 : memref<128x128xf32, #tpu.memory_space<vmem>>) offsets(%dma_start3A_90 : memref<128xi32, #tpu.memory_space<vmem>>) semaphore(%arg12 : memref<!tpu.dma_semaphore, #tpu.memory_space<semaphore_mem>>)
      "tpu.region"() ({
        %run_scoped3A = tpu.sem_alloc : memref<!tpu.dma_semaphore, #tpu.memory_space<semaphore_mem>>
        %dma_start3A_105 = arith.constant 0 : i32
        %dma_start3A_106 = tpu.memref_slice %arg7[%mul3A_80, %dma_start3A_105] : memref<56x128xi32, #tpu.memory_space<vmem>> -> memref<1x128xi32, #tpu.memory_space<vmem>>
        %dma_start3A_107 = tpu.memref_squeeze %dma_start3A_106 : memref<1x128xi32, #tpu.memory_space<vmem>> -> memref<128xi32, #tpu.memory_space<vmem>>
        %dma_start3A_108 = arith.constant 0 : i32
        %dma_start3A_109 = arith.constant 0 : i32
        %dma_start3A_110 = tpu.memref_slice %arg10[%dma_start3A_108, %dma_start3A_109] : memref<10240x128xf32, #tpu.memory_space<vmem_shared>> -> memref<10240x128xf32, #tpu.memory_space<vmem_shared>>
        tpu.enqueue_indirect_dma source(%arg8 : memref<128x128xf32, #tpu.memory_space<vmem>>) target(%dma_start3A_110 : memref<10240x128xf32, #tpu.memory_space<vmem_shared>>) offsets(%dma_start3A_107 : memref<128xi32, #tpu.memory_space<vmem>>) semaphore(%run_scoped3A : memref<!tpu.dma_semaphore, #tpu.memory_space<semaphore_mem>>) {add = true}
        %dma_wait3A_111 = arith.constant 0 : i32
        %dma_wait3A_112 = tpu.memref_slice %arg7[%mul3A_80, %dma_wait3A_111] : memref<56x128xi32, #tpu.memory_space<vmem>> -> memref<1x128xi32, #tpu.memory_space<vmem>>
        %dma_wait3A_113 = tpu.memref_squeeze %dma_wait3A_112 : memref<1x128xi32, #tpu.memory_space<vmem>> -> memref<128xi32, #tpu.memory_space<vmem>>
        %dma_wait3A_114 = arith.constant 0 : i32
        %dma_wait3A_115 = arith.constant 0 : i32
        %dma_wait3A_116 = tpu.memref_slice %arg10[%dma_wait3A_114, %dma_wait3A_115] : memref<10240x128xf32, #tpu.memory_space<vmem_shared>> -> memref<10240x128xf32, #tpu.memory_space<vmem_shared>>
        tpu.wait_indirect_dma semaphore(%run_scoped3A : memref<!tpu.dma_semaphore, #tpu.memory_space<semaphore_mem>>) src(%arg8 : memref<128x128xf32, #tpu.memory_space<vmem>>) dst(%dma_wait3A_116 : memref<10240x128xf32, #tpu.memory_space<vmem_shared>>)
        tpu.yield
      }) : () -> ()
      %dma_wait3A_94 = arith.constant 0 : i32
      %dma_wait3A_95 = tpu.memref_slice %arg6[%add3A_82, %dma_wait3A_94] : memref<56x128xi32, #tpu.memory_space<vmem>> -> memref<1x128xi32, #tpu.memory_space<vmem>>
      %dma_wait3A_96 = tpu.memref_squeeze %dma_wait3A_95 : memref<1x128xi32, #tpu.memory_space<vmem>> -> memref<128xi32, #tpu.memory_space<vmem>>
      %dma_wait3A_97 = arith.constant 0 : i32
      %dma_wait3A_98 = arith.constant 0 : i32
      %dma_wait3A_99 = tpu.memref_slice %arg2[%dma_wait3A_97, %dma_wait3A_98] : memref<10000x128xf32, #tpu.memory_space<hbm>> -> memref<10000x128xf32, #tpu.memory_space<hbm>>
      tpu.wait_indirect_dma semaphore(%arg12 : memref<!tpu.dma_semaphore, #tpu.memory_space<semaphore_mem>>) src(%dma_wait3A_99 : memref<10000x128xf32, #tpu.memory_space<hbm>>) dst(%arg9 : memref<128x128xf32, #tpu.memory_space<vmem>>)
      %sub3A = arith.constant 1 : i32
      %sub3A_100 = arith.subi %select_n3A, %sub3A : i32
      %lt3A = arith.cmpi slt, %while3A_77, %sub3A_100 : i32
      %convert_element_type3A_101 = arith.extui %lt3A : i1 to i32
      %cond3A_102 = arith.constant 0 : i32
      %cond3A_103 = arith.cmpi ne, %convert_element_type3A_101, %cond3A_102 : i32
      scf.if %cond3A_103 {
        %add3A_105 = arith.constant 2 : i32
        %add3A_106 = arith.addi %mul3A_80, %add3A_105 : i32
        %dma_start3A_107 = arith.constant 0 : i32
        %dma_start3A_108 = tpu.memref_slice %arg6[%add3A_106, %dma_start3A_107] : memref<56x128xi32, #tpu.memory_space<vmem>> -> memref<1x128xi32, #tpu.memory_space<vmem>>
        %dma_start3A_109 = tpu.memref_squeeze %dma_start3A_108 : memref<1x128xi32, #tpu.memory_space<vmem>> -> memref<128xi32, #tpu.memory_space<vmem>>
        %dma_start3A_110 = arith.constant 0 : i32
        %dma_start3A_111 = arith.constant 0 : i32
        %dma_start3A_112 = tpu.memref_slice %arg2[%dma_start3A_110, %dma_start3A_111] : memref<10000x128xf32, #tpu.memory_space<hbm>> -> memref<10000x128xf32, #tpu.memory_space<hbm>>
        tpu.enqueue_indirect_dma source(%dma_start3A_112 : memref<10000x128xf32, #tpu.memory_space<hbm>>) target(%arg8 : memref<128x128xf32, #tpu.memory_space<vmem>>) offsets(%dma_start3A_109 : memref<128xi32, #tpu.memory_space<vmem>>) semaphore(%arg11 : memref<!tpu.dma_semaphore, #tpu.memory_space<semaphore_mem>>)
      } else {
      }
      "tpu.region"() ({
        %run_scoped3A = tpu.sem_alloc : memref<!tpu.dma_semaphore, #tpu.memory_space<semaphore_mem>>
        %dma_start3A_105 = arith.constant 0 : i32
        %dma_start3A_106 = tpu.memref_slice %arg7[%add3A_82, %dma_start3A_105] : memref<56x128xi32, #tpu.memory_space<vmem>> -> memref<1x128xi32, #tpu.memory_space<vmem>>
        %dma_start3A_107 = tpu.memref_squeeze %dma_start3A_106 : memref<1x128xi32, #tpu.memory_space<vmem>> -> memref<128xi32, #tpu.memory_space<vmem>>
        %dma_start3A_108 = arith.constant 0 : i32
        %dma_start3A_109 = arith.constant 0 : i32
        %dma_start3A_110 = tpu.memref_slice %arg10[%dma_start3A_108, %dma_start3A_109] : memref<10240x128xf32, #tpu.memory_space<vmem_shared>> -> memref<10240x128xf32, #tpu.memory_space<vmem_shared>>
        tpu.enqueue_indirect_dma source(%arg9 : memref<128x128xf32, #tpu.memory_space<vmem>>) target(%dma_start3A_110 : memref<10240x128xf32, #tpu.memory_space<vmem_shared>>) offsets(%dma_start3A_107 : memref<128xi32, #tpu.memory_space<vmem>>) semaphore(%run_scoped3A : memref<!tpu.dma_semaphore, #tpu.memory_space<semaphore_mem>>) {add = true}
        %dma_wait3A_111 = arith.constant 0 : i32
        %dma_wait3A_112 = tpu.memref_slice %arg7[%add3A_82, %dma_wait3A_111] : memref<56x128xi32, #tpu.memory_space<vmem>> -> memref<1x128xi32, #tpu.memory_space<vmem>>
        %dma_wait3A_113 = tpu.memref_squeeze %dma_wait3A_112 : memref<1x128xi32, #tpu.memory_space<vmem>> -> memref<128xi32, #tpu.memory_space<vmem>>
        %dma_wait3A_114 = arith.constant 0 : i32
        %dma_wait3A_115 = arith.constant 0 : i32
        %dma_wait3A_116 = tpu.memref_slice %arg10[%dma_wait3A_114, %dma_wait3A_115] : memref<10240x128xf32, #tpu.memory_space<vmem_shared>> -> memref<10240x128xf32, #tpu.memory_space<vmem_shared>>
        tpu.wait_indirect_dma semaphore(%run_scoped3A : memref<!tpu.dma_semaphore, #tpu.memory_space<semaphore_mem>>) src(%arg9 : memref<128x128xf32, #tpu.memory_space<vmem>>) dst(%dma_wait3A_116 : memref<10240x128xf32, #tpu.memory_space<vmem_shared>>)
        tpu.yield
      }) : () -> ()
      %while3A_104 = arith.constant 0 : i32
      scf.yield %while3A_104 : i32
    }
    %barrier3A_72 = arith.constant 0 : index
    tpu.barrier barrier_id(%barrier3A_72)
    %mul3A_73 = arith.constant 640 : i32
    %mul3A_74 = arith.muli %arg1, %mul3A_73 : i32
    %mul3A_75 = arith.constant 640 : i32
    %mul3A_76 = arith.muli %arg1, %mul3A_75 : i32
    "tpu.region"() ({
      %run_scoped3A = tpu.sem_alloc : memref<!tpu.dma_semaphore, #tpu.memory_space<semaphore_mem>>
      %dma_start3A_77 = arith.constant 0 : i32
      %dma_start3A_78 = tpu.memref_slice %arg5[%arg0, %mul3A_76, %dma_start3A_77] : memref<2x10240x128xf32, #tpu.memory_space<hbm>> -> memref<1x640x128xf32, #tpu.memory_space<hbm>>
      %dma_start3A_79 = tpu.memref_squeeze %dma_start3A_78 : memref<1x640x128xf32, #tpu.memory_space<hbm>> -> memref<640x128xf32, #tpu.memory_space<hbm>>
      %dma_start3A_80 = arith.constant 0 : i32
      %dma_start3A_81 = tpu.memref_slice %arg10[%mul3A_74, %dma_start3A_80] : memref<10240x128xf32, #tpu.memory_space<vmem_shared>> -> memref<640x128xf32, #tpu.memory_space<vmem_shared>>
      tpu.enqueue_dma source(%dma_start3A_81 : memref<640x128xf32, #tpu.memory_space<vmem_shared>>) target(%dma_start3A_79 : memref<640x128xf32, #tpu.memory_space<hbm>>) target_semaphore(%run_scoped3A : memref<!tpu.dma_semaphore, #tpu.memory_space<semaphore_mem>>)
      %dma_wait3A = arith.constant 0 : i32
      %dma_wait3A_82 = tpu.memref_slice %arg5[%arg0, %mul3A_76, %dma_wait3A] : memref<2x10240x128xf32, #tpu.memory_space<hbm>> -> memref<1x640x128xf32, #tpu.memory_space<hbm>>
      %dma_wait3A_83 = tpu.memref_squeeze %dma_wait3A_82 : memref<1x640x128xf32, #tpu.memory_space<hbm>> -> memref<640x128xf32, #tpu.memory_space<hbm>>
      %dma_wait3A_84 = arith.constant 0 : i32
      %dma_wait3A_85 = tpu.memref_slice %arg10[%mul3A_74, %dma_wait3A_84] : memref<10240x128xf32, #tpu.memory_space<vmem_shared>> -> memref<640x128xf32, #tpu.memory_space<vmem_shared>>
      tpu.wait_dma2 semaphore(%run_scoped3A : memref<!tpu.dma_semaphore, #tpu.memory_space<semaphore_mem>>) src(%dma_wait3A_85 : memref<640x128xf32, #tpu.memory_space<vmem_shared>>) dst(%dma_wait3A_83 : memref<640x128xf32, #tpu.memory_space<hbm>>)
      tpu.yield
    }) : () -> ()
    return
  }
}

#map = affine_map<(d0, d1) -> (0, 0)>
#map1 = affine_map<(d0, d1) -> (0, 0, 0)>
module attributes {stable_mosaic.version = 14 : i64} {
  func.func @_sc_scatter_body(%arg0: i32, %arg1: i32, %arg2: memref<10000x128xf32, #tpu.memory_space<hbm>>, %arg3: memref<2560x128xi32, #tpu.memory_space<hbm>>, %arg4: memref<2560x128xi32, #tpu.memory_space<hbm>>, %arg5: memref<2x10240x128xf32, #tpu.memory_space<hbm>>, %arg6: memref<56x128xi32, #tpu.memory_space<vmem>>, %arg7: memref<56x128xi32, #tpu.memory_space<vmem>>, %arg8: memref<128x128xf32, #tpu.memory_space<vmem>>, %arg9: memref<128x128xf32, #tpu.memory_space<vmem>>, %arg10: memref<10240x128xf32, #tpu.memory_space<vmem_shared>>, %arg11: memref<!tpu.dma_semaphore, #tpu.memory_space<semaphore_mem>>, %arg12: memref<!tpu.dma_semaphore, #tpu.memory_space<semaphore_mem>>) attributes {dimension_semantics = [#tpu.dimension_semantics<core_parallel>, #tpu.dimension_semantics<subcore_parallel>], iteration_bounds = array<i64: 2, 16>, scalar_prefetch = 0 : i64, scratch_operands = 7 : i64, tpu.core_type = #tpu.core_type<sc_vector_subcore>, window_params = [{transform_indices = #map}, {transform_indices = #map}, {transform_indices = #map}, {transform_indices = #map1}]} {
    %mul3A = arith.constant 2 : i32
    %mul3A_0 = arith.muli %arg1, %mul3A : i32
    %add3A = arith.addi %mul3A_0, %arg0 : i32
    %broadcast_in_dim3A = arith.constant 0.000000e+00 : f32
    %broadcast_in_dim3A_1 = vector.broadcast %broadcast_in_dim3A : f32 to vector<16xf32>
    %scan3A = arith.constant 0 : i32
    %scan3A_2 = arith.constant 0 : i32
    %scan3A_3 = arith.constant 1024 : i32
    %scan3A_4 = arith.addi %scan3A_2, %scan3A_3 : i32
    %scan3A_5 = arith.constant 1 : i32
    %scan3A_6 = scf.for %scan3A_77 = %scan3A_2 to %scan3A_4 step %scan3A_5 iter_args(%scan3A_78 = %scan3A) -> (i32)  : i32 {
      %jit3A_79 = arith.constant 8 : i32
      %div3A = arith.divsi %scan3A_77, %jit3A_79 : i32
      %sign3A = arith.constant 0 : i32
      %sign3A_80 = arith.cmpi sgt, %scan3A_77, %sign3A : i32
      %sign3A_81 = arith.extui %sign3A_80 : i1 to i32
      %sign3A_82 = arith.constant 0 : i32
      %sign3A_83 = arith.cmpi slt, %scan3A_77, %sign3A_82 : i32
      %sign3A_84 = arith.extui %sign3A_83 : i1 to i32
      %sign3A_85 = arith.subi %sign3A_81, %sign3A_84 : i32
      %sign3A_86 = arith.constant 0 : i32
      %sign3A_87 = arith.cmpi sgt, %jit3A_79, %sign3A_86 : i32
      %sign3A_88 = arith.extui %sign3A_87 : i1 to i32
      %sign3A_89 = arith.constant 0 : i32
      %sign3A_90 = arith.cmpi slt, %jit3A_79, %sign3A_89 : i32
      %sign3A_91 = arith.extui %sign3A_90 : i1 to i32
      %sign3A_92 = arith.subi %sign3A_88, %sign3A_91 : i32
      %ne3A = arith.cmpi ne, %sign3A_85, %sign3A_92 : i32
      %rem3A = arith.remsi %scan3A_77, %jit3A_79 : i32
      %ne3A_93 = arith.constant 0 : i32
      %ne3A_94 = arith.cmpi ne, %rem3A, %ne3A_93 : i32
      %and3A = arith.andi %ne3A, %ne3A_94 : i1
      %sub3A = arith.constant 1 : i32
      %sub3A_95 = arith.subi %div3A, %sub3A : i32
      %select_n3A_96 = arith.select %and3A, %sub3A_95, %div3A : i32
      %jit3A_97 = arith.constant 8 : i32
      %eq3A_98 = arith.constant 0 : i32
      %eq3A_99 = arith.cmpi eq, %jit3A_97, %eq3A_98 : i32
      %jit3A_100 = arith.constant 1 : i32
      %select_n3A_101 = arith.select %eq3A_99, %jit3A_100, %jit3A_97 : i32
      %rem3A_102 = arith.remsi %scan3A_77, %select_n3A_101 : i32
      %ne3A_103 = arith.constant 0 : i32
      %ne3A_104 = arith.cmpi ne, %rem3A_102, %ne3A_103 : i32
      %lt3A = arith.constant 0 : i32
      %lt3A_105 = arith.cmpi slt, %rem3A_102, %lt3A : i32
      %lt3A_106 = arith.constant 0 : i32
      %lt3A_107 = arith.cmpi slt, %select_n3A_101, %lt3A_106 : i32
      %ne3A_108 = arith.xori %lt3A_105, %lt3A_107 : i1
      %and3A_109 = arith.andi %ne3A_108, %ne3A_104 : i1
      %add3A_110 = arith.addi %rem3A_102, %select_n3A_101 : i32
      %select_n3A_111 = arith.select %and3A_109, %add3A_110, %rem3A_102 : i32
      %mul3A_112 = arith.constant 16 : i32
      %mul3A_113 = arith.muli %select_n3A_111, %mul3A_112 : i32
      %swap3A = arith.index_cast %select_n3A_96 : i32 to index
      %swap3A_114 = arith.index_cast %mul3A_113 : i32 to index
      %swap3A_115 = tpu.vector_load %arg8[%swap3A, %swap3A_114] {strides = array<i32>} : memref<128x128xf32, #tpu.memory_space<vmem>>, vector<1x16xf32>,
      %swap3A_116 = vector.shape_cast %swap3A_115 : vector<1x16xf32> to vector<16xf32>
      %swap3A_117 = vector.shape_cast %broadcast_in_dim3A_1 : vector<16xf32> to vector<1x16xf32>
      tpu.vector_store %arg8[%swap3A, %swap3A_114], %swap3A_117 {strides = array<i32>} : memref<128x128xf32, #tpu.memory_space<vmem>>, vector<1x16xf32>,
      %scan3A_118 = arith.constant 0 : i32
      scf.yield %scan3A_118 : i32
    }
    %scan3A_7 = arith.constant 1024 : i32
    %scan3A_8 = arith.constant 0 : i32
    %scan3A_9 = arith.constant 0 : i32
    %scan3A_10 = arith.constant 5 : i32
    %scan3A_11 = arith.addi %scan3A_9, %scan3A_10 : i32
    %scan3A_12 = arith.constant 1 : i32
    %scan3A_13 = scf.for %scan3A_77 = %scan3A_9 to %scan3A_11 step %scan3A_12 iter_args(%scan3A_78 = %scan3A_8) -> (i32)  : i32 {
      %mul3A_79 = arith.constant 640 : i32
      %mul3A_80 = arith.muli %arg1, %mul3A_79 : i32
      %mul3A_81 = arith.constant 128 : i32
      %mul3A_82 = arith.muli %scan3A_77, %mul3A_81 : i32
      %add3A_83 = arith.addi %mul3A_80, %mul3A_82 : i32
      "tpu.region"() ({
        %run_scoped3A = tpu.sem_alloc : memref<!tpu.dma_semaphore, #tpu.memory_space<semaphore_mem>>
        %dma_start3A_85 = arith.constant 0 : i32
        %dma_start3A_86 = tpu.memref_slice %arg10[%add3A_83, %dma_start3A_85] : memref<10240x128xf32, #tpu.memory_space<vmem_shared>> -> memref<128x128xf32, #tpu.memory_space<vmem_shared>>
        %dma_start3A_87 = arith.constant 0 : i32
        %dma_start3A_88 = tpu.memref_slice %arg10[%add3A_83, %dma_start3A_87] : memref<10240x128xf32, #tpu.memory_space<vmem_shared>> -> memref<128x128xf32, #tpu.memory_space<vmem_shared>>
        tpu.enqueue_dma source(%arg8 : memref<128x128xf32, #tpu.memory_space<vmem>>) target(%dma_start3A_88 : memref<128x128xf32, #tpu.memory_space<vmem_shared>>) target_semaphore(%run_scoped3A : memref<!tpu.dma_semaphore, #tpu.memory_space<semaphore_mem>>)
        %dma_wait3A = arith.constant 0 : i32
        %dma_wait3A_89 = tpu.memref_slice %arg10[%add3A_83, %dma_wait3A] : memref<10240x128xf32, #tpu.memory_space<vmem_shared>> -> memref<128x128xf32, #tpu.memory_space<vmem_shared>>
        %dma_wait3A_90 = arith.constant 0 : i32
        %dma_wait3A_91 = tpu.memref_slice %arg10[%add3A_83, %dma_wait3A_90] : memref<10240x128xf32, #tpu.memory_space<vmem_shared>> -> memref<128x128xf32, #tpu.memory_space<vmem_shared>>
        tpu.wait_dma2 semaphore(%run_scoped3A : memref<!tpu.dma_semaphore, #tpu.memory_space<semaphore_mem>>) src(%arg8 : memref<128x128xf32, #tpu.memory_space<vmem>>) dst(%dma_wait3A_91 : memref<128x128xf32, #tpu.memory_space<vmem_shared>>)
        tpu.yield
      }) : () -> ()
      %scan3A_84 = arith.constant 0 : i32
      scf.yield %scan3A_84 : i32
    }
    %scan3A_14 = arith.constant 5 : i32
    %barrier3A = arith.constant 0 : index
    tpu.barrier barrier_id(%barrier3A)
    %eq3A = arith.constant 0 : i32
    %eq3A_15 = arith.cmpi eq, %arg0, %eq3A : i32
    %jit3A = arith.constant 28 : i32
    %jit3A_16 = arith.constant 12 : i32
    %select_n3A = arith.select %eq3A_15, %jit3A, %jit3A_16 : i32
    %mul3A_17 = arith.constant 160 : i32
    %mul3A_18 = arith.muli %arg1, %mul3A_17 : i32
    %jit3A_19 = arith.constant 0 : i32
    %jit3A_20 = arith.constant 112 : i32
    %select_n3A_21 = arith.select %eq3A_15, %jit3A_19, %jit3A_20 : i32
    %add3A_22 = arith.addi %mul3A_18, %select_n3A_21 : i32
    %convert_element_type3A = arith.extui %eq3A_15 : i1 to i32
    %cond3A = arith.constant 0 : i32
    %cond3A_23 = arith.cmpi ne, %convert_element_type3A, %cond3A : i32
    scf.if %cond3A_23 {
      %add3A_77 = arith.constant 0 : i32
      %add3A_78 = arith.addi %add3A_22, %add3A_77 : i32
      "tpu.region"() ({
        %run_scoped3A = tpu.sem_alloc : memref<!tpu.dma_semaphore, #tpu.memory_space<semaphore_mem>>
        %dma_start3A_81 = arith.constant 0 : i32
        %dma_start3A_82 = arith.constant 0 : i32
        %dma_start3A_83 = tpu.memref_slice %arg6[%dma_start3A_81, %dma_start3A_82] : memref<56x128xi32, #tpu.memory_space<vmem>> -> memref<56x128xi32, #tpu.memory_space<vmem>>
        %dma_start3A_84 = arith.constant 0 : i32
        %dma_start3A_85 = tpu.memref_slice %arg3[%add3A_78, %dma_start3A_84] : memref<2560x128xi32, #tpu.memory_space<hbm>> -> memref<56x128xi32, #tpu.memory_space<hbm>>
        %dma_start3A_86 = arith.constant 0 : i32
        %dma_start3A_87 = arith.constant 0 : i32
        %dma_start3A_88 = tpu.memref_slice %arg6[%dma_start3A_86, %dma_start3A_87] : memref<56x128xi32, #tpu.memory_space<vmem>> -> memref<56x128xi32, #tpu.memory_space<vmem>>
        %dma_start3A_89 = arith.constant 0 : i32
        %dma_start3A_90 = tpu.memref_slice %arg3[%add3A_78, %dma_start3A_89] : memref<2560x128xi32, #tpu.memory_space<hbm>> -> memref<56x128xi32, #tpu.memory_space<hbm>>
        tpu.enqueue_dma source(%dma_start3A_90 : memref<56x128xi32, #tpu.memory_space<hbm>>) target(%dma_start3A_88 : memref<56x128xi32, #tpu.memory_space<vmem>>) target_semaphore(%run_scoped3A : memref<!tpu.dma_semaphore, #tpu.memory_space<semaphore_mem>>)
        %dma_wait3A = arith.constant 0 : i32
        %dma_wait3A_91 = arith.constant 0 : i32
        %dma_wait3A_92 = tpu.memref_slice %arg6[%dma_wait3A, %dma_wait3A_91] : memref<56x128xi32, #tpu.memory_space<vmem>> -> memref<56x128xi32, #tpu.memory_space<vmem>>
        %dma_wait3A_93 = arith.constant 0 : i32
        %dma_wait3A_94 = tpu.memref_slice %arg3[%add3A_78, %dma_wait3A_93] : memref<2560x128xi32, #tpu.memory_space<hbm>> -> memref<56x128xi32, #tpu.memory_space<hbm>>
        %dma_wait3A_95 = arith.constant 0 : i32
        %dma_wait3A_96 = arith.constant 0 : i32
        %dma_wait3A_97 = tpu.memref_slice %arg6[%dma_wait3A_95, %dma_wait3A_96] : memref<56x128xi32, #tpu.memory_space<vmem>> -> memref<56x128xi32, #tpu.memory_space<vmem>>
        %dma_wait3A_98 = arith.constant 0 : i32
        %dma_wait3A_99 = tpu.memref_slice %arg3[%add3A_78, %dma_wait3A_98] : memref<2560x128xi32, #tpu.memory_space<hbm>> -> memref<56x128xi32, #tpu.memory_space<hbm>>
        tpu.wait_dma2 semaphore(%run_scoped3A : memref<!tpu.dma_semaphore, #tpu.memory_space<semaphore_mem>>) src(%dma_wait3A_99 : memref<56x128xi32, #tpu.memory_space<hbm>>) dst(%dma_wait3A_97 : memref<56x128xi32, #tpu.memory_space<vmem>>)
        tpu.yield
      }) : () -> ()
      %add3A_79 = arith.constant 0 : i32
      %add3A_80 = arith.addi %add3A_22, %add3A_79 : i32
      "tpu.region"() ({
        %run_scoped3A = tpu.sem_alloc : memref<!tpu.dma_semaphore, #tpu.memory_space<semaphore_mem>>
        %dma_start3A_81 = arith.constant 0 : i32
        %dma_start3A_82 = arith.constant 0 : i32
        %dma_start3A_83 = tpu.memref_slice %arg7[%dma_start3A_81, %dma_start3A_82] : memref<56x128xi32, #tpu.memory_space<vmem>> -> memref<56x128xi32, #tpu.memory_space<vmem>>
        %dma_start3A_84 = arith.constant 0 : i32
        %dma_start3A_85 = tpu.memref_slice %arg4[%add3A_80, %dma_start3A_84] : memref<2560x128xi32, #tpu.memory_space<hbm>> -> memref<56x128xi32, #tpu.memory_space<hbm>>
        %dma_start3A_86 = arith.constant 0 : i32
        %dma_start3A_87 = arith.constant 0 : i32
        %dma_start3A_88 = tpu.memref_slice %arg7[%dma_start3A_86, %dma_start3A_87] : memref<56x128xi32, #tpu.memory_space<vmem>> -> memref<56x128xi32, #tpu.memory_space<vmem>>
        %dma_start3A_89 = arith.constant 0 : i32
        %dma_start3A_90 = tpu.memref_slice %arg4[%add3A_80, %dma_start3A_89] : memref<2560x128xi32, #tpu.memory_space<hbm>> -> memref<56x128xi32, #tpu.memory_space<hbm>>
        tpu.enqueue_dma source(%dma_start3A_90 : memref<56x128xi32, #tpu.memory_space<hbm>>) target(%dma_start3A_88 : memref<56x128xi32, #tpu.memory_space<vmem>>) target_semaphore(%run_scoped3A : memref<!tpu.dma_semaphore, #tpu.memory_space<semaphore_mem>>)
        %dma_wait3A = arith.constant 0 : i32
        %dma_wait3A_91 = arith.constant 0 : i32
        %dma_wait3A_92 = tpu.memref_slice %arg7[%dma_wait3A, %dma_wait3A_91] : memref<56x128xi32, #tpu.memory_space<vmem>> -> memref<56x128xi32, #tpu.memory_space<vmem>>
        %dma_wait3A_93 = arith.constant 0 : i32
        %dma_wait3A_94 = tpu.memref_slice %arg4[%add3A_80, %dma_wait3A_93] : memref<2560x128xi32, #tpu.memory_space<hbm>> -> memref<56x128xi32, #tpu.memory_space<hbm>>
        %dma_wait3A_95 = arith.constant 0 : i32
        %dma_wait3A_96 = arith.constant 0 : i32
        %dma_wait3A_97 = tpu.memref_slice %arg7[%dma_wait3A_95, %dma_wait3A_96] : memref<56x128xi32, #tpu.memory_space<vmem>> -> memref<56x128xi32, #tpu.memory_space<vmem>>
        %dma_wait3A_98 = arith.constant 0 : i32
        %dma_wait3A_99 = tpu.memref_slice %arg4[%add3A_80, %dma_wait3A_98] : memref<2560x128xi32, #tpu.memory_space<hbm>> -> memref<56x128xi32, #tpu.memory_space<hbm>>
        tpu.wait_dma2 semaphore(%run_scoped3A : memref<!tpu.dma_semaphore, #tpu.memory_space<semaphore_mem>>) src(%dma_wait3A_99 : memref<56x128xi32, #tpu.memory_space<hbm>>) dst(%dma_wait3A_97 : memref<56x128xi32, #tpu.memory_space<vmem>>)
        tpu.yield
      }) : () -> ()
    } else {
    }
    %not3A = arith.constant true
    %not3A_24 = arith.xori %eq3A_15, %not3A : i1
    %convert_element_type3A_25 = arith.extui %not3A_24 : i1 to i32
    %cond3A_26 = arith.constant 0 : i32
    %cond3A_27 = arith.cmpi ne, %convert_element_type3A_25, %cond3A_26 : i32
    scf.if %cond3A_27 {
      %add3A_77 = arith.constant 0 : i32
      %add3A_78 = arith.addi %add3A_22, %add3A_77 : i32
      "tpu.region"() ({
        %run_scoped3A = tpu.sem_alloc : memref<!tpu.dma_semaphore, #tpu.memory_space<semaphore_mem>>
        %dma_start3A_81 = arith.constant 0 : i32
        %dma_start3A_82 = arith.constant 0 : i32
        %dma_start3A_83 = tpu.memref_slice %arg6[%dma_start3A_81, %dma_start3A_82] : memref<56x128xi32, #tpu.memory_space<vmem>> -> memref<24x128xi32, #tpu.memory_space<vmem>>
        %dma_start3A_84 = arith.constant 0 : i32
        %dma_start3A_85 = tpu.memref_slice %arg3[%add3A_78, %dma_start3A_84] : memref<2560x128xi32, #tpu.memory_space<hbm>> -> memref<24x128xi32, #tpu.memory_space<hbm>>
        %dma_start3A_86 = arith.constant 0 : i32
        %dma_start3A_87 = arith.constant 0 : i32
        %dma_start3A_88 = tpu.memref_slice %arg6[%dma_start3A_86, %dma_start3A_87] : memref<56x128xi32, #tpu.memory_space<vmem>> -> memref<24x128xi32, #tpu.memory_space<vmem>>
        %dma_start3A_89 = arith.constant 0 : i32
        %dma_start3A_90 = tpu.memref_slice %arg3[%add3A_78, %dma_start3A_89] : memref<2560x128xi32, #tpu.memory_space<hbm>> -> memref<24x128xi32, #tpu.memory_space<hbm>>
        tpu.enqueue_dma source(%dma_start3A_90 : memref<24x128xi32, #tpu.memory_space<hbm>>) target(%dma_start3A_88 : memref<24x128xi32, #tpu.memory_space<vmem>>) target_semaphore(%run_scoped3A : memref<!tpu.dma_semaphore, #tpu.memory_space<semaphore_mem>>)
        %dma_wait3A = arith.constant 0 : i32
        %dma_wait3A_91 = arith.constant 0 : i32
        %dma_wait3A_92 = tpu.memref_slice %arg6[%dma_wait3A, %dma_wait3A_91] : memref<56x128xi32, #tpu.memory_space<vmem>> -> memref<24x128xi32, #tpu.memory_space<vmem>>
        %dma_wait3A_93 = arith.constant 0 : i32
        %dma_wait3A_94 = tpu.memref_slice %arg3[%add3A_78, %dma_wait3A_93] : memref<2560x128xi32, #tpu.memory_space<hbm>> -> memref<24x128xi32, #tpu.memory_space<hbm>>
        %dma_wait3A_95 = arith.constant 0 : i32
        %dma_wait3A_96 = arith.constant 0 : i32
        %dma_wait3A_97 = tpu.memref_slice %arg6[%dma_wait3A_95, %dma_wait3A_96] : memref<56x128xi32, #tpu.memory_space<vmem>> -> memref<24x128xi32, #tpu.memory_space<vmem>>
        %dma_wait3A_98 = arith.constant 0 : i32
        %dma_wait3A_99 = tpu.memref_slice %arg3[%add3A_78, %dma_wait3A_98] : memref<2560x128xi32, #tpu.memory_space<hbm>> -> memref<24x128xi32, #tpu.memory_space<hbm>>
        tpu.wait_dma2 semaphore(%run_scoped3A : memref<!tpu.dma_semaphore, #tpu.memory_space<semaphore_mem>>) src(%dma_wait3A_99 : memref<24x128xi32, #tpu.memory_space<hbm>>) dst(%dma_wait3A_97 : memref<24x128xi32, #tpu.memory_space<vmem>>)
        tpu.yield
      }) : () -> ()
      %add3A_79 = arith.constant 0 : i32
      %add3A_80 = arith.addi %add3A_22, %add3A_79 : i32
      "tpu.region"() ({
        %run_scoped3A = tpu.sem_alloc : memref<!tpu.dma_semaphore, #tpu.memory_space<semaphore_mem>>
        %dma_start3A_81 = arith.constant 0 : i32
        %dma_start3A_82 = arith.constant 0 : i32
        %dma_start3A_83 = tpu.memref_slice %arg7[%dma_start3A_81, %dma_start3A_82] : memref<56x128xi32, #tpu.memory_space<vmem>> -> memref<24x128xi32, #tpu.memory_space<vmem>>
        %dma_start3A_84 = arith.constant 0 : i32
        %dma_start3A_85 = tpu.memref_slice %arg4[%add3A_80, %dma_start3A_84] : memref<2560x128xi32, #tpu.memory_space<hbm>> -> memref<24x128xi32, #tpu.memory_space<hbm>>
        %dma_start3A_86 = arith.constant 0 : i32
        %dma_start3A_87 = arith.constant 0 : i32
        %dma_start3A_88 = tpu.memref_slice %arg7[%dma_start3A_86, %dma_start3A_87] : memref<56x128xi32, #tpu.memory_space<vmem>> -> memref<24x128xi32, #tpu.memory_space<vmem>>
        %dma_start3A_89 = arith.constant 0 : i32
        %dma_start3A_90 = tpu.memref_slice %arg4[%add3A_80, %dma_start3A_89] : memref<2560x128xi32, #tpu.memory_space<hbm>> -> memref<24x128xi32, #tpu.memory_space<hbm>>
        tpu.enqueue_dma source(%dma_start3A_90 : memref<24x128xi32, #tpu.memory_space<hbm>>) target(%dma_start3A_88 : memref<24x128xi32, #tpu.memory_space<vmem>>) target_semaphore(%run_scoped3A : memref<!tpu.dma_semaphore, #tpu.memory_space<semaphore_mem>>)
        %dma_wait3A = arith.constant 0 : i32
        %dma_wait3A_91 = arith.constant 0 : i32
        %dma_wait3A_92 = tpu.memref_slice %arg7[%dma_wait3A, %dma_wait3A_91] : memref<56x128xi32, #tpu.memory_space<vmem>> -> memref<24x128xi32, #tpu.memory_space<vmem>>
        %dma_wait3A_93 = arith.constant 0 : i32
        %dma_wait3A_94 = tpu.memref_slice %arg4[%add3A_80, %dma_wait3A_93] : memref<2560x128xi32, #tpu.memory_space<hbm>> -> memref<24x128xi32, #tpu.memory_space<hbm>>
        %dma_wait3A_95 = arith.constant 0 : i32
        %dma_wait3A_96 = arith.constant 0 : i32
        %dma_wait3A_97 = tpu.memref_slice %arg7[%dma_wait3A_95, %dma_wait3A_96] : memref<56x128xi32, #tpu.memory_space<vmem>> -> memref<24x128xi32, #tpu.memory_space<vmem>>
        %dma_wait3A_98 = arith.constant 0 : i32
        %dma_wait3A_99 = tpu.memref_slice %arg4[%add3A_80, %dma_wait3A_98] : memref<2560x128xi32, #tpu.memory_space<hbm>> -> memref<24x128xi32, #tpu.memory_space<hbm>>
        tpu.wait_dma2 semaphore(%run_scoped3A : memref<!tpu.dma_semaphore, #tpu.memory_space<semaphore_mem>>) src(%dma_wait3A_99 : memref<24x128xi32, #tpu.memory_space<hbm>>) dst(%dma_wait3A_97 : memref<24x128xi32, #tpu.memory_space<vmem>>)
        tpu.yield
      }) : () -> ()
    } else {
    }
    %dma_start3A = arith.constant 0 : i32
    %dma_start3A_28 = arith.constant 0 : i32
    %dma_start3A_29 = tpu.memref_slice %arg6[%dma_start3A, %dma_start3A_28] : memref<56x128xi32, #tpu.memory_space<vmem>> -> memref<1x128xi32, #tpu.memory_space<vmem>>
    %dma_start3A_30 = tpu.memref_squeeze %dma_start3A_29 : memref<1x128xi32, #tpu.memory_space<vmem>> -> memref<128xi32, #tpu.memory_space<vmem>>
    %dma_start3A_31 = arith.constant 0 : i32
    %dma_start3A_32 = arith.constant 0 : i32
    %dma_start3A_33 = tpu.memref_slice %arg2[%dma_start3A_31, %dma_start3A_32] : memref<10000x128xf32, #tpu.memory_space<hbm>> -> memref<10000x128xf32, #tpu.memory_space<hbm>>
    tpu.enqueue_indirect_dma source(%dma_start3A_33 : memref<10000x128xf32, #tpu.memory_space<hbm>>) target(%arg8 : memref<128x128xf32, #tpu.memory_space<vmem>>) offsets(%dma_start3A_30 : memref<128xi32, #tpu.memory_space<vmem>>) semaphore(%arg11 : memref<!tpu.dma_semaphore, #tpu.memory_space<semaphore_mem>>)
    %while3A = arith.constant 0 : i32
    %while3A_34 = arith.constant 0 : i32
    %while3A_35 = arith.subi %select_n3A, %while3A : i32
    %while3A_36 = arith.addi %while3A, %while3A_35 : i32
    %while3A_37 = arith.constant 1 : i32
    %while3A_38 = arith.divsi %while3A_35, %while3A_37 : i32
    %while3A_39 = arith.muli %while3A_38, %while3A_37 : i32
    %while3A_40 = arith.addi %while3A, %while3A_39 : i32
    %while3A_41 = arith.constant 1 : i32
    %while3A_42 = scf.for %while3A_77 = %while3A to %while3A_40 step %while3A_41 iter_args(%while3A_78 = %while3A_34) -> (i32)  : i32 {
      %mul3A_79 = arith.constant 2 : i32
      %mul3A_80 = arith.muli %while3A_77, %mul3A_79 : i32
      %add3A_81 = arith.constant 1 : i32
      %add3A_82 = arith.addi %mul3A_80, %add3A_81 : i32
      %dma_wait3A = arith.constant 0 : i32
      %dma_wait3A_83 = tpu.memref_slice %arg6[%mul3A_80, %dma_wait3A] : memref<56x128xi32, #tpu.memory_space<vmem>> -> memref<1x128xi32, #tpu.memory_space<vmem>>
      %dma_wait3A_84 = tpu.memref_squeeze %dma_wait3A_83 : memref<1x128xi32, #tpu.memory_space<vmem>> -> memref<128xi32, #tpu.memory_space<vmem>>
      %dma_wait3A_85 = arith.constant 0 : i32
      %dma_wait3A_86 = arith.constant 0 : i32
      %dma_wait3A_87 = tpu.memref_slice %arg2[%dma_wait3A_85, %dma_wait3A_86] : memref<10000x128xf32, #tpu.memory_space<hbm>> -> memref<10000x128xf32, #tpu.memory_space<hbm>>
      tpu.wait_indirect_dma semaphore(%arg11 : memref<!tpu.dma_semaphore, #tpu.memory_space<semaphore_mem>>) src(%dma_wait3A_87 : memref<10000x128xf32, #tpu.memory_space<hbm>>) dst(%arg8 : memref<128x128xf32, #tpu.memory_space<vmem>>)
      %dma_start3A_88 = arith.constant 0 : i32
      %dma_start3A_89 = tpu.memref_slice %arg6[%add3A_82, %dma_start3A_88] : memref<56x128xi32, #tpu.memory_space<vmem>> -> memref<1x128xi32, #tpu.memory_space<vmem>>
      %dma_start3A_90 = tpu.memref_squeeze %dma_start3A_89 : memref<1x128xi32, #tpu.memory_space<vmem>> -> memref<128xi32, #tpu.memory_space<vmem>>
      %dma_start3A_91 = arith.constant 0 : i32
      %dma_start3A_92 = arith.constant 0 : i32
      %dma_start3A_93 = tpu.memref_slice %arg2[%dma_start3A_91, %dma_start3A_92] : memref<10000x128xf32, #tpu.memory_space<hbm>> -> memref<10000x128xf32, #tpu.memory_space<hbm>>
      tpu.enqueue_indirect_dma source(%dma_start3A_93 : memref<10000x128xf32, #tpu.memory_space<hbm>>) target(%arg9 : memref<128x128xf32, #tpu.memory_space<vmem>>) offsets(%dma_start3A_90 : memref<128xi32, #tpu.memory_space<vmem>>) semaphore(%arg12 : memref<!tpu.dma_semaphore, #tpu.memory_space<semaphore_mem>>)
      "tpu.region"() ({
        %run_scoped3A = tpu.sem_alloc : memref<!tpu.dma_semaphore, #tpu.memory_space<semaphore_mem>>
        %dma_start3A_105 = arith.constant 0 : i32
        %dma_start3A_106 = tpu.memref_slice %arg7[%mul3A_80, %dma_start3A_105] : memref<56x128xi32, #tpu.memory_space<vmem>> -> memref<1x128xi32, #tpu.memory_space<vmem>>
        %dma_start3A_107 = tpu.memref_squeeze %dma_start3A_106 : memref<1x128xi32, #tpu.memory_space<vmem>> -> memref<128xi32, #tpu.memory_space<vmem>>
        %dma_start3A_108 = arith.constant 0 : i32
        %dma_start3A_109 = arith.constant 0 : i32
        %dma_start3A_110 = tpu.memref_slice %arg10[%dma_start3A_108, %dma_start3A_109] : memref<10240x128xf32, #tpu.memory_space<vmem_shared>> -> memref<10240x128xf32, #tpu.memory_space<vmem_shared>>
        tpu.enqueue_indirect_dma source(%arg8 : memref<128x128xf32, #tpu.memory_space<vmem>>) target(%dma_start3A_110 : memref<10240x128xf32, #tpu.memory_space<vmem_shared>>) offsets(%dma_start3A_107 : memref<128xi32, #tpu.memory_space<vmem>>) semaphore(%run_scoped3A : memref<!tpu.dma_semaphore, #tpu.memory_space<semaphore_mem>>) {add = true}
        %dma_wait3A_111 = arith.constant 0 : i32
        %dma_wait3A_112 = tpu.memref_slice %arg7[%mul3A_80, %dma_wait3A_111] : memref<56x128xi32, #tpu.memory_space<vmem>> -> memref<1x128xi32, #tpu.memory_space<vmem>>
        %dma_wait3A_113 = tpu.memref_squeeze %dma_wait3A_112 : memref<1x128xi32, #tpu.memory_space<vmem>> -> memref<128xi32, #tpu.memory_space<vmem>>
        %dma_wait3A_114 = arith.constant 0 : i32
        %dma_wait3A_115 = arith.constant 0 : i32
        %dma_wait3A_116 = tpu.memref_slice %arg10[%dma_wait3A_114, %dma_wait3A_115] : memref<10240x128xf32, #tpu.memory_space<vmem_shared>> -> memref<10240x128xf32, #tpu.memory_space<vmem_shared>>
        tpu.wait_indirect_dma semaphore(%run_scoped3A : memref<!tpu.dma_semaphore, #tpu.memory_space<semaphore_mem>>) src(%arg8 : memref<128x128xf32, #tpu.memory_space<vmem>>) dst(%dma_wait3A_116 : memref<10240x128xf32, #tpu.memory_space<vmem_shared>>)
        tpu.yield
      }) : () -> ()
      %dma_wait3A_94 = arith.constant 0 : i32
      %dma_wait3A_95 = tpu.memref_slice %arg6[%add3A_82, %dma_wait3A_94] : memref<56x128xi32, #tpu.memory_space<vmem>> -> memref<1x128xi32, #tpu.memory_space<vmem>>
      %dma_wait3A_96 = tpu.memref_squeeze %dma_wait3A_95 : memref<1x128xi32, #tpu.memory_space<vmem>> -> memref<128xi32, #tpu.memory_space<vmem>>
      %dma_wait3A_97 = arith.constant 0 : i32
      %dma_wait3A_98 = arith.constant 0 : i32
      %dma_wait3A_99 = tpu.memref_slice %arg2[%dma_wait3A_97, %dma_wait3A_98] : memref<10000x128xf32, #tpu.memory_space<hbm>> -> memref<10000x128xf32, #tpu.memory_space<hbm>>
      tpu.wait_indirect_dma semaphore(%arg12 : memref<!tpu.dma_semaphore, #tpu.memory_space<semaphore_mem>>) src(%dma_wait3A_99 : memref<10000x128xf32, #tpu.memory_space<hbm>>) dst(%arg9 : memref<128x128xf32, #tpu.memory_space<vmem>>)
      %sub3A = arith.constant 1 : i32
      %sub3A_100 = arith.subi %select_n3A, %sub3A : i32
      %lt3A = arith.cmpi slt, %while3A_77, %sub3A_100 : i32
      %convert_element_type3A_101 = arith.extui %lt3A : i1 to i32
      %cond3A_102 = arith.constant 0 : i32
      %cond3A_103 = arith.cmpi ne, %convert_element_type3A_101, %cond3A_102 : i32
      scf.if %cond3A_103 {
        %add3A_105 = arith.constant 2 : i32
        %add3A_106 = arith.addi %mul3A_80, %add3A_105 : i32
        %dma_start3A_107 = arith.constant 0 : i32
        %dma_start3A_108 = tpu.memref_slice %arg6[%add3A_106, %dma_start3A_107] : memref<56x128xi32, #tpu.memory_space<vmem>> -> memref<1x128xi32, #tpu.memory_space<vmem>>
        %dma_start3A_109 = tpu.memref_squeeze %dma_start3A_108 : memref<1x128xi32, #tpu.memory_space<vmem>> -> memref<128xi32, #tpu.memory_space<vmem>>
        %dma_start3A_110 = arith.constant 0 : i32
        %dma_start3A_111 = arith.constant 0 : i32
        %dma_start3A_112 = tpu.memref_slice %arg2[%dma_start3A_110, %dma_start3A_111] : memref<10000x128xf32, #tpu.memory_space<hbm>> -> memref<10000x128xf32, #tpu.memory_space<hbm>>
        tpu.enqueue_indirect_dma source(%dma_start3A_112 : memref<10000x128xf32, #tpu.memory_space<hbm>>) target(%arg8 : memref<128x128xf32, #tpu.memory_space<vmem>>) offsets(%dma_start3A_109 : memref<128xi32, #tpu.memory_space<vmem>>) semaphore(%arg11 : memref<!tpu.dma_semaphore, #tpu.memory_space<semaphore_mem>>)
      } else {
      }
      "tpu.region"() ({
        %run_scoped3A = tpu.sem_alloc : memref<!tpu.dma_semaphore, #tpu.memory_space<semaphore_mem>>
        %dma_start3A_105 = arith.constant 0 : i32
        %dma_start3A_106 = tpu.memref_slice %arg7[%add3A_82, %dma_start3A_105] : memref<56x128xi32, #tpu.memory_space<vmem>> -> memref<1x128xi32, #tpu.memory_space<vmem>>
        %dma_start3A_107 = tpu.memref_squeeze %dma_start3A_106 : memref<1x128xi32, #tpu.memory_space<vmem>> -> memref<128xi32, #tpu.memory_space<vmem>>
        %dma_start3A_108 = arith.constant 0 : i32
        %dma_start3A_109 = arith.constant 0 : i32
        %dma_start3A_110 = tpu.memref_slice %arg10[%dma_start3A_108, %dma_start3A_109] : memref<10240x128xf32, #tpu.memory_space<vmem_shared>> -> memref<10240x128xf32, #tpu.memory_space<vmem_shared>>
        tpu.enqueue_indirect_dma source(%arg9 : memref<128x128xf32, #tpu.memory_space<vmem>>) target(%dma_start3A_110 : memref<10240x128xf32, #tpu.memory_space<vmem_shared>>) offsets(%dma_start3A_107 : memref<128xi32, #tpu.memory_space<vmem>>) semaphore(%run_scoped3A : memref<!tpu.dma_semaphore, #tpu.memory_space<semaphore_mem>>) {add = true}
        %dma_wait3A_111 = arith.constant 0 : i32
        %dma_wait3A_112 = tpu.memref_slice %arg7[%add3A_82, %dma_wait3A_111] : memref<56x128xi32, #tpu.memory_space<vmem>> -> memref<1x128xi32, #tpu.memory_space<vmem>>
        %dma_wait3A_113 = tpu.memref_squeeze %dma_wait3A_112 : memref<1x128xi32, #tpu.memory_space<vmem>> -> memref<128xi32, #tpu.memory_space<vmem>>
        %dma_wait3A_114 = arith.constant 0 : i32
        %dma_wait3A_115 = arith.constant 0 : i32
        %dma_wait3A_116 = tpu.memref_slice %arg10[%dma_wait3A_114, %dma_wait3A_115] : memref<10240x128xf32, #tpu.memory_space<vmem_shared>> -> memref<10240x128xf32, #tpu.memory_space<vmem_shared>>
        tpu.wait_indirect_dma semaphore(%run_scoped3A : memref<!tpu.dma_semaphore, #tpu.memory_space<semaphore_mem>>) src(%arg9 : memref<128x128xf32, #tpu.memory_space<vmem>>) dst(%dma_wait3A_116 : memref<10240x128xf32, #tpu.memory_space<vmem_shared>>)
        tpu.yield
      }) : () -> ()
      %while3A_104 = arith.constant 0 : i32
      scf.yield %while3A_104 : i32
    }
    %while3A_43 = arith.constant 1 : i32
    %while3A_44 = scf.for %while3A_77 = %while3A_40 to %while3A_36 step %while3A_43 iter_args(%while3A_78 = %while3A_42) -> (i32)  : i32 {
      %mul3A_79 = arith.constant 2 : i32
      %mul3A_80 = arith.muli %while3A_77, %mul3A_79 : i32
      %add3A_81 = arith.constant 1 : i32
      %add3A_82 = arith.addi %mul3A_80, %add3A_81 : i32
      %dma_wait3A = arith.constant 0 : i32
      %dma_wait3A_83 = tpu.memref_slice %arg6[%mul3A_80, %dma_wait3A] : memref<56x128xi32, #tpu.memory_space<vmem>> -> memref<1x128xi32, #tpu.memory_space<vmem>>
      %dma_wait3A_84 = tpu.memref_squeeze %dma_wait3A_83 : memref<1x128xi32, #tpu.memory_space<vmem>> -> memref<128xi32, #tpu.memory_space<vmem>>
      %dma_wait3A_85 = arith.constant 0 : i32
      %dma_wait3A_86 = arith.constant 0 : i32
      %dma_wait3A_87 = tpu.memref_slice %arg2[%dma_wait3A_85, %dma_wait3A_86] : memref<10000x128xf32, #tpu.memory_space<hbm>> -> memref<10000x128xf32, #tpu.memory_space<hbm>>
      tpu.wait_indirect_dma semaphore(%arg11 : memref<!tpu.dma_semaphore, #tpu.memory_space<semaphore_mem>>) src(%dma_wait3A_87 : memref<10000x128xf32, #tpu.memory_space<hbm>>) dst(%arg8 : memref<128x128xf32, #tpu.memory_space<vmem>>)
      %dma_start3A_88 = arith.constant 0 : i32
      %dma_start3A_89 = tpu.memref_slice %arg6[%add3A_82, %dma_start3A_88] : memref<56x128xi32, #tpu.memory_space<vmem>> -> memref<1x128xi32, #tpu.memory_space<vmem>>
      %dma_start3A_90 = tpu.memref_squeeze %dma_start3A_89 : memref<1x128xi32, #tpu.memory_space<vmem>> -> memref<128xi32, #tpu.memory_space<vmem>>
      %dma_start3A_91 = arith.constant 0 : i32
      %dma_start3A_92 = arith.constant 0 : i32
      %dma_start3A_93 = tpu.memref_slice %arg2[%dma_start3A_91, %dma_start3A_92] : memref<10000x128xf32, #tpu.memory_space<hbm>> -> memref<10000x128xf32, #tpu.memory_space<hbm>>
      tpu.enqueue_indirect_dma source(%dma_start3A_93 : memref<10000x128xf32, #tpu.memory_space<hbm>>) target(%arg9 : memref<128x128xf32, #tpu.memory_space<vmem>>) offsets(%dma_start3A_90 : memref<128xi32, #tpu.memory_space<vmem>>) semaphore(%arg12 : memref<!tpu.dma_semaphore, #tpu.memory_space<semaphore_mem>>)
      "tpu.region"() ({
        %run_scoped3A = tpu.sem_alloc : memref<!tpu.dma_semaphore, #tpu.memory_space<semaphore_mem>>
        %dma_start3A_105 = arith.constant 0 : i32
        %dma_start3A_106 = tpu.memref_slice %arg7[%mul3A_80, %dma_start3A_105] : memref<56x128xi32, #tpu.memory_space<vmem>> -> memref<1x128xi32, #tpu.memory_space<vmem>>
        %dma_start3A_107 = tpu.memref_squeeze %dma_start3A_106 : memref<1x128xi32, #tpu.memory_space<vmem>> -> memref<128xi32, #tpu.memory_space<vmem>>
        %dma_start3A_108 = arith.constant 0 : i32
        %dma_start3A_109 = arith.constant 0 : i32
        %dma_start3A_110 = tpu.memref_slice %arg10[%dma_start3A_108, %dma_start3A_109] : memref<10240x128xf32, #tpu.memory_space<vmem_shared>> -> memref<10240x128xf32, #tpu.memory_space<vmem_shared>>
        tpu.enqueue_indirect_dma source(%arg8 : memref<128x128xf32, #tpu.memory_space<vmem>>) target(%dma_start3A_110 : memref<10240x128xf32, #tpu.memory_space<vmem_shared>>) offsets(%dma_start3A_107 : memref<128xi32, #tpu.memory_space<vmem>>) semaphore(%run_scoped3A : memref<!tpu.dma_semaphore, #tpu.memory_space<semaphore_mem>>) {add = true}
        %dma_wait3A_111 = arith.constant 0 : i32
        %dma_wait3A_112 = tpu.memref_slice %arg7[%mul3A_80, %dma_wait3A_111] : memref<56x128xi32, #tpu.memory_space<vmem>> -> memref<1x128xi32, #tpu.memory_space<vmem>>
        %dma_wait3A_113 = tpu.memref_squeeze %dma_wait3A_112 : memref<1x128xi32, #tpu.memory_space<vmem>> -> memref<128xi32, #tpu.memory_space<vmem>>
        %dma_wait3A_114 = arith.constant 0 : i32
        %dma_wait3A_115 = arith.constant 0 : i32
        %dma_wait3A_116 = tpu.memref_slice %arg10[%dma_wait3A_114, %dma_wait3A_115] : memref<10240x128xf32, #tpu.memory_space<vmem_shared>> -> memref<10240x128xf32, #tpu.memory_space<vmem_shared>>
        tpu.wait_indirect_dma semaphore(%run_scoped3A : memref<!tpu.dma_semaphore, #tpu.memory_space<semaphore_mem>>) src(%arg8 : memref<128x128xf32, #tpu.memory_space<vmem>>) dst(%dma_wait3A_116 : memref<10240x128xf32, #tpu.memory_space<vmem_shared>>)
        tpu.yield
      }) : () -> ()
      %dma_wait3A_94 = arith.constant 0 : i32
      %dma_wait3A_95 = tpu.memref_slice %arg6[%add3A_82, %dma_wait3A_94] : memref<56x128xi32, #tpu.memory_space<vmem>> -> memref<1x128xi32, #tpu.memory_space<vmem>>
      %dma_wait3A_96 = tpu.memref_squeeze %dma_wait3A_95 : memref<1x128xi32, #tpu.memory_space<vmem>> -> memref<128xi32, #tpu.memory_space<vmem>>
      %dma_wait3A_97 = arith.constant 0 : i32
      %dma_wait3A_98 = arith.constant 0 : i32
      %dma_wait3A_99 = tpu.memref_slice %arg2[%dma_wait3A_97, %dma_wait3A_98] : memref<10000x128xf32, #tpu.memory_space<hbm>> -> memref<10000x128xf32, #tpu.memory_space<hbm>>
      tpu.wait_indirect_dma semaphore(%arg12 : memref<!tpu.dma_semaphore, #tpu.memory_space<semaphore_mem>>) src(%dma_wait3A_99 : memref<10000x128xf32, #tpu.memory_space<hbm>>) dst(%arg9 : memref<128x128xf32, #tpu.memory_space<vmem>>)
      %sub3A = arith.constant 1 : i32
      %sub3A_100 = arith.subi %select_n3A, %sub3A : i32
      %lt3A = arith.cmpi slt, %while3A_77, %sub3A_100 : i32
      %convert_element_type3A_101 = arith.extui %lt3A : i1 to i32
      %cond3A_102 = arith.constant 0 : i32
      %cond3A_103 = arith.cmpi ne, %convert_element_type3A_101, %cond3A_102 : i32
      scf.if %cond3A_103 {
        %add3A_105 = arith.constant 2 : i32
        %add3A_106 = arith.addi %mul3A_80, %add3A_105 : i32
        %dma_start3A_107 = arith.constant 0 : i32
        %dma_start3A_108 = tpu.memref_slice %arg6[%add3A_106, %dma_start3A_107] : memref<56x128xi32, #tpu.memory_space<vmem>> -> memref<1x128xi32, #tpu.memory_space<vmem>>
        %dma_start3A_109 = tpu.memref_squeeze %dma_start3A_108 : memref<1x128xi32, #tpu.memory_space<vmem>> -> memref<128xi32, #tpu.memory_space<vmem>>
        %dma_start3A_110 = arith.constant 0 : i32
        %dma_start3A_111 = arith.constant 0 : i32
        %dma_start3A_112 = tpu.memref_slice %arg2[%dma_start3A_110, %dma_start3A_111] : memref<10000x128xf32, #tpu.memory_space<hbm>> -> memref<10000x128xf32, #tpu.memory_space<hbm>>
        tpu.enqueue_indirect_dma source(%dma_start3A_112 : memref<10000x128xf32, #tpu.memory_space<hbm>>) target(%arg8 : memref<128x128xf32, #tpu.memory_space<vmem>>) offsets(%dma_start3A_109 : memref<128xi32, #tpu.memory_space<vmem>>) semaphore(%arg11 : memref<!tpu.dma_semaphore, #tpu.memory_space<semaphore_mem>>)
      } else {
      }
      "tpu.region"() ({
        %run_scoped3A = tpu.sem_alloc : memref<!tpu.dma_semaphore, #tpu.memory_space<semaphore_mem>>
        %dma_start3A_105 = arith.constant 0 : i32
        %dma_start3A_106 = tpu.memref_slice %arg7[%add3A_82, %dma_start3A_105] : memref<56x128xi32, #tpu.memory_space<vmem>> -> memref<1x128xi32, #tpu.memory_space<vmem>>
        %dma_start3A_107 = tpu.memref_squeeze %dma_start3A_106 : memref<1x128xi32, #tpu.memory_space<vmem>> -> memref<128xi32, #tpu.memory_space<vmem>>
        %dma_start3A_108 = arith.constant 0 : i32
        %dma_start3A_109 = arith.constant 0 : i32
        %dma_start3A_110 = tpu.memref_slice %arg10[%dma_start3A_108, %dma_start3A_109] : memref<10240x128xf32, #tpu.memory_space<vmem_shared>> -> memref<10240x128xf32, #tpu.memory_space<vmem_shared>>
        tpu.enqueue_indirect_dma source(%arg9 : memref<128x128xf32, #tpu.memory_space<vmem>>) target(%dma_start3A_110 : memref<10240x128xf32, #tpu.memory_space<vmem_shared>>) offsets(%dma_start3A_107 : memref<128xi32, #tpu.memory_space<vmem>>) semaphore(%run_scoped3A : memref<!tpu.dma_semaphore, #tpu.memory_space<semaphore_mem>>) {add = true}
        %dma_wait3A_111 = arith.constant 0 : i32
        %dma_wait3A_112 = tpu.memref_slice %arg7[%add3A_82, %dma_wait3A_111] : memref<56x128xi32, #tpu.memory_space<vmem>> -> memref<1x128xi32, #tpu.memory_space<vmem>>
        %dma_wait3A_113 = tpu.memref_squeeze %dma_wait3A_112 : memref<1x128xi32, #tpu.memory_space<vmem>> -> memref<128xi32, #tpu.memory_space<vmem>>
        %dma_wait3A_114 = arith.constant 0 : i32
        %dma_wait3A_115 = arith.constant 0 : i32
        %dma_wait3A_116 = tpu.memref_slice %arg10[%dma_wait3A_114, %dma_wait3A_115] : memref<10240x128xf32, #tpu.memory_space<vmem_shared>> -> memref<10240x128xf32, #tpu.memory_space<vmem_shared>>
        tpu.wait_indirect_dma semaphore(%run_scoped3A : memref<!tpu.dma_semaphore, #tpu.memory_space<semaphore_mem>>) src(%arg9 : memref<128x128xf32, #tpu.memory_space<vmem>>) dst(%dma_wait3A_116 : memref<10240x128xf32, #tpu.memory_space<vmem_shared>>)
        tpu.yield
      }) : () -> ()
      %while3A_104 = arith.constant 0 : i32
      scf.yield %while3A_104 : i32
    }
    %convert_element_type3A_45 = arith.extui %eq3A_15 : i1 to i32
    %cond3A_46 = arith.constant 0 : i32
    %cond3A_47 = arith.cmpi ne, %convert_element_type3A_45, %cond3A_46 : i32
    scf.if %cond3A_47 {
      %add3A_77 = arith.constant 56 : i32
      %add3A_78 = arith.addi %add3A_22, %add3A_77 : i32
      "tpu.region"() ({
        %run_scoped3A = tpu.sem_alloc : memref<!tpu.dma_semaphore, #tpu.memory_space<semaphore_mem>>
        %dma_start3A_81 = arith.constant 0 : i32
        %dma_start3A_82 = arith.constant 0 : i32
        %dma_start3A_83 = tpu.memref_slice %arg6[%dma_start3A_81, %dma_start3A_82] : memref<56x128xi32, #tpu.memory_space<vmem>> -> memref<56x128xi32, #tpu.memory_space<vmem>>
        %dma_start3A_84 = arith.constant 0 : i32
        %dma_start3A_85 = tpu.memref_slice %arg3[%add3A_78, %dma_start3A_84] : memref<2560x128xi32, #tpu.memory_space<hbm>> -> memref<56x128xi32, #tpu.memory_space<hbm>>
        %dma_start3A_86 = arith.constant 0 : i32
        %dma_start3A_87 = arith.constant 0 : i32
        %dma_start3A_88 = tpu.memref_slice %arg6[%dma_start3A_86, %dma_start3A_87] : memref<56x128xi32, #tpu.memory_space<vmem>> -> memref<56x128xi32, #tpu.memory_space<vmem>>
        %dma_start3A_89 = arith.constant 0 : i32
        %dma_start3A_90 = tpu.memref_slice %arg3[%add3A_78, %dma_start3A_89] : memref<2560x128xi32, #tpu.memory_space<hbm>> -> memref<56x128xi32, #tpu.memory_space<hbm>>
        tpu.enqueue_dma source(%dma_start3A_90 : memref<56x128xi32, #tpu.memory_space<hbm>>) target(%dma_start3A_88 : memref<56x128xi32, #tpu.memory_space<vmem>>) target_semaphore(%run_scoped3A : memref<!tpu.dma_semaphore, #tpu.memory_space<semaphore_mem>>)
        %dma_wait3A = arith.constant 0 : i32
        %dma_wait3A_91 = arith.constant 0 : i32
        %dma_wait3A_92 = tpu.memref_slice %arg6[%dma_wait3A, %dma_wait3A_91] : memref<56x128xi32, #tpu.memory_space<vmem>> -> memref<56x128xi32, #tpu.memory_space<vmem>>
        %dma_wait3A_93 = arith.constant 0 : i32
        %dma_wait3A_94 = tpu.memref_slice %arg3[%add3A_78, %dma_wait3A_93] : memref<2560x128xi32, #tpu.memory_space<hbm>> -> memref<56x128xi32, #tpu.memory_space<hbm>>
        %dma_wait3A_95 = arith.constant 0 : i32
        %dma_wait3A_96 = arith.constant 0 : i32
        %dma_wait3A_97 = tpu.memref_slice %arg6[%dma_wait3A_95, %dma_wait3A_96] : memref<56x128xi32, #tpu.memory_space<vmem>> -> memref<56x128xi32, #tpu.memory_space<vmem>>
        %dma_wait3A_98 = arith.constant 0 : i32
        %dma_wait3A_99 = tpu.memref_slice %arg3[%add3A_78, %dma_wait3A_98] : memref<2560x128xi32, #tpu.memory_space<hbm>> -> memref<56x128xi32, #tpu.memory_space<hbm>>
        tpu.wait_dma2 semaphore(%run_scoped3A : memref<!tpu.dma_semaphore, #tpu.memory_space<semaphore_mem>>) src(%dma_wait3A_99 : memref<56x128xi32, #tpu.memory_space<hbm>>) dst(%dma_wait3A_97 : memref<56x128xi32, #tpu.memory_space<vmem>>)
        tpu.yield
      }) : () -> ()
      %add3A_79 = arith.constant 56 : i32
      %add3A_80 = arith.addi %add3A_22, %add3A_79 : i32
      "tpu.region"() ({
        %run_scoped3A = tpu.sem_alloc : memref<!tpu.dma_semaphore, #tpu.memory_space<semaphore_mem>>
        %dma_start3A_81 = arith.constant 0 : i32
        %dma_start3A_82 = arith.constant 0 : i32
        %dma_start3A_83 = tpu.memref_slice %arg7[%dma_start3A_81, %dma_start3A_82] : memref<56x128xi32, #tpu.memory_space<vmem>> -> memref<56x128xi32, #tpu.memory_space<vmem>>
        %dma_start3A_84 = arith.constant 0 : i32
        %dma_start3A_85 = tpu.memref_slice %arg4[%add3A_80, %dma_start3A_84] : memref<2560x128xi32, #tpu.memory_space<hbm>> -> memref<56x128xi32, #tpu.memory_space<hbm>>
        %dma_start3A_86 = arith.constant 0 : i32
        %dma_start3A_87 = arith.constant 0 : i32
        %dma_start3A_88 = tpu.memref_slice %arg7[%dma_start3A_86, %dma_start3A_87] : memref<56x128xi32, #tpu.memory_space<vmem>> -> memref<56x128xi32, #tpu.memory_space<vmem>>
        %dma_start3A_89 = arith.constant 0 : i32
        %dma_start3A_90 = tpu.memref_slice %arg4[%add3A_80, %dma_start3A_89] : memref<2560x128xi32, #tpu.memory_space<hbm>> -> memref<56x128xi32, #tpu.memory_space<hbm>>
        tpu.enqueue_dma source(%dma_start3A_90 : memref<56x128xi32, #tpu.memory_space<hbm>>) target(%dma_start3A_88 : memref<56x128xi32, #tpu.memory_space<vmem>>) target_semaphore(%run_scoped3A : memref<!tpu.dma_semaphore, #tpu.memory_space<semaphore_mem>>)
        %dma_wait3A = arith.constant 0 : i32
        %dma_wait3A_91 = arith.constant 0 : i32
        %dma_wait3A_92 = tpu.memref_slice %arg7[%dma_wait3A, %dma_wait3A_91] : memref<56x128xi32, #tpu.memory_space<vmem>> -> memref<56x128xi32, #tpu.memory_space<vmem>>
        %dma_wait3A_93 = arith.constant 0 : i32
        %dma_wait3A_94 = tpu.memref_slice %arg4[%add3A_80, %dma_wait3A_93] : memref<2560x128xi32, #tpu.memory_space<hbm>> -> memref<56x128xi32, #tpu.memory_space<hbm>>
        %dma_wait3A_95 = arith.constant 0 : i32
        %dma_wait3A_96 = arith.constant 0 : i32
        %dma_wait3A_97 = tpu.memref_slice %arg7[%dma_wait3A_95, %dma_wait3A_96] : memref<56x128xi32, #tpu.memory_space<vmem>> -> memref<56x128xi32, #tpu.memory_space<vmem>>
        %dma_wait3A_98 = arith.constant 0 : i32
        %dma_wait3A_99 = tpu.memref_slice %arg4[%add3A_80, %dma_wait3A_98] : memref<2560x128xi32, #tpu.memory_space<hbm>> -> memref<56x128xi32, #tpu.memory_space<hbm>>
        tpu.wait_dma2 semaphore(%run_scoped3A : memref<!tpu.dma_semaphore, #tpu.memory_space<semaphore_mem>>) src(%dma_wait3A_99 : memref<56x128xi32, #tpu.memory_space<hbm>>) dst(%dma_wait3A_97 : memref<56x128xi32, #tpu.memory_space<vmem>>)
        tpu.yield
      }) : () -> ()
    } else {
    }
    %not3A_48 = arith.constant true
    %not3A_49 = arith.xori %eq3A_15, %not3A_48 : i1
    %convert_element_type3A_50 = arith.extui %not3A_49 : i1 to i32
    %cond3A_51 = arith.constant 0 : i32
    %cond3A_52 = arith.cmpi ne, %convert_element_type3A_50, %cond3A_51 : i32
    scf.if %cond3A_52 {
      %add3A_77 = arith.constant 24 : i32
      %add3A_78 = arith.addi %add3A_22, %add3A_77 : i32
      "tpu.region"() ({
        %run_scoped3A = tpu.sem_alloc : memref<!tpu.dma_semaphore, #tpu.memory_space<semaphore_mem>>
        %dma_start3A_81 = arith.constant 0 : i32
        %dma_start3A_82 = arith.constant 0 : i32
        %dma_start3A_83 = tpu.memref_slice %arg6[%dma_start3A_81, %dma_start3A_82] : memref<56x128xi32, #tpu.memory_space<vmem>> -> memref<24x128xi32, #tpu.memory_space<vmem>>
        %dma_start3A_84 = arith.constant 0 : i32
        %dma_start3A_85 = tpu.memref_slice %arg3[%add3A_78, %dma_start3A_84] : memref<2560x128xi32, #tpu.memory_space<hbm>> -> memref<24x128xi32, #tpu.memory_space<hbm>>
        %dma_start3A_86 = arith.constant 0 : i32
        %dma_start3A_87 = arith.constant 0 : i32
        %dma_start3A_88 = tpu.memref_slice %arg6[%dma_start3A_86, %dma_start3A_87] : memref<56x128xi32, #tpu.memory_space<vmem>> -> memref<24x128xi32, #tpu.memory_space<vmem>>
        %dma_start3A_89 = arith.constant 0 : i32
        %dma_start3A_90 = tpu.memref_slice %arg3[%add3A_78, %dma_start3A_89] : memref<2560x128xi32, #tpu.memory_space<hbm>> -> memref<24x128xi32, #tpu.memory_space<hbm>>
        tpu.enqueue_dma source(%dma_start3A_90 : memref<24x128xi32, #tpu.memory_space<hbm>>) target(%dma_start3A_88 : memref<24x128xi32, #tpu.memory_space<vmem>>) target_semaphore(%run_scoped3A : memref<!tpu.dma_semaphore, #tpu.memory_space<semaphore_mem>>)
        %dma_wait3A = arith.constant 0 : i32
        %dma_wait3A_91 = arith.constant 0 : i32
        %dma_wait3A_92 = tpu.memref_slice %arg6[%dma_wait3A, %dma_wait3A_91] : memref<56x128xi32, #tpu.memory_space<vmem>> -> memref<24x128xi32, #tpu.memory_space<vmem>>
        %dma_wait3A_93 = arith.constant 0 : i32
        %dma_wait3A_94 = tpu.memref_slice %arg3[%add3A_78, %dma_wait3A_93] : memref<2560x128xi32, #tpu.memory_space<hbm>> -> memref<24x128xi32, #tpu.memory_space<hbm>>
        %dma_wait3A_95 = arith.constant 0 : i32
        %dma_wait3A_96 = arith.constant 0 : i32
        %dma_wait3A_97 = tpu.memref_slice %arg6[%dma_wait3A_95, %dma_wait3A_96] : memref<56x128xi32, #tpu.memory_space<vmem>> -> memref<24x128xi32, #tpu.memory_space<vmem>>
        %dma_wait3A_98 = arith.constant 0 : i32
        %dma_wait3A_99 = tpu.memref_slice %arg3[%add3A_78, %dma_wait3A_98] : memref<2560x128xi32, #tpu.memory_space<hbm>> -> memref<24x128xi32, #tpu.memory_space<hbm>>
        tpu.wait_dma2 semaphore(%run_scoped3A : memref<!tpu.dma_semaphore, #tpu.memory_space<semaphore_mem>>) src(%dma_wait3A_99 : memref<24x128xi32, #tpu.memory_space<hbm>>) dst(%dma_wait3A_97 : memref<24x128xi32, #tpu.memory_space<vmem>>)
        tpu.yield
      }) : () -> ()
      %add3A_79 = arith.constant 24 : i32
      %add3A_80 = arith.addi %add3A_22, %add3A_79 : i32
      "tpu.region"() ({
        %run_scoped3A = tpu.sem_alloc : memref<!tpu.dma_semaphore, #tpu.memory_space<semaphore_mem>>
        %dma_start3A_81 = arith.constant 0 : i32
        %dma_start3A_82 = arith.constant 0 : i32
        %dma_start3A_83 = tpu.memref_slice %arg7[%dma_start3A_81, %dma_start3A_82] : memref<56x128xi32, #tpu.memory_space<vmem>> -> memref<24x128xi32, #tpu.memory_space<vmem>>
        %dma_start3A_84 = arith.constant 0 : i32
        %dma_start3A_85 = tpu.memref_slice %arg4[%add3A_80, %dma_start3A_84] : memref<2560x128xi32, #tpu.memory_space<hbm>> -> memref<24x128xi32, #tpu.memory_space<hbm>>
        %dma_start3A_86 = arith.constant 0 : i32
        %dma_start3A_87 = arith.constant 0 : i32
        %dma_start3A_88 = tpu.memref_slice %arg7[%dma_start3A_86, %dma_start3A_87] : memref<56x128xi32, #tpu.memory_space<vmem>> -> memref<24x128xi32, #tpu.memory_space<vmem>>
        %dma_start3A_89 = arith.constant 0 : i32
        %dma_start3A_90 = tpu.memref_slice %arg4[%add3A_80, %dma_start3A_89] : memref<2560x128xi32, #tpu.memory_space<hbm>> -> memref<24x128xi32, #tpu.memory_space<hbm>>
        tpu.enqueue_dma source(%dma_start3A_90 : memref<24x128xi32, #tpu.memory_space<hbm>>) target(%dma_start3A_88 : memref<24x128xi32, #tpu.memory_space<vmem>>) target_semaphore(%run_scoped3A : memref<!tpu.dma_semaphore, #tpu.memory_space<semaphore_mem>>)
        %dma_wait3A = arith.constant 0 : i32
        %dma_wait3A_91 = arith.constant 0 : i32
        %dma_wait3A_92 = tpu.memref_slice %arg7[%dma_wait3A, %dma_wait3A_91] : memref<56x128xi32, #tpu.memory_space<vmem>> -> memref<24x128xi32, #tpu.memory_space<vmem>>
        %dma_wait3A_93 = arith.constant 0 : i32
        %dma_wait3A_94 = tpu.memref_slice %arg4[%add3A_80, %dma_wait3A_93] : memref<2560x128xi32, #tpu.memory_space<hbm>> -> memref<24x128xi32, #tpu.memory_space<hbm>>
        %dma_wait3A_95 = arith.constant 0 : i32
        %dma_wait3A_96 = arith.constant 0 : i32
        %dma_wait3A_97 = tpu.memref_slice %arg7[%dma_wait3A_95, %dma_wait3A_96] : memref<56x128xi32, #tpu.memory_space<vmem>> -> memref<24x128xi32, #tpu.memory_space<vmem>>
        %dma_wait3A_98 = arith.constant 0 : i32
        %dma_wait3A_99 = tpu.memref_slice %arg4[%add3A_80, %dma_wait3A_98] : memref<2560x128xi32, #tpu.memory_space<hbm>> -> memref<24x128xi32, #tpu.memory_space<hbm>>
        tpu.wait_dma2 semaphore(%run_scoped3A : memref<!tpu.dma_semaphore, #tpu.memory_space<semaphore_mem>>) src(%dma_wait3A_99 : memref<24x128xi32, #tpu.memory_space<hbm>>) dst(%dma_wait3A_97 : memref<24x128xi32, #tpu.memory_space<vmem>>)
        tpu.yield
      }) : () -> ()
    } else {
    }
    %dma_start3A_53 = arith.constant 0 : i32
    %dma_start3A_54 = arith.constant 0 : i32
    %dma_start3A_55 = tpu.memref_slice %arg6[%dma_start3A_53, %dma_start3A_54] : memref<56x128xi32, #tpu.memory_space<vmem>> -> memref<1x128xi32, #tpu.memory_space<vmem>>
    %dma_start3A_56 = tpu.memref_squeeze %dma_start3A_55 : memref<1x128xi32, #tpu.memory_space<vmem>> -> memref<128xi32, #tpu.memory_space<vmem>>
    %dma_start3A_57 = arith.constant 0 : i32
    %dma_start3A_58 = arith.constant 0 : i32
    %dma_start3A_59 = tpu.memref_slice %arg2[%dma_start3A_57, %dma_start3A_58] : memref<10000x128xf32, #tpu.memory_space<hbm>> -> memref<10000x128xf32, #tpu.memory_space<hbm>>
    tpu.enqueue_indirect_dma source(%dma_start3A_59 : memref<10000x128xf32, #tpu.memory_space<hbm>>) target(%arg8 : memref<128x128xf32, #tpu.memory_space<vmem>>) offsets(%dma_start3A_56 : memref<128xi32, #tpu.memory_space<vmem>>) semaphore(%arg11 : memref<!tpu.dma_semaphore, #tpu.memory_space<semaphore_mem>>)
    %while3A_60 = arith.constant 0 : i32
    %while3A_61 = arith.constant 0 : i32
    %while3A_62 = arith.subi %select_n3A, %while3A_60 : i32
    %while3A_63 = arith.addi %while3A_60, %while3A_62 : i32
    %while3A_64 = arith.constant 1 : i32
    %while3A_65 = arith.divsi %while3A_62, %while3A_64 : i32
    %while3A_66 = arith.muli %while3A_65, %while3A_64 : i32
    %while3A_67 = arith.addi %while3A_60, %while3A_66 : i32
    %while3A_68 = arith.constant 1 : i32
    %while3A_69 = scf.for %while3A_77 = %while3A_60 to %while3A_67 step %while3A_68 iter_args(%while3A_78 = %while3A_61) -> (i32)  : i32 {
      %mul3A_79 = arith.constant 2 : i32
      %mul3A_80 = arith.muli %while3A_77, %mul3A_79 : i32
      %add3A_81 = arith.constant 1 : i32
      %add3A_82 = arith.addi %mul3A_80, %add3A_81 : i32
      %dma_wait3A = arith.constant 0 : i32
      %dma_wait3A_83 = tpu.memref_slice %arg6[%mul3A_80, %dma_wait3A] : memref<56x128xi32, #tpu.memory_space<vmem>> -> memref<1x128xi32, #tpu.memory_space<vmem>>
      %dma_wait3A_84 = tpu.memref_squeeze %dma_wait3A_83 : memref<1x128xi32, #tpu.memory_space<vmem>> -> memref<128xi32, #tpu.memory_space<vmem>>
      %dma_wait3A_85 = arith.constant 0 : i32
      %dma_wait3A_86 = arith.constant 0 : i32
      %dma_wait3A_87 = tpu.memref_slice %arg2[%dma_wait3A_85, %dma_wait3A_86] : memref<10000x128xf32, #tpu.memory_space<hbm>> -> memref<10000x128xf32, #tpu.memory_space<hbm>>
      tpu.wait_indirect_dma semaphore(%arg11 : memref<!tpu.dma_semaphore, #tpu.memory_space<semaphore_mem>>) src(%dma_wait3A_87 : memref<10000x128xf32, #tpu.memory_space<hbm>>) dst(%arg8 : memref<128x128xf32, #tpu.memory_space<vmem>>)
      %dma_start3A_88 = arith.constant 0 : i32
      %dma_start3A_89 = tpu.memref_slice %arg6[%add3A_82, %dma_start3A_88] : memref<56x128xi32, #tpu.memory_space<vmem>> -> memref<1x128xi32, #tpu.memory_space<vmem>>
      %dma_start3A_90 = tpu.memref_squeeze %dma_start3A_89 : memref<1x128xi32, #tpu.memory_space<vmem>> -> memref<128xi32, #tpu.memory_space<vmem>>
      %dma_start3A_91 = arith.constant 0 : i32
      %dma_start3A_92 = arith.constant 0 : i32
      %dma_start3A_93 = tpu.memref_slice %arg2[%dma_start3A_91, %dma_start3A_92] : memref<10000x128xf32, #tpu.memory_space<hbm>> -> memref<10000x128xf32, #tpu.memory_space<hbm>>
      tpu.enqueue_indirect_dma source(%dma_start3A_93 : memref<10000x128xf32, #tpu.memory_space<hbm>>) target(%arg9 : memref<128x128xf32, #tpu.memory_space<vmem>>) offsets(%dma_start3A_90 : memref<128xi32, #tpu.memory_space<vmem>>) semaphore(%arg12 : memref<!tpu.dma_semaphore, #tpu.memory_space<semaphore_mem>>)
      "tpu.region"() ({
        %run_scoped3A = tpu.sem_alloc : memref<!tpu.dma_semaphore, #tpu.memory_space<semaphore_mem>>
        %dma_start3A_105 = arith.constant 0 : i32
        %dma_start3A_106 = tpu.memref_slice %arg7[%mul3A_80, %dma_start3A_105] : memref<56x128xi32, #tpu.memory_space<vmem>> -> memref<1x128xi32, #tpu.memory_space<vmem>>
        %dma_start3A_107 = tpu.memref_squeeze %dma_start3A_106 : memref<1x128xi32, #tpu.memory_space<vmem>> -> memref<128xi32, #tpu.memory_space<vmem>>
        %dma_start3A_108 = arith.constant 0 : i32
        %dma_start3A_109 = arith.constant 0 : i32
        %dma_start3A_110 = tpu.memref_slice %arg10[%dma_start3A_108, %dma_start3A_109] : memref<10240x128xf32, #tpu.memory_space<vmem_shared>> -> memref<10240x128xf32, #tpu.memory_space<vmem_shared>>
        tpu.enqueue_indirect_dma source(%arg8 : memref<128x128xf32, #tpu.memory_space<vmem>>) target(%dma_start3A_110 : memref<10240x128xf32, #tpu.memory_space<vmem_shared>>) offsets(%dma_start3A_107 : memref<128xi32, #tpu.memory_space<vmem>>) semaphore(%run_scoped3A : memref<!tpu.dma_semaphore, #tpu.memory_space<semaphore_mem>>) {add = true}
        %dma_wait3A_111 = arith.constant 0 : i32
        %dma_wait3A_112 = tpu.memref_slice %arg7[%mul3A_80, %dma_wait3A_111] : memref<56x128xi32, #tpu.memory_space<vmem>> -> memref<1x128xi32, #tpu.memory_space<vmem>>
        %dma_wait3A_113 = tpu.memref_squeeze %dma_wait3A_112 : memref<1x128xi32, #tpu.memory_space<vmem>> -> memref<128xi32, #tpu.memory_space<vmem>>
        %dma_wait3A_114 = arith.constant 0 : i32
        %dma_wait3A_115 = arith.constant 0 : i32
        %dma_wait3A_116 = tpu.memref_slice %arg10[%dma_wait3A_114, %dma_wait3A_115] : memref<10240x128xf32, #tpu.memory_space<vmem_shared>> -> memref<10240x128xf32, #tpu.memory_space<vmem_shared>>
        tpu.wait_indirect_dma semaphore(%run_scoped3A : memref<!tpu.dma_semaphore, #tpu.memory_space<semaphore_mem>>) src(%arg8 : memref<128x128xf32, #tpu.memory_space<vmem>>) dst(%dma_wait3A_116 : memref<10240x128xf32, #tpu.memory_space<vmem_shared>>)
        tpu.yield
      }) : () -> ()
      %dma_wait3A_94 = arith.constant 0 : i32
      %dma_wait3A_95 = tpu.memref_slice %arg6[%add3A_82, %dma_wait3A_94] : memref<56x128xi32, #tpu.memory_space<vmem>> -> memref<1x128xi32, #tpu.memory_space<vmem>>
      %dma_wait3A_96 = tpu.memref_squeeze %dma_wait3A_95 : memref<1x128xi32, #tpu.memory_space<vmem>> -> memref<128xi32, #tpu.memory_space<vmem>>
      %dma_wait3A_97 = arith.constant 0 : i32
      %dma_wait3A_98 = arith.constant 0 : i32
      %dma_wait3A_99 = tpu.memref_slice %arg2[%dma_wait3A_97, %dma_wait3A_98] : memref<10000x128xf32, #tpu.memory_space<hbm>> -> memref<10000x128xf32, #tpu.memory_space<hbm>>
      tpu.wait_indirect_dma semaphore(%arg12 : memref<!tpu.dma_semaphore, #tpu.memory_space<semaphore_mem>>) src(%dma_wait3A_99 : memref<10000x128xf32, #tpu.memory_space<hbm>>) dst(%arg9 : memref<128x128xf32, #tpu.memory_space<vmem>>)
      %sub3A = arith.constant 1 : i32
      %sub3A_100 = arith.subi %select_n3A, %sub3A : i32
      %lt3A = arith.cmpi slt, %while3A_77, %sub3A_100 : i32
      %convert_element_type3A_101 = arith.extui %lt3A : i1 to i32
      %cond3A_102 = arith.constant 0 : i32
      %cond3A_103 = arith.cmpi ne, %convert_element_type3A_101, %cond3A_102 : i32
      scf.if %cond3A_103 {
        %add3A_105 = arith.constant 2 : i32
        %add3A_106 = arith.addi %mul3A_80, %add3A_105 : i32
        %dma_start3A_107 = arith.constant 0 : i32
        %dma_start3A_108 = tpu.memref_slice %arg6[%add3A_106, %dma_start3A_107] : memref<56x128xi32, #tpu.memory_space<vmem>> -> memref<1x128xi32, #tpu.memory_space<vmem>>
        %dma_start3A_109 = tpu.memref_squeeze %dma_start3A_108 : memref<1x128xi32, #tpu.memory_space<vmem>> -> memref<128xi32, #tpu.memory_space<vmem>>
        %dma_start3A_110 = arith.constant 0 : i32
        %dma_start3A_111 = arith.constant 0 : i32
        %dma_start3A_112 = tpu.memref_slice %arg2[%dma_start3A_110, %dma_start3A_111] : memref<10000x128xf32, #tpu.memory_space<hbm>> -> memref<10000x128xf32, #tpu.memory_space<hbm>>
        tpu.enqueue_indirect_dma source(%dma_start3A_112 : memref<10000x128xf32, #tpu.memory_space<hbm>>) target(%arg8 : memref<128x128xf32, #tpu.memory_space<vmem>>) offsets(%dma_start3A_109 : memref<128xi32, #tpu.memory_space<vmem>>) semaphore(%arg11 : memref<!tpu.dma_semaphore, #tpu.memory_space<semaphore_mem>>)
      } else {
      }
      "tpu.region"() ({
        %run_scoped3A = tpu.sem_alloc : memref<!tpu.dma_semaphore, #tpu.memory_space<semaphore_mem>>
        %dma_start3A_105 = arith.constant 0 : i32
        %dma_start3A_106 = tpu.memref_slice %arg7[%add3A_82, %dma_start3A_105] : memref<56x128xi32, #tpu.memory_space<vmem>> -> memref<1x128xi32, #tpu.memory_space<vmem>>
        %dma_start3A_107 = tpu.memref_squeeze %dma_start3A_106 : memref<1x128xi32, #tpu.memory_space<vmem>> -> memref<128xi32, #tpu.memory_space<vmem>>
        %dma_start3A_108 = arith.constant 0 : i32
        %dma_start3A_109 = arith.constant 0 : i32
        %dma_start3A_110 = tpu.memref_slice %arg10[%dma_start3A_108, %dma_start3A_109] : memref<10240x128xf32, #tpu.memory_space<vmem_shared>> -> memref<10240x128xf32, #tpu.memory_space<vmem_shared>>
        tpu.enqueue_indirect_dma source(%arg9 : memref<128x128xf32, #tpu.memory_space<vmem>>) target(%dma_start3A_110 : memref<10240x128xf32, #tpu.memory_space<vmem_shared>>) offsets(%dma_start3A_107 : memref<128xi32, #tpu.memory_space<vmem>>) semaphore(%run_scoped3A : memref<!tpu.dma_semaphore, #tpu.memory_space<semaphore_mem>>) {add = true}
        %dma_wait3A_111 = arith.constant 0 : i32
        %dma_wait3A_112 = tpu.memref_slice %arg7[%add3A_82, %dma_wait3A_111] : memref<56x128xi32, #tpu.memory_space<vmem>> -> memref<1x128xi32, #tpu.memory_space<vmem>>
        %dma_wait3A_113 = tpu.memref_squeeze %dma_wait3A_112 : memref<1x128xi32, #tpu.memory_space<vmem>> -> memref<128xi32, #tpu.memory_space<vmem>>
        %dma_wait3A_114 = arith.constant 0 : i32
        %dma_wait3A_115 = arith.constant 0 : i32
        %dma_wait3A_116 = tpu.memref_slice %arg10[%dma_wait3A_114, %dma_wait3A_115] : memref<10240x128xf32, #tpu.memory_space<vmem_shared>> -> memref<10240x128xf32, #tpu.memory_space<vmem_shared>>
        tpu.wait_indirect_dma semaphore(%run_scoped3A : memref<!tpu.dma_semaphore, #tpu.memory_space<semaphore_mem>>) src(%arg9 : memref<128x128xf32, #tpu.memory_space<vmem>>) dst(%dma_wait3A_116 : memref<10240x128xf32, #tpu.memory_space<vmem_shared>>)
        tpu.yield
      }) : () -> ()
      %while3A_104 = arith.constant 0 : i32
      scf.yield %while3A_104 : i32
    }
    %while3A_70 = arith.constant 1 : i32
    %while3A_71 = scf.for %while3A_77 = %while3A_67 to %while3A_63 step %while3A_70 iter_args(%while3A_78 = %while3A_69) -> (i32)  : i32 {
      %mul3A_79 = arith.constant 2 : i32
      %mul3A_80 = arith.muli %while3A_77, %mul3A_79 : i32
      %add3A_81 = arith.constant 1 : i32
      %add3A_82 = arith.addi %mul3A_80, %add3A_81 : i32
      %dma_wait3A = arith.constant 0 : i32
      %dma_wait3A_83 = tpu.memref_slice %arg6[%mul3A_80, %dma_wait3A] : memref<56x128xi32, #tpu.memory_space<vmem>> -> memref<1x128xi32, #tpu.memory_space<vmem>>
      %dma_wait3A_84 = tpu.memref_squeeze %dma_wait3A_83 : memref<1x128xi32, #tpu.memory_space<vmem>> -> memref<128xi32, #tpu.memory_space<vmem>>
      %dma_wait3A_85 = arith.constant 0 : i32
      %dma_wait3A_86 = arith.constant 0 : i32
      %dma_wait3A_87 = tpu.memref_slice %arg2[%dma_wait3A_85, %dma_wait3A_86] : memref<10000x128xf32, #tpu.memory_space<hbm>> -> memref<10000x128xf32, #tpu.memory_space<hbm>>
      tpu.wait_indirect_dma semaphore(%arg11 : memref<!tpu.dma_semaphore, #tpu.memory_space<semaphore_mem>>) src(%dma_wait3A_87 : memref<10000x128xf32, #tpu.memory_space<hbm>>) dst(%arg8 : memref<128x128xf32, #tpu.memory_space<vmem>>)
      %dma_start3A_88 = arith.constant 0 : i32
      %dma_start3A_89 = tpu.memref_slice %arg6[%add3A_82, %dma_start3A_88] : memref<56x128xi32, #tpu.memory_space<vmem>> -> memref<1x128xi32, #tpu.memory_space<vmem>>
      %dma_start3A_90 = tpu.memref_squeeze %dma_start3A_89 : memref<1x128xi32, #tpu.memory_space<vmem>> -> memref<128xi32, #tpu.memory_space<vmem>>
      %dma_start3A_91 = arith.constant 0 : i32
      %dma_start3A_92 = arith.constant 0 : i32
      %dma_start3A_93 = tpu.memref_slice %arg2[%dma_start3A_91, %dma_start3A_92] : memref<10000x128xf32, #tpu.memory_space<hbm>> -> memref<10000x128xf32, #tpu.memory_space<hbm>>
      tpu.enqueue_indirect_dma source(%dma_start3A_93 : memref<10000x128xf32, #tpu.memory_space<hbm>>) target(%arg9 : memref<128x128xf32, #tpu.memory_space<vmem>>) offsets(%dma_start3A_90 : memref<128xi32, #tpu.memory_space<vmem>>) semaphore(%arg12 : memref<!tpu.dma_semaphore, #tpu.memory_space<semaphore_mem>>)
      "tpu.region"() ({
        %run_scoped3A = tpu.sem_alloc : memref<!tpu.dma_semaphore, #tpu.memory_space<semaphore_mem>>
        %dma_start3A_105 = arith.constant 0 : i32
        %dma_start3A_106 = tpu.memref_slice %arg7[%mul3A_80, %dma_start3A_105] : memref<56x128xi32, #tpu.memory_space<vmem>> -> memref<1x128xi32, #tpu.memory_space<vmem>>
        %dma_start3A_107 = tpu.memref_squeeze %dma_start3A_106 : memref<1x128xi32, #tpu.memory_space<vmem>> -> memref<128xi32, #tpu.memory_space<vmem>>
        %dma_start3A_108 = arith.constant 0 : i32
        %dma_start3A_109 = arith.constant 0 : i32
        %dma_start3A_110 = tpu.memref_slice %arg10[%dma_start3A_108, %dma_start3A_109] : memref<10240x128xf32, #tpu.memory_space<vmem_shared>> -> memref<10240x128xf32, #tpu.memory_space<vmem_shared>>
        tpu.enqueue_indirect_dma source(%arg8 : memref<128x128xf32, #tpu.memory_space<vmem>>) target(%dma_start3A_110 : memref<10240x128xf32, #tpu.memory_space<vmem_shared>>) offsets(%dma_start3A_107 : memref<128xi32, #tpu.memory_space<vmem>>) semaphore(%run_scoped3A : memref<!tpu.dma_semaphore, #tpu.memory_space<semaphore_mem>>) {add = true}
        %dma_wait3A_111 = arith.constant 0 : i32
        %dma_wait3A_112 = tpu.memref_slice %arg7[%mul3A_80, %dma_wait3A_111] : memref<56x128xi32, #tpu.memory_space<vmem>> -> memref<1x128xi32, #tpu.memory_space<vmem>>
        %dma_wait3A_113 = tpu.memref_squeeze %dma_wait3A_112 : memref<1x128xi32, #tpu.memory_space<vmem>> -> memref<128xi32, #tpu.memory_space<vmem>>
        %dma_wait3A_114 = arith.constant 0 : i32
        %dma_wait3A_115 = arith.constant 0 : i32
        %dma_wait3A_116 = tpu.memref_slice %arg10[%dma_wait3A_114, %dma_wait3A_115] : memref<10240x128xf32, #tpu.memory_space<vmem_shared>> -> memref<10240x128xf32, #tpu.memory_space<vmem_shared>>
        tpu.wait_indirect_dma semaphore(%run_scoped3A : memref<!tpu.dma_semaphore, #tpu.memory_space<semaphore_mem>>) src(%arg8 : memref<128x128xf32, #tpu.memory_space<vmem>>) dst(%dma_wait3A_116 : memref<10240x128xf32, #tpu.memory_space<vmem_shared>>)
        tpu.yield
      }) : () -> ()
      %dma_wait3A_94 = arith.constant 0 : i32
      %dma_wait3A_95 = tpu.memref_slice %arg6[%add3A_82, %dma_wait3A_94] : memref<56x128xi32, #tpu.memory_space<vmem>> -> memref<1x128xi32, #tpu.memory_space<vmem>>
      %dma_wait3A_96 = tpu.memref_squeeze %dma_wait3A_95 : memref<1x128xi32, #tpu.memory_space<vmem>> -> memref<128xi32, #tpu.memory_space<vmem>>
      %dma_wait3A_97 = arith.constant 0 : i32
      %dma_wait3A_98 = arith.constant 0 : i32
      %dma_wait3A_99 = tpu.memref_slice %arg2[%dma_wait3A_97, %dma_wait3A_98] : memref<10000x128xf32, #tpu.memory_space<hbm>> -> memref<10000x128xf32, #tpu.memory_space<hbm>>
      tpu.wait_indirect_dma semaphore(%arg12 : memref<!tpu.dma_semaphore, #tpu.memory_space<semaphore_mem>>) src(%dma_wait3A_99 : memref<10000x128xf32, #tpu.memory_space<hbm>>) dst(%arg9 : memref<128x128xf32, #tpu.memory_space<vmem>>)
      %sub3A = arith.constant 1 : i32
      %sub3A_100 = arith.subi %select_n3A, %sub3A : i32
      %lt3A = arith.cmpi slt, %while3A_77, %sub3A_100 : i32
      %convert_element_type3A_101 = arith.extui %lt3A : i1 to i32
      %cond3A_102 = arith.constant 0 : i32
      %cond3A_103 = arith.cmpi ne, %convert_element_type3A_101, %cond3A_102 : i32
      scf.if %cond3A_103 {
        %add3A_105 = arith.constant 2 : i32
        %add3A_106 = arith.addi %mul3A_80, %add3A_105 : i32
        %dma_start3A_107 = arith.constant 0 : i32
        %dma_start3A_108 = tpu.memref_slice %arg6[%add3A_106, %dma_start3A_107] : memref<56x128xi32, #tpu.memory_space<vmem>> -> memref<1x128xi32, #tpu.memory_space<vmem>>
        %dma_start3A_109 = tpu.memref_squeeze %dma_start3A_108 : memref<1x128xi32, #tpu.memory_space<vmem>> -> memref<128xi32, #tpu.memory_space<vmem>>
        %dma_start3A_110 = arith.constant 0 : i32
        %dma_start3A_111 = arith.constant 0 : i32
        %dma_start3A_112 = tpu.memref_slice %arg2[%dma_start3A_110, %dma_start3A_111] : memref<10000x128xf32, #tpu.memory_space<hbm>> -> memref<10000x128xf32, #tpu.memory_space<hbm>>
        tpu.enqueue_indirect_dma source(%dma_start3A_112 : memref<10000x128xf32, #tpu.memory_space<hbm>>) target(%arg8 : memref<128x128xf32, #tpu.memory_space<vmem>>) offsets(%dma_start3A_109 : memref<128xi32, #tpu.memory_space<vmem>>) semaphore(%arg11 : memref<!tpu.dma_semaphore, #tpu.memory_space<semaphore_mem>>)
      } else {
      }
      "tpu.region"() ({
        %run_scoped3A = tpu.sem_alloc : memref<!tpu.dma_semaphore, #tpu.memory_space<semaphore_mem>>
        %dma_start3A_105 = arith.constant 0 : i32
        %dma_start3A_106 = tpu.memref_slice %arg7[%add3A_82, %dma_start3A_105] : memref<56x128xi32, #tpu.memory_space<vmem>> -> memref<1x128xi32, #tpu.memory_space<vmem>>
        %dma_start3A_107 = tpu.memref_squeeze %dma_start3A_106 : memref<1x128xi32, #tpu.memory_space<vmem>> -> memref<128xi32, #tpu.memory_space<vmem>>
        %dma_start3A_108 = arith.constant 0 : i32
        %dma_start3A_109 = arith.constant 0 : i32
        %dma_start3A_110 = tpu.memref_slice %arg10[%dma_start3A_108, %dma_start3A_109] : memref<10240x128xf32, #tpu.memory_space<vmem_shared>> -> memref<10240x128xf32, #tpu.memory_space<vmem_shared>>
        tpu.enqueue_indirect_dma source(%arg9 : memref<128x128xf32, #tpu.memory_space<vmem>>) target(%dma_start3A_110 : memref<10240x128xf32, #tpu.memory_space<vmem_shared>>) offsets(%dma_start3A_107 : memref<128xi32, #tpu.memory_space<vmem>>) semaphore(%run_scoped3A : memref<!tpu.dma_semaphore, #tpu.memory_space<semaphore_mem>>) {add = true}
        %dma_wait3A_111 = arith.constant 0 : i32
        %dma_wait3A_112 = tpu.memref_slice %arg7[%add3A_82, %dma_wait3A_111] : memref<56x128xi32, #tpu.memory_space<vmem>> -> memref<1x128xi32, #tpu.memory_space<vmem>>
        %dma_wait3A_113 = tpu.memref_squeeze %dma_wait3A_112 : memref<1x128xi32, #tpu.memory_space<vmem>> -> memref<128xi32, #tpu.memory_space<vmem>>
        %dma_wait3A_114 = arith.constant 0 : i32
        %dma_wait3A_115 = arith.constant 0 : i32
        %dma_wait3A_116 = tpu.memref_slice %arg10[%dma_wait3A_114, %dma_wait3A_115] : memref<10240x128xf32, #tpu.memory_space<vmem_shared>> -> memref<10240x128xf32, #tpu.memory_space<vmem_shared>>
        tpu.wait_indirect_dma semaphore(%run_scoped3A : memref<!tpu.dma_semaphore, #tpu.memory_space<semaphore_mem>>) src(%arg9 : memref<128x128xf32, #tpu.memory_space<vmem>>) dst(%dma_wait3A_116 : memref<10240x128xf32, #tpu.memory_space<vmem_shared>>)
        tpu.yield
      }) : () -> ()
      %while3A_104 = arith.constant 0 : i32
      scf.yield %while3A_104 : i32
    }
    %barrier3A_72 = arith.constant 0 : index
    tpu.barrier barrier_id(%barrier3A_72)
    %mul3A_73 = arith.constant 640 : i32
    %mul3A_74 = arith.muli %arg1, %mul3A_73 : i32
    %mul3A_75 = arith.constant 640 : i32
    %mul3A_76 = arith.muli %arg1, %mul3A_75 : i32
    "tpu.region"() ({
      %run_scoped3A = tpu.sem_alloc : memref<!tpu.dma_semaphore, #tpu.memory_space<semaphore_mem>>
      %dma_start3A_77 = arith.constant 0 : i32
      %dma_start3A_78 = tpu.memref_slice %arg5[%arg0, %mul3A_76, %dma_start3A_77] : memref<2x10240x128xf32, #tpu.memory_space<hbm>> -> memref<1x640x128xf32, #tpu.memory_space<hbm>>
      %dma_start3A_79 = tpu.memref_squeeze %dma_start3A_78 : memref<1x640x128xf32, #tpu.memory_space<hbm>> -> memref<640x128xf32, #tpu.memory_space<hbm>>
      %dma_start3A_80 = arith.constant 0 : i32
      %dma_start3A_81 = tpu.memref_slice %arg10[%mul3A_74, %dma_start3A_80] : memref<10240x128xf32, #tpu.memory_space<vmem_shared>> -> memref<640x128xf32, #tpu.memory_space<vmem_shared>>
      tpu.enqueue_dma source(%dma_start3A_81 : memref<640x128xf32, #tpu.memory_space<vmem_shared>>) target(%dma_start3A_79 : memref<640x128xf32, #tpu.memory_space<hbm>>) target_semaphore(%run_scoped3A : memref<!tpu.dma_semaphore, #tpu.memory_space<semaphore_mem>>)
      %dma_wait3A = arith.constant 0 : i32
      %dma_wait3A_82 = tpu.memref_slice %arg5[%arg0, %mul3A_76, %dma_wait3A] : memref<2x10240x128xf32, #tpu.memory_space<hbm>> -> memref<1x640x128xf32, #tpu.memory_space<hbm>>
      %dma_wait3A_83 = tpu.memref_squeeze %dma_wait3A_82 : memref<1x640x128xf32, #tpu.memory_space<hbm>> -> memref<640x128xf32, #tpu.memory_space<hbm>>
      %dma_wait3A_84 = arith.constant 0 : i32
      %dma_wait3A_85 = tpu.memref_slice %arg10[%mul3A_74, %dma_wait3A_84] : memref<10240x128xf32, #tpu.memory_space<vmem_shared>> -> memref<640x128xf32, #tpu.memory_space<vmem_shared>>
      tpu.wait_dma2 semaphore(%run_scoped3A : memref<!tpu.dma_semaphore, #tpu.memory_space<semaphore_mem>>) src(%dma_wait3A_85 : memref<640x128xf32, #tpu.memory_space<vmem_shared>>) dst(%dma_wait3A_83 : memref<640x128xf32, #tpu.memory_space<hbm>>)
      tpu.yield
    }) : () -> ()
    return
  }
}

#map = affine_map<(d0, d1) -> (0, 0)>
module attributes {stable_mosaic.version = 14 : i64} {
  func.func @_sc_deg_body(%arg0: i32, %arg1: i32, %arg2: memref<2560x128xi32, #tpu.memory_space<hbm>>, %arg3: memref<2x10240xf32, #tpu.memory_space<hbm>>, %arg4: memref<80x128xi32, #tpu.memory_space<vmem>>, %arg5: memref<128xf32, #tpu.memory_space<vmem>>, %arg6: memref<128xf32, #tpu.memory_space<vmem>>, %arg7: memref<10240xf32, #tpu.memory_space<vmem_shared>>) attributes {dimension_semantics = [#tpu.dimension_semantics<core_parallel>, #tpu.dimension_semantics<subcore_parallel>], iteration_bounds = array<i64: 2, 16>, scalar_prefetch = 0 : i64, scratch_operands = 4 : i64, tpu.core_type = #tpu.core_type<sc_vector_subcore>, window_params = [{transform_indices = #map}, {transform_indices = #map}]} {
    %mul3A = arith.constant 2 : i32
    %mul3A_0 = arith.muli %arg1, %mul3A : i32
    %add3A = arith.addi %mul3A_0, %arg0 : i32
    %broadcast_in_dim3A = arith.constant 0.000000e+00 : f32
    %broadcast_in_dim3A_1 = vector.broadcast %broadcast_in_dim3A : f32 to vector<16xf32>
    %broadcast_in_dim3A_2 = arith.constant 1.000000e+00 : f32
    %broadcast_in_dim3A_3 = vector.broadcast %broadcast_in_dim3A_2 : f32 to vector<16xf32>
    %swap3A = arith.constant 0 : index
    %swap3A_4 = tpu.vector_load %arg6[%swap3A] {strides = array<i32>} : memref<128xf32, #tpu.memory_space<vmem>>, vector<16xf32>,
    %swap3A_5 = vector.shape_cast %swap3A_4 : vector<16xf32> to vector<16xf32>
    %swap3A_6 = vector.shape_cast %broadcast_in_dim3A_1 : vector<16xf32> to vector<16xf32>
    tpu.vector_store %arg6[%swap3A], %swap3A_6 {strides = array<i32>} : memref<128xf32, #tpu.memory_space<vmem>>, vector<16xf32>,
    %swap3A_7 = arith.constant 0 : index
    %swap3A_8 = tpu.vector_load %arg5[%swap3A_7] {strides = array<i32>} : memref<128xf32, #tpu.memory_space<vmem>>, vector<16xf32>,
    %swap3A_9 = vector.shape_cast %swap3A_8 : vector<16xf32> to vector<16xf32>
    %swap3A_10 = vector.shape_cast %broadcast_in_dim3A_3 : vector<16xf32> to vector<16xf32>
    tpu.vector_store %arg5[%swap3A_7], %swap3A_10 {strides = array<i32>} : memref<128xf32, #tpu.memory_space<vmem>>, vector<16xf32>,
    %swap3A_11 = arith.constant 16 : index
    %swap3A_12 = tpu.vector_load %arg6[%swap3A_11] {strides = array<i32>} : memref<128xf32, #tpu.memory_space<vmem>>, vector<16xf32>,
    %swap3A_13 = vector.shape_cast %swap3A_12 : vector<16xf32> to vector<16xf32>
    %swap3A_14 = vector.shape_cast %broadcast_in_dim3A_1 : vector<16xf32> to vector<16xf32>
    tpu.vector_store %arg6[%swap3A_11], %swap3A_14 {strides = array<i32>} : memref<128xf32, #tpu.memory_space<vmem>>, vector<16xf32>,
    %swap3A_15 = arith.constant 16 : index
    %swap3A_16 = tpu.vector_load %arg5[%swap3A_15] {strides = array<i32>} : memref<128xf32, #tpu.memory_space<vmem>>, vector<16xf32>,
    %swap3A_17 = vector.shape_cast %swap3A_16 : vector<16xf32> to vector<16xf32>
    %swap3A_18 = vector.shape_cast %broadcast_in_dim3A_3 : vector<16xf32> to vector<16xf32>
    tpu.vector_store %arg5[%swap3A_15], %swap3A_18 {strides = array<i32>} : memref<128xf32, #tpu.memory_space<vmem>>, vector<16xf32>,
    %swap3A_19 = arith.constant 32 : index
    %swap3A_20 = tpu.vector_load %arg6[%swap3A_19] {strides = array<i32>} : memref<128xf32, #tpu.memory_space<vmem>>, vector<16xf32>,
    %swap3A_21 = vector.shape_cast %swap3A_20 : vector<16xf32> to vector<16xf32>
    %swap3A_22 = vector.shape_cast %broadcast_in_dim3A_1 : vector<16xf32> to vector<16xf32>
    tpu.vector_store %arg6[%swap3A_19], %swap3A_22 {strides = array<i32>} : memref<128xf32, #tpu.memory_space<vmem>>, vector<16xf32>,
    %swap3A_23 = arith.constant 32 : index
    %swap3A_24 = tpu.vector_load %arg5[%swap3A_23] {strides = array<i32>} : memref<128xf32, #tpu.memory_space<vmem>>, vector<16xf32>,
    %swap3A_25 = vector.shape_cast %swap3A_24 : vector<16xf32> to vector<16xf32>
    %swap3A_26 = vector.shape_cast %broadcast_in_dim3A_3 : vector<16xf32> to vector<16xf32>
    tpu.vector_store %arg5[%swap3A_23], %swap3A_26 {strides = array<i32>} : memref<128xf32, #tpu.memory_space<vmem>>, vector<16xf32>,
    %swap3A_27 = arith.constant 48 : index
    %swap3A_28 = tpu.vector_load %arg6[%swap3A_27] {strides = array<i32>} : memref<128xf32, #tpu.memory_space<vmem>>, vector<16xf32>,
    %swap3A_29 = vector.shape_cast %swap3A_28 : vector<16xf32> to vector<16xf32>
    %swap3A_30 = vector.shape_cast %broadcast_in_dim3A_1 : vector<16xf32> to vector<16xf32>
    tpu.vector_store %arg6[%swap3A_27], %swap3A_30 {strides = array<i32>} : memref<128xf32, #tpu.memory_space<vmem>>, vector<16xf32>,
    %swap3A_31 = arith.constant 48 : index
    %swap3A_32 = tpu.vector_load %arg5[%swap3A_31] {strides = array<i32>} : memref<128xf32, #tpu.memory_space<vmem>>, vector<16xf32>,
    %swap3A_33 = vector.shape_cast %swap3A_32 : vector<16xf32> to vector<16xf32>
    %swap3A_34 = vector.shape_cast %broadcast_in_dim3A_3 : vector<16xf32> to vector<16xf32>
    tpu.vector_store %arg5[%swap3A_31], %swap3A_34 {strides = array<i32>} : memref<128xf32, #tpu.memory_space<vmem>>, vector<16xf32>,
    %swap3A_35 = arith.constant 64 : index
    %swap3A_36 = tpu.vector_load %arg6[%swap3A_35] {strides = array<i32>} : memref<128xf32, #tpu.memory_space<vmem>>, vector<16xf32>,
    %swap3A_37 = vector.shape_cast %swap3A_36 : vector<16xf32> to vector<16xf32>
    %swap3A_38 = vector.shape_cast %broadcast_in_dim3A_1 : vector<16xf32> to vector<16xf32>
    tpu.vector_store %arg6[%swap3A_35], %swap3A_38 {strides = array<i32>} : memref<128xf32, #tpu.memory_space<vmem>>, vector<16xf32>,
    %swap3A_39 = arith.constant 64 : index
    %swap3A_40 = tpu.vector_load %arg5[%swap3A_39] {strides = array<i32>} : memref<128xf32, #tpu.memory_space<vmem>>, vector<16xf32>,
    %swap3A_41 = vector.shape_cast %swap3A_40 : vector<16xf32> to vector<16xf32>
    %swap3A_42 = vector.shape_cast %broadcast_in_dim3A_3 : vector<16xf32> to vector<16xf32>
    tpu.vector_store %arg5[%swap3A_39], %swap3A_42 {strides = array<i32>} : memref<128xf32, #tpu.memory_space<vmem>>, vector<16xf32>,
    %swap3A_43 = arith.constant 80 : index
    %swap3A_44 = tpu.vector_load %arg6[%swap3A_43] {strides = array<i32>} : memref<128xf32, #tpu.memory_space<vmem>>, vector<16xf32>,
    %swap3A_45 = vector.shape_cast %swap3A_44 : vector<16xf32> to vector<16xf32>
    %swap3A_46 = vector.shape_cast %broadcast_in_dim3A_1 : vector<16xf32> to vector<16xf32>
    tpu.vector_store %arg6[%swap3A_43], %swap3A_46 {strides = array<i32>} : memref<128xf32, #tpu.memory_space<vmem>>, vector<16xf32>,
    %swap3A_47 = arith.constant 80 : index
    %swap3A_48 = tpu.vector_load %arg5[%swap3A_47] {strides = array<i32>} : memref<128xf32, #tpu.memory_space<vmem>>, vector<16xf32>,
    %swap3A_49 = vector.shape_cast %swap3A_48 : vector<16xf32> to vector<16xf32>
    %swap3A_50 = vector.shape_cast %broadcast_in_dim3A_3 : vector<16xf32> to vector<16xf32>
    tpu.vector_store %arg5[%swap3A_47], %swap3A_50 {strides = array<i32>} : memref<128xf32, #tpu.memory_space<vmem>>, vector<16xf32>,
    %swap3A_51 = arith.constant 96 : index
    %swap3A_52 = tpu.vector_load %arg6[%swap3A_51] {strides = array<i32>} : memref<128xf32, #tpu.memory_space<vmem>>, vector<16xf32>,
    %swap3A_53 = vector.shape_cast %swap3A_52 : vector<16xf32> to vector<16xf32>
    %swap3A_54 = vector.shape_cast %broadcast_in_dim3A_1 : vector<16xf32> to vector<16xf32>
    tpu.vector_store %arg6[%swap3A_51], %swap3A_54 {strides = array<i32>} : memref<128xf32, #tpu.memory_space<vmem>>, vector<16xf32>,
    %swap3A_55 = arith.constant 96 : index
    %swap3A_56 = tpu.vector_load %arg5[%swap3A_55] {strides = array<i32>} : memref<128xf32, #tpu.memory_space<vmem>>, vector<16xf32>,
    %swap3A_57 = vector.shape_cast %swap3A_56 : vector<16xf32> to vector<16xf32>
    %swap3A_58 = vector.shape_cast %broadcast_in_dim3A_3 : vector<16xf32> to vector<16xf32>
    tpu.vector_store %arg5[%swap3A_55], %swap3A_58 {strides = array<i32>} : memref<128xf32, #tpu.memory_space<vmem>>, vector<16xf32>,
    %swap3A_59 = arith.constant 112 : index
    %swap3A_60 = tpu.vector_load %arg6[%swap3A_59] {strides = array<i32>} : memref<128xf32, #tpu.memory_space<vmem>>, vector<16xf32>,
    %swap3A_61 = vector.shape_cast %swap3A_60 : vector<16xf32> to vector<16xf32>
    %swap3A_62 = vector.shape_cast %broadcast_in_dim3A_1 : vector<16xf32> to vector<16xf32>
    tpu.vector_store %arg6[%swap3A_59], %swap3A_62 {strides = array<i32>} : memref<128xf32, #tpu.memory_space<vmem>>, vector<16xf32>,
    %swap3A_63 = arith.constant 112 : index
    %swap3A_64 = tpu.vector_load %arg5[%swap3A_63] {strides = array<i32>} : memref<128xf32, #tpu.memory_space<vmem>>, vector<16xf32>,
    %swap3A_65 = vector.shape_cast %swap3A_64 : vector<16xf32> to vector<16xf32>
    %swap3A_66 = vector.shape_cast %broadcast_in_dim3A_3 : vector<16xf32> to vector<16xf32>
    tpu.vector_store %arg5[%swap3A_63], %swap3A_66 {strides = array<i32>} : memref<128xf32, #tpu.memory_space<vmem>>, vector<16xf32>,
    %scan3A = arith.constant 0 : i32
    %scan3A_67 = arith.constant 0 : i32
    %scan3A_68 = arith.constant 5 : i32
    %scan3A_69 = arith.addi %scan3A_67, %scan3A_68 : i32
    %scan3A_70 = arith.constant 1 : i32
    %scan3A_71 = scf.for %scan3A_87 = %scan3A_67 to %scan3A_69 step %scan3A_70 iter_args(%scan3A_88 = %scan3A) -> (i32)  : i32 {
      %mul3A_89 = arith.constant 640 : i32
      %mul3A_90 = arith.muli %arg1, %mul3A_89 : i32
      %mul3A_91 = arith.constant 128 : i32
      %mul3A_92 = arith.muli %scan3A_87, %mul3A_91 : i32
      %add3A_93 = arith.addi %mul3A_90, %mul3A_92 : i32
      "tpu.region"() ({
        %run_scoped3A = tpu.sem_alloc : memref<!tpu.dma_semaphore, #tpu.memory_space<semaphore_mem>>
        %dma_start3A = tpu.memref_slice %arg7[%add3A_93] : memref<10240xf32, #tpu.memory_space<vmem_shared>> -> memref<128xf32, #tpu.memory_space<vmem_shared>>
        %dma_start3A_95 = tpu.memref_slice %arg7[%add3A_93] : memref<10240xf32, #tpu.memory_space<vmem_shared>> -> memref<128xf32, #tpu.memory_space<vmem_shared>>
        tpu.enqueue_dma source(%arg6 : memref<128xf32, #tpu.memory_space<vmem>>) target(%dma_start3A_95 : memref<128xf32, #tpu.memory_space<vmem_shared>>) target_semaphore(%run_scoped3A : memref<!tpu.dma_semaphore, #tpu.memory_space<semaphore_mem>>)
        %dma_wait3A = tpu.memref_slice %arg7[%add3A_93] : memref<10240xf32, #tpu.memory_space<vmem_shared>> -> memref<128xf32, #tpu.memory_space<vmem_shared>>
        %dma_wait3A_96 = tpu.memref_slice %arg7[%add3A_93] : memref<10240xf32, #tpu.memory_space<vmem_shared>> -> memref<128xf32, #tpu.memory_space<vmem_shared>>
        tpu.wait_dma2 semaphore(%run_scoped3A : memref<!tpu.dma_semaphore, #tpu.memory_space<semaphore_mem>>) src(%arg6 : memref<128xf32, #tpu.memory_space<vmem>>) dst(%dma_wait3A_96 : memref<128xf32, #tpu.memory_space<vmem_shared>>)
        tpu.yield
      }) : () -> ()
      %scan3A_94 = arith.constant 0 : i32
      scf.yield %scan3A_94 : i32
    }
    %scan3A_72 = arith.constant 5 : i32
    %mul3A_73 = arith.constant 80 : i32
    %mul3A_74 = arith.muli %add3A, %mul3A_73 : i32
    "tpu.region"() ({
      %run_scoped3A = tpu.sem_alloc : memref<!tpu.dma_semaphore, #tpu.memory_space<semaphore_mem>>
      %dma_start3A = arith.constant 0 : i32
      %dma_start3A_87 = tpu.memref_slice %arg2[%mul3A_74, %dma_start3A] : memref<2560x128xi32, #tpu.memory_space<hbm>> -> memref<80x128xi32, #tpu.memory_space<hbm>>
      %dma_start3A_88 = arith.constant 0 : i32
      %dma_start3A_89 = tpu.memref_slice %arg2[%mul3A_74, %dma_start3A_88] : memref<2560x128xi32, #tpu.memory_space<hbm>> -> memref<80x128xi32, #tpu.memory_space<hbm>>
      tpu.enqueue_dma source(%dma_start3A_89 : memref<80x128xi32, #tpu.memory_space<hbm>>) target(%arg4 : memref<80x128xi32, #tpu.memory_space<vmem>>) target_semaphore(%run_scoped3A : memref<!tpu.dma_semaphore, #tpu.memory_space<semaphore_mem>>)
      %dma_wait3A = arith.constant 0 : i32
      %dma_wait3A_90 = tpu.memref_slice %arg2[%mul3A_74, %dma_wait3A] : memref<2560x128xi32, #tpu.memory_space<hbm>> -> memref<80x128xi32, #tpu.memory_space<hbm>>
      %dma_wait3A_91 = arith.constant 0 : i32
      %dma_wait3A_92 = tpu.memref_slice %arg2[%mul3A_74, %dma_wait3A_91] : memref<2560x128xi32, #tpu.memory_space<hbm>> -> memref<80x128xi32, #tpu.memory_space<hbm>>
      tpu.wait_dma2 semaphore(%run_scoped3A : memref<!tpu.dma_semaphore, #tpu.memory_space<semaphore_mem>>) src(%dma_wait3A_92 : memref<80x128xi32, #tpu.memory_space<hbm>>) dst(%arg4 : memref<80x128xi32, #tpu.memory_space<vmem>>)
      tpu.yield
    }) : () -> ()
    %barrier3A = arith.constant 0 : index
    tpu.barrier barrier_id(%barrier3A)
    %scan3A_75 = arith.constant 0 : i32
    %scan3A_76 = arith.constant 0 : i32
    %scan3A_77 = arith.constant 80 : i32
    %scan3A_78 = arith.addi %scan3A_76, %scan3A_77 : i32
    %scan3A_79 = arith.constant 1 : i32
    %scan3A_80 = scf.for %scan3A_87 = %scan3A_76 to %scan3A_78 step %scan3A_79 iter_args(%scan3A_88 = %scan3A_75) -> (i32)  : i32 {
      "tpu.region"() ({
        %run_scoped3A = tpu.sem_alloc : memref<!tpu.dma_semaphore, #tpu.memory_space<semaphore_mem>>
        %dma_start3A = arith.constant 0 : i32
        %dma_start3A_90 = tpu.memref_slice %arg4[%scan3A_87, %dma_start3A] : memref<80x128xi32, #tpu.memory_space<vmem>> -> memref<1x128xi32, #tpu.memory_space<vmem>>
        %dma_start3A_91 = tpu.memref_squeeze %dma_start3A_90 : memref<1x128xi32, #tpu.memory_space<vmem>> -> memref<128xi32, #tpu.memory_space<vmem>>
        %dma_start3A_92 = arith.constant 0 : i32
        %dma_start3A_93 = tpu.memref_slice %arg7[%dma_start3A_92] : memref<10240xf32, #tpu.memory_space<vmem_shared>> -> memref<10240xf32, #tpu.memory_space<vmem_shared>>
        tpu.enqueue_indirect_dma source(%arg5 : memref<128xf32, #tpu.memory_space<vmem>>) target(%dma_start3A_93 : memref<10240xf32, #tpu.memory_space<vmem_shared>>) offsets(%dma_start3A_91 : memref<128xi32, #tpu.memory_space<vmem>>) semaphore(%run_scoped3A : memref<!tpu.dma_semaphore, #tpu.memory_space<semaphore_mem>>) {add = true}
        %dma_wait3A = arith.constant 0 : i32
        %dma_wait3A_94 = tpu.memref_slice %arg4[%scan3A_87, %dma_wait3A] : memref<80x128xi32, #tpu.memory_space<vmem>> -> memref<1x128xi32, #tpu.memory_space<vmem>>
        %dma_wait3A_95 = tpu.memref_squeeze %dma_wait3A_94 : memref<1x128xi32, #tpu.memory_space<vmem>> -> memref<128xi32, #tpu.memory_space<vmem>>
        %dma_wait3A_96 = arith.constant 0 : i32
        %dma_wait3A_97 = tpu.memref_slice %arg7[%dma_wait3A_96] : memref<10240xf32, #tpu.memory_space<vmem_shared>> -> memref<10240xf32, #tpu.memory_space<vmem_shared>>
        tpu.wait_indirect_dma semaphore(%run_scoped3A : memref<!tpu.dma_semaphore, #tpu.memory_space<semaphore_mem>>) src(%arg5 : memref<128xf32, #tpu.memory_space<vmem>>) dst(%dma_wait3A_97 : memref<10240xf32, #tpu.memory_space<vmem_shared>>)
        tpu.yield
      }) : () -> ()
      %scan3A_89 = arith.constant 0 : i32
      scf.yield %scan3A_89 : i32
    }
    %scan3A_81 = arith.constant 80 : i32
    %barrier3A_82 = arith.constant 0 : index
    tpu.barrier barrier_id(%barrier3A_82)
    %mul3A_83 = arith.constant 640 : i32
    %mul3A_84 = arith.muli %arg1, %mul3A_83 : i32
    %mul3A_85 = arith.constant 640 : i32
    %mul3A_86 = arith.muli %arg1, %mul3A_85 : i32
    "tpu.region"() ({
      %run_scoped3A = tpu.sem_alloc : memref<!tpu.dma_semaphore, #tpu.memory_space<semaphore_mem>>
      %dma_start3A = tpu.memref_slice %arg3[%arg0, %mul3A_86] : memref<2x10240xf32, #tpu.memory_space<hbm>> -> memref<1x640xf32, #tpu.memory_space<hbm>>
      %dma_start3A_87 = tpu.memref_squeeze %dma_start3A : memref<1x640xf32, #tpu.memory_space<hbm>> -> memref<640xf32, #tpu.memory_space<hbm>>
      %dma_start3A_88 = tpu.memref_slice %arg7[%mul3A_84] : memref<10240xf32, #tpu.memory_space<vmem_shared>> -> memref<640xf32, #tpu.memory_space<vmem_shared>>
      tpu.enqueue_dma source(%dma_start3A_88 : memref<640xf32, #tpu.memory_space<vmem_shared>>) target(%dma_start3A_87 : memref<640xf32, #tpu.memory_space<hbm>>) target_semaphore(%run_scoped3A : memref<!tpu.dma_semaphore, #tpu.memory_space<semaphore_mem>>)
      %dma_wait3A = tpu.memref_slice %arg3[%arg0, %mul3A_86] : memref<2x10240xf32, #tpu.memory_space<hbm>> -> memref<1x640xf32, #tpu.memory_space<hbm>>
      %dma_wait3A_89 = tpu.memref_squeeze %dma_wait3A : memref<1x640xf32, #tpu.memory_space<hbm>> -> memref<640xf32, #tpu.memory_space<hbm>>
      %dma_wait3A_90 = tpu.memref_slice %arg7[%mul3A_84] : memref<10240xf32, #tpu.memory_space<vmem_shared>> -> memref<640xf32, #tpu.memory_space<vmem_shared>>
      tpu.wait_dma2 semaphore(%run_scoped3A : memref<!tpu.dma_semaphore, #tpu.memory_space<semaphore_mem>>) src(%dma_wait3A_90 : memref<640xf32, #tpu.memory_space<vmem_shared>>) dst(%dma_wait3A_89 : memref<640xf32, #tpu.memory_space<hbm>>)
      tpu.yield
    }) : () -> ()
    return
  }
}

module attributes {stable_mosaic.version = 14 : i64} {
  func.func @_k1_body(%arg0: i32, %arg1: memref<1000x128xf32, #tpu.memory_space<vmem>>, %arg2: memref<128x128xf32, #tpu.memory_space<vmem>>, %arg3: memref<1000x1xf32, #tpu.memory_space<vmem>>, %arg4: memref<1000x1xf32, #tpu.memory_space<vmem>>, %arg5: memref<1000x128xf32, #tpu.memory_space<vmem>>) attributes {dimension_semantics = [#tpu.dimension_semantics<arbitrary>], iteration_bounds = array<i64: 10>, scalar_prefetch = 0 : i64, scratch_operands = 0 : i64, tpu.core_type = #tpu.core_type<tc>, window_params = [{transform_indices = @transform_0, window_bounds = array<i64: 1000, 128>}, {pipeline_mode = #tpu.pipeline_mode<synchronous>, transform_indices = @transform_1, window_bounds = array<i64: 128, 128>}, {transform_indices = @transform_2, window_bounds = array<i64: 1000, 1>}, {transform_indices = @transform_3, window_bounds = array<i64: 1000, 1>}, {transform_indices = @transform_4, window_bounds = array<i64: 1000, 128>}]} {
    %get3A = arith.constant 0 : index
    %get3A_0 = arith.constant 0 : index
    %get3A_1 = vector.load %arg3[%get3A, %get3A_0] : memref<1000x1xf32, #tpu.memory_space<vmem>>, vector<1000x1xf32>
    %get3A_2 = arith.constant 0 : index
    %get3A_3 = arith.constant 0 : index
    %get3A_4 = vector.load %arg4[%get3A_2, %get3A_3] : memref<1000x1xf32, #tpu.memory_space<vmem>>, vector<1000x1xf32>
    %add3A = arith.addf %get3A_1, %get3A_4 : vector<1000x1xf32>
    %add3A_5 = arith.constant 1.000000e+00 : f32
    %add3A_6 = vector.broadcast %add3A_5 : f32 to vector<1000x1xf32>
    %add3A_7 = arith.addf %add3A, %add3A_6 : vector<1000x1xf32>
    %rsqrt3A = math.rsqrt %add3A_7 : vector<1000x1xf32>
    %get3A_8 = arith.constant 0 : index
    %get3A_9 = arith.constant 0 : index
    %get3A_10 = vector.load %arg1[%get3A_8, %get3A_9] : memref<1000x128xf32, #tpu.memory_space<vmem>>, vector<1000x128xf32>
    %get3A_11 = arith.constant 0 : index
    %get3A_12 = arith.constant 0 : index
    %get3A_13 = vector.load %arg2[%get3A_11, %get3A_12] : memref<128x128xf32, #tpu.memory_space<vmem>>, vector<128x128xf32>
    %dot_general3A = arith.constant dense<0.000000e+00> : vector<1000x128xf32>
    %dot_general3A_14 = tpu.matmul %get3A_10, %get3A_13, %dot_general3A {dimension_numbers = #tpu.dot_dimension_numbers<[1], [0], [0], [1], [0, 0, 1, 1], [], []>, transpose_lhs_hint = false} : vector<1000x128xf32>, vector<128x128xf32>, vector<1000x128xf32> -> vector<1000x128xf32>
    %mul3A = vector.broadcast %rsqrt3A : vector<1000x1xf32> to vector<1000x128xf32>
    %mul3A_15 = arith.mulf %dot_general3A_14, %mul3A : vector<1000x128xf32>
    %swap3A = arith.constant 0 : index
    %swap3A_16 = arith.constant 0 : index
    %swap3A_17 = vector.load %arg5[%swap3A, %swap3A_16] : memref<1000x128xf32, #tpu.memory_space<vmem>>, vector<1000x128xf32>
    tpu.vector_store %arg5[%swap3A, %swap3A_16], %mul3A_15 {strides = array<i32>} : memref<1000x128xf32, #tpu.memory_space<vmem>>, vector<1000x128xf32>,
    return
  }
  func.func @transform_0(%arg0: i32) -> (i32, i32) {
    %c0_i32 = arith.constant 0 : i32
    %c0_i32_0 = arith.constant 0 : i32
    return %arg0, %c0_i32 : i32, i32
  }
  func.func @transform_1(%arg0: i32) -> (i32, i32) {
    %c0_i32 = arith.constant 0 : i32
    %c0_i32_0 = arith.constant 0 : i32
    %c0_i32_1 = arith.constant 0 : i32
    return %c0_i32, %c0_i32_0 : i32, i32
  }
  func.func @transform_2(%arg0: i32) -> (i32, i32) {
    %c0_i32 = arith.constant 0 : i32
    %c0_i32_0 = arith.constant 0 : i32
    return %arg0, %c0_i32 : i32, i32
  }
  func.func @transform_3(%arg0: i32) -> (i32, i32) {
    %c0_i32 = arith.constant 0 : i32
    %c0_i32_0 = arith.constant 0 : i32
    return %arg0, %c0_i32 : i32, i32
  }
  func.func @transform_4(%arg0: i32) -> (i32, i32) {
    %c0_i32 = arith.constant 0 : i32
    %c0_i32_0 = arith.constant 0 : i32
    return %arg0, %c0_i32 : i32, i32
  }
}

module attributes {stable_mosaic.version = 14 : i64} {
  func.func @_k2_body(%arg0: i32, %arg1: memref<1000x128xf32, #tpu.memory_space<vmem>>, %arg2: memref<1000x128xf32, #tpu.memory_space<vmem>>, %arg3: memref<1000x128xf32, #tpu.memory_space<vmem>>, %arg4: memref<1000x1xf32, #tpu.memory_space<vmem>>, %arg5: memref<1000x1xf32, #tpu.memory_space<vmem>>, %arg6: memref<1x128xf32, #tpu.memory_space<vmem>>, %arg7: memref<128x128xf32, #tpu.memory_space<vmem>>, %arg8: memref<1000x128xf32, #tpu.memory_space<vmem>>) attributes {dimension_semantics = [#tpu.dimension_semantics<arbitrary>], iteration_bounds = array<i64: 10>, scalar_prefetch = 0 : i64, scratch_operands = 0 : i64, tpu.core_type = #tpu.core_type<tc>, window_params = [{transform_indices = @transform_0, window_bounds = array<i64: 1000, 128>}, {transform_indices = @transform_1, window_bounds = array<i64: 1000, 128>}, {transform_indices = @transform_2, window_bounds = array<i64: 1000, 128>}, {transform_indices = @transform_3, window_bounds = array<i64: 1000, 1>}, {transform_indices = @transform_4, window_bounds = array<i64: 1000, 1>}, {pipeline_mode = #tpu.pipeline_mode<synchronous>, transform_indices = @transform_5, window_bounds = array<i64: 1, 128>}, {pipeline_mode = #tpu.pipeline_mode<synchronous>, transform_indices = @transform_6, window_bounds = array<i64: 128, 128>}, {transform_indices = @transform_7, window_bounds = array<i64: 1000, 128>}]} {
    %get3A = arith.constant 0 : index
    %get3A_0 = arith.constant 0 : index
    %get3A_1 = vector.load %arg4[%get3A, %get3A_0] : memref<1000x1xf32, #tpu.memory_space<vmem>>, vector<1000x1xf32>
    %get3A_2 = arith.constant 0 : index
    %get3A_3 = arith.constant 0 : index
    %get3A_4 = vector.load %arg5[%get3A_2, %get3A_3] : memref<1000x1xf32, #tpu.memory_space<vmem>>, vector<1000x1xf32>
    %add3A = arith.addf %get3A_1, %get3A_4 : vector<1000x1xf32>
    %add3A_5 = arith.constant 1.000000e+00 : f32
    %add3A_6 = vector.broadcast %add3A_5 : f32 to vector<1000x1xf32>
    %add3A_7 = arith.addf %add3A, %add3A_6 : vector<1000x1xf32>
    %rsqrt3A = math.rsqrt %add3A_7 : vector<1000x1xf32>
    %get3A_8 = arith.constant 0 : index
    %get3A_9 = arith.constant 0 : index
    %get3A_10 = vector.load %arg1[%get3A_8, %get3A_9] : memref<1000x128xf32, #tpu.memory_space<vmem>>, vector<1000x128xf32>
    %get3A_11 = arith.constant 0 : index
    %get3A_12 = arith.constant 0 : index
    %get3A_13 = vector.load %arg2[%get3A_11, %get3A_12] : memref<1000x128xf32, #tpu.memory_space<vmem>>, vector<1000x128xf32>
    %add3A_14 = arith.addf %get3A_10, %get3A_13 : vector<1000x128xf32>
    %get3A_15 = arith.constant 0 : index
    %get3A_16 = arith.constant 0 : index
    %get3A_17 = vector.load %arg3[%get3A_15, %get3A_16] : memref<1000x128xf32, #tpu.memory_space<vmem>>, vector<1000x128xf32>
    %add3A_18 = arith.addf %add3A_14, %get3A_17 : vector<1000x128xf32>
    %mul3A = vector.broadcast %rsqrt3A : vector<1000x1xf32> to vector<1000x128xf32>
    %mul3A_19 = arith.mulf %mul3A, %add3A_18 : vector<1000x128xf32>
    %get3A_20 = arith.constant 0 : index
    %get3A_21 = arith.constant 0 : index
    %get3A_22 = vector.load %arg6[%get3A_20, %get3A_21] : memref<1x128xf32, #tpu.memory_space<vmem>>, vector<1x128xf32>
    %add3A_23 = vector.broadcast %get3A_22 : vector<1x128xf32> to vector<1000x128xf32>
    %add3A_24 = arith.addf %mul3A_19, %add3A_23 : vector<1000x128xf32>
    %max3A = arith.constant 0.000000e+00 : f32
    %max3A_25 = vector.broadcast %max3A : f32 to vector<1000x128xf32>
    %max3A_26 = arith.maximumf %add3A_24, %max3A_25 : vector<1000x128xf32>
    %get3A_27 = arith.constant 0 : index
    %get3A_28 = arith.constant 0 : index
    %get3A_29 = vector.load %arg7[%get3A_27, %get3A_28] : memref<128x128xf32, #tpu.memory_space<vmem>>, vector<128x128xf32>
    %dot_general3A = arith.constant dense<0.000000e+00> : vector<1000x128xf32>
    %dot_general3A_30 = tpu.matmul %max3A_26, %get3A_29, %dot_general3A {dimension_numbers = #tpu.dot_dimension_numbers<[1], [0], [0], [1], [0, 0, 1, 1], [], []>, transpose_lhs_hint = false} : vector<1000x128xf32>, vector<128x128xf32>, vector<1000x128xf32> -> vector<1000x128xf32>
    %mul3A_31 = vector.broadcast %rsqrt3A : vector<1000x1xf32> to vector<1000x128xf32>
    %mul3A_32 = arith.mulf %dot_general3A_30, %mul3A_31 : vector<1000x128xf32>
    %swap3A = arith.constant 0 : index
    %swap3A_33 = arith.constant 0 : index
    %swap3A_34 = vector.load %arg8[%swap3A, %swap3A_33] : memref<1000x128xf32, #tpu.memory_space<vmem>>, vector<1000x128xf32>
    tpu.vector_store %arg8[%swap3A, %swap3A_33], %mul3A_32 {strides = array<i32>} : memref<1000x128xf32, #tpu.memory_space<vmem>>, vector<1000x128xf32>,
    return
  }
  func.func @transform_0(%arg0: i32) -> (i32, i32) {
    %c0_i32 = arith.constant 0 : i32
    %c0_i32_0 = arith.constant 0 : i32
    return %arg0, %c0_i32 : i32, i32
  }
  func.func @transform_1(%arg0: i32) -> (i32, i32) {
    %c0_i32 = arith.constant 0 : i32
    %c0_i32_0 = arith.constant 0 : i32
    return %arg0, %c0_i32 : i32, i32
  }
  func.func @transform_2(%arg0: i32) -> (i32, i32) {
    %c0_i32 = arith.constant 0 : i32
    %c0_i32_0 = arith.constant 0 : i32
    return %arg0, %c0_i32 : i32, i32
  }
  func.func @transform_3(%arg0: i32) -> (i32, i32) {
    %c0_i32 = arith.constant 0 : i32
    %c0_i32_0 = arith.constant 0 : i32
    return %arg0, %c0_i32 : i32, i32
  }
  func.func @transform_4(%arg0: i32) -> (i32, i32) {
    %c0_i32 = arith.constant 0 : i32
    %c0_i32_0 = arith.constant 0 : i32
    return %arg0, %c0_i32 : i32, i32
  }
  func.func @transform_5(%arg0: i32) -> (i32, i32) {
    %c0_i32 = arith.constant 0 : i32
    %c0_i32_0 = arith.constant 0 : i32
    %c0_i32_1 = arith.constant 0 : i32
    return %c0_i32, %c0_i32_0 : i32, i32
  }
  func.func @transform_6(%arg0: i32) -> (i32, i32) {
    %c0_i32 = arith.constant 0 : i32
    %c0_i32_0 = arith.constant 0 : i32
    %c0_i32_1 = arith.constant 0 : i32
    return %c0_i32, %c0_i32_0 : i32, i32
  }
  func.func @transform_7(%arg0: i32) -> (i32, i32) {
    %c0_i32 = arith.constant 0 : i32
    %c0_i32_0 = arith.constant 0 : i32
    return %arg0, %c0_i32 : i32, i32
  }
}

module attributes {stable_mosaic.version = 14 : i64} {
  func.func @_k3_body(%arg0: i32, %arg1: memref<1000x128xf32, #tpu.memory_space<vmem>>, %arg2: memref<1000x128xf32, #tpu.memory_space<vmem>>, %arg3: memref<1000x128xf32, #tpu.memory_space<vmem>>, %arg4: memref<1000x1xf32, #tpu.memory_space<vmem>>, %arg5: memref<1000x1xf32, #tpu.memory_space<vmem>>, %arg6: memref<1x128xf32, #tpu.memory_space<vmem>>, %arg7: memref<1000x128xf32, #tpu.memory_space<vmem>>) attributes {dimension_semantics = [#tpu.dimension_semantics<arbitrary>], iteration_bounds = array<i64: 10>, scalar_prefetch = 0 : i64, scratch_operands = 0 : i64, tpu.core_type = #tpu.core_type<tc>, window_params = [{transform_indices = @transform_0, window_bounds = array<i64: 1000, 128>}, {transform_indices = @transform_1, window_bounds = array<i64: 1000, 128>}, {transform_indices = @transform_2, window_bounds = array<i64: 1000, 128>}, {transform_indices = @transform_3, window_bounds = array<i64: 1000, 1>}, {transform_indices = @transform_4, window_bounds = array<i64: 1000, 1>}, {pipeline_mode = #tpu.pipeline_mode<synchronous>, transform_indices = @transform_5, window_bounds = array<i64: 1, 128>}, {transform_indices = @transform_6, window_bounds = array<i64: 1000, 128>}]} {
    %get3A = arith.constant 0 : index
    %get3A_0 = arith.constant 0 : index
    %get3A_1 = vector.load %arg4[%get3A, %get3A_0] : memref<1000x1xf32, #tpu.memory_space<vmem>>, vector<1000x1xf32>
    %get3A_2 = arith.constant 0 : index
    %get3A_3 = arith.constant 0 : index
    %get3A_4 = vector.load %arg5[%get3A_2, %get3A_3] : memref<1000x1xf32, #tpu.memory_space<vmem>>, vector<1000x1xf32>
    %add3A = arith.addf %get3A_1, %get3A_4 : vector<1000x1xf32>
    %add3A_5 = arith.constant 1.000000e+00 : f32
    %add3A_6 = vector.broadcast %add3A_5 : f32 to vector<1000x1xf32>
    %add3A_7 = arith.addf %add3A, %add3A_6 : vector<1000x1xf32>
    %rsqrt3A = math.rsqrt %add3A_7 : vector<1000x1xf32>
    %get3A_8 = arith.constant 0 : index
    %get3A_9 = arith.constant 0 : index
    %get3A_10 = vector.load %arg1[%get3A_8, %get3A_9] : memref<1000x128xf32, #tpu.memory_space<vmem>>, vector<1000x128xf32>
    %get3A_11 = arith.constant 0 : index
    %get3A_12 = arith.constant 0 : index
    %get3A_13 = vector.load %arg2[%get3A_11, %get3A_12] : memref<1000x128xf32, #tpu.memory_space<vmem>>, vector<1000x128xf32>
    %add3A_14 = arith.addf %get3A_10, %get3A_13 : vector<1000x128xf32>
    %get3A_15 = arith.constant 0 : index
    %get3A_16 = arith.constant 0 : index
    %get3A_17 = vector.load %arg3[%get3A_15, %get3A_16] : memref<1000x128xf32, #tpu.memory_space<vmem>>, vector<1000x128xf32>
    %add3A_18 = arith.addf %add3A_14, %get3A_17 : vector<1000x128xf32>
    %mul3A = vector.broadcast %rsqrt3A : vector<1000x1xf32> to vector<1000x128xf32>
    %mul3A_19 = arith.mulf %mul3A, %add3A_18 : vector<1000x128xf32>
    %get3A_20 = arith.constant 0 : index
    %get3A_21 = arith.constant 0 : index
    %get3A_22 = vector.load %arg6[%get3A_20, %get3A_21] : memref<1x128xf32, #tpu.memory_space<vmem>>, vector<1x128xf32>
    %add3A_23 = vector.broadcast %get3A_22 : vector<1x128xf32> to vector<1000x128xf32>
    %add3A_24 = arith.addf %mul3A_19, %add3A_23 : vector<1000x128xf32>
    %swap3A = arith.constant 0 : index
    %swap3A_25 = arith.constant 0 : index
    %swap3A_26 = vector.load %arg7[%swap3A, %swap3A_25] : memref<1000x128xf32, #tpu.memory_space<vmem>>, vector<1000x128xf32>
    tpu.vector_store %arg7[%swap3A, %swap3A_25], %add3A_24 {strides = array<i32>} : memref<1000x128xf32, #tpu.memory_space<vmem>>, vector<1000x128xf32>,
    return
  }
  func.func @transform_0(%arg0: i32) -> (i32, i32) {
    %c0_i32 = arith.constant 0 : i32
    %c0_i32_0 = arith.constant 0 : i32
    return %arg0, %c0_i32 : i32, i32
  }
  func.func @transform_1(%arg0: i32) -> (i32, i32) {
    %c0_i32 = arith.constant 0 : i32
    %c0_i32_0 = arith.constant 0 : i32
    return %arg0, %c0_i32 : i32, i32
  }
  func.func @transform_2(%arg0: i32) -> (i32, i32) {
    %c0_i32 = arith.constant 0 : i32
    %c0_i32_0 = arith.constant 0 : i32
    return %arg0, %c0_i32 : i32, i32
  }
  func.func @transform_3(%arg0: i32) -> (i32, i32) {
    %c0_i32 = arith.constant 0 : i32
    %c0_i32_0 = arith.constant 0 : i32
    return %arg0, %c0_i32 : i32, i32
  }
  func.func @transform_4(%arg0: i32) -> (i32, i32) {
    %c0_i32 = arith.constant 0 : i32
    %c0_i32_0 = arith.constant 0 : i32
    return %arg0, %c0_i32 : i32, i32
  }
  func.func @transform_5(%arg0: i32) -> (i32, i32) {
    %c0_i32 = arith.constant 0 : i32
    %c0_i32_0 = arith.constant 0 : i32
    %c0_i32_1 = arith.constant 0 : i32
    return %c0_i32, %c0_i32_0 : i32, i32
  }
  func.func @transform_6(%arg0: i32) -> (i32, i32) {
    %c0_i32 = arith.constant 0 : i32
    %c0_i32_0 = arith.constant 0 : i32
    return %arg0, %c0_i32 : i32, i32
  }
}

</mosaic_0001>

<sc_bundles>
// kernel: kernel.11.cloned.1.call-start
scs
__scs_entry_jumppad:
0x0: {  	(pc) =	sbr.rel $0x88, $3  }
0x1: {  	(tag) =	ssettag $0x0;
	lr =	simm.s32 $0x1  }
0x2: {  	[smem:$0x3F9B] =	sst lr;
	_ =	strace $0xD0000000  }
0x3: {  	_ = 	snop  }
0x4: {  	_ = 	snop  }
0x5: {  	_ = 	snop  }
0x6: {  	_ = 	snop  }
0x7: {  	_ = 	snop  }
__scs_overlays_trampoline_lowered:
0x8: {  	[smem:$0x3FAA] =	sst s0  }
0x9: {  	[smem:$0x3FAB] =	sst s1  }
0xa: {  	[smem:$0x3FAC] =	sst s2  }
0xb: {  	[smem:$0x3FAD] =	sst s3  }
0xc: {  	[smem:$0x3FAE] =	sst s4  }
0xd: {  	[smem:$0x3FAF] =	sst s5  }
0xe: {  	[smem:$0x3FB0] =	sst s6  }
0xf: {  	[smem:$0x3FB1] =	sst s7  }
0x10: {  	[smem:$0x3FB2] =	sst s8  }
0x11: {  	[smem:$0x3FB3] =	sst s9;
	s0 =	simm.s32 @!p0 $0x0  }
0x12: {  	s1 =	sld [smem:$0x3F99];
	s0 =	simm.s32 @p0 $0x1  }
0x13: {  	[smem:$0x3FB4] =	sst s0;
	s0 =	simm.s32 @!p1 $0x0  }
0x14: {  	s2 =	sld [smem:$0x3F98];
	s0 =	simm.s32 @p1 $0x1  }
0x15: {  	[smem:$0x3FB5] =	sst s0;
	s0 =	simm.s32 @!p2 $0x0  }
0x16: {  	s3 =	sld [smem:$0x3FDB];
	s0 =	simm.s32 @p2 $0x1  }
0x17: {  	s4 =	simm.s32 $0x1BF5;
	[smem:$0x3FB7] =	sst s0  }
0x18: {  	s0 =	sld [smem:$0x3F9A];
	_ =	swait.ge [sflag:s4], $0x0  }
0x19: {  	s7 =	sld [smem:$0x3F9B]  }
0x1a: {  	s8 =	sadd.s32 $0xFFFFE003, lr  }
0x1b: {  	s9 =	sadd.s32 $0xFFFFFEF7, lr;
	s5 =	simm.s32 $0xFFFFFFFF;
	p2 =	slt.u32 s8, $0xFFFFF086  }
0x1c: {  	p1 =	slt.u32 s9, $0xF7A;
	s5 =	simm.s32 @!p2 $0x0  }
0x1d: {  	s5 =	simm.s32 @p1 $0x1;
	p0 =	seq.s32 s7, s2  }
0x1e: {  	s7 =	smul.u32 @!p0 $0xF7A, s2;
	p2 =	seq.s32 @!p0 s5, $0x0  }
0x1f: {  	s9 =	smul.u32 $0xF7A, s1;
	s8 =	simm.s32 @!p0 $0x1BF5;
	p2 =	por !p2, p0  }
0x20: {  	[sflag:s8] =	ssyncset.s32 @!p0 $0xFFFFF086;
	s6 =	sadd.s32 @!p0 s3, s7;
	s7 =	simm.s32 @!p0 $0x108  }
0x21: {  	s3 =	sadd.s32 s3, s9;
	s6 =	sadd.s32 @!p0 $0x88, s6;
	s7 =	simm.s32 @p2 $0x1082  }
0x22: {  	[simem:s7], [sflag:s8] =	dma.local @!p0 [hbm:s6], $0xF7A  }
0x23: {  	s9 =	sor.u32 $0xD0000000, s2;
	s6 =	simm.s32 $0x108;
	_ =	swait.ge @!p0 [sflag:s8], $0x0  }
0x24: {  	s3 =	sadd.s32 $0x88, s3;
	s6 =	simm.s32 @!p1 $0x1082;
	[sflag:s4] =	ssyncset.s32 $0xFFFFF086  }
0x25: {  	[simem:s6], [sflag:s4] =	dma.local [hbm:s3], $0xF7A  }
0x26: {  	[smem:$0x3F9B] =	sst s1;
	(tag) =	ssettag s2;
	_ =	strace s9  }
0x27: {  	s1 =	sld [smem:$0x3FAB]  }
0x28: {  	s2 =	sld [smem:$0x3FAC]  }
0x29: {  	s4 =	sld [smem:$0x3FAE]  }
0x2a: {  	p0 =	seq.s32 s5, $0x0;
	s5 =	sld [smem:$0x3FAF]  }
0x2b: {  	s6 =	sld [smem:$0x3FB0]  }
0x2c: {  	s7 =	sld [smem:$0x3FB1]  }
0x2d: {  	s3 =	simm.s32 $0x108;
	s8 =	sld [smem:$0x3FB2]  }
0x2e: {  	s3 =	simm.s32 @!p0 $0x1082;
	s9 =	sld [smem:$0x3FB3]  }
0x2f: {  	lr =	sadd.s32 s0, s3;
	s0 =	sld [smem:$0x3FAA]  }
0x30: {  	s3 =	sld [smem:$0x3FAD]  }
0x31: {  	[smem:$0x3FB6] =	sst s10  }
0x32: {  	s10 =	sld [smem:$0x3FB4];
	_ =	sdelay $0x3  }
0x33: {  	p0 =	seq.s32 s10, $0x1;
	s10 =	sld [smem:$0x3FB6];
	_ =	sdelay $0x3  }
0x34: {  	[smem:$0x3FB6] =	sst s10  }
0x35: {  	s10 =	sld [smem:$0x3FB5];
	_ =	sdelay $0x3  }
0x36: {  	p1 =	seq.s32 s10, $0x1;
	s10 =	sld [smem:$0x3FB6];
	_ =	sdelay $0x3  }
0x37: {  	[smem:$0x3FB6] =	sst s10  }
0x38: {  	s10 =	sld [smem:$0x3FB7]  }
0x39: {  	_ = 	snop;
	(pc) =	sbr.ind lr, $3  }
0x3a: {  	_ = 	snop  }
0x3b: {  	_ = 	snop  }
0x3c: {  	p2 =	seq.s32 s10, $0x1;
	s10 =	sld [smem:$0x3FB6]  }
0x3d: {  	_ =	shalt  }
0x3e: {  	_ =	shalt  }
0x3f: {  	_ =	shalt  }
0x40: {  	_ =	shalt  }
0x41: {  	_ =	shalt  }
0x42: {  	_ =	shalt  }
0x43: {  	_ =	shalt  }
0x44: {  	_ =	shalt  }
0x45: {  	_ =	shalt  }
0x46: {  	_ =	shalt  }
0x47: {  	_ =	shalt  }
0x48: {  	_ =	shalt  }
0x49: {  	_ =	shalt  }
0x4a: {  	_ =	shalt  }
0x4b: {  	_ =	shalt  }
0x4c: {  	_ =	shalt  }
0x4d: {  	_ =	shalt  }
0x4e: {  	_ =	shalt  }
0x4f: {  	_ =	shalt  }
0x50: {  	_ =	shalt  }
0x51: {  	_ =	shalt  }
0x52: {  	_ =	shalt  }
0x53: {  	_ =	shalt  }
0x54: {  	_ =	shalt  }
0x55: {  	_ =	shalt  }
0x56: {  	_ =	shalt  }
0x57: {  	_ =	shalt  }
0x58: {  	_ =	shalt  }
0x59: {  	_ =	shalt  }
0x5a: {  	_ =	shalt  }
0x5b: {  	_ =	shalt  }
0x5c: {  	_ =	shalt  }
0x5d: {  	_ =	shalt  }
0x5e: {  	_ =	shalt  }
0x5f: {  	_ =	shalt  }
0x60: {  	_ =	shalt  }
0x61: {  	_ =	shalt  }
0x62: {  	_ =	shalt  }
0x63: {  	_ =	shalt  }
0x64: {  	_ =	shalt  }
0x65: {  	_ =	shalt  }
0x66: {  	_ =	shalt  }
0x67: {  	_ =	shalt  }
0x68: {  	_ =	shalt  }
0x69: {  	_ =	shalt  }
0x6a: {  	_ =	shalt  }
0x6b: {  	_ =	shalt  }
0x6c: {  	_ =	shalt  }
0x6d: {  	_ =	shalt  }
0x6e: {  	_ =	shalt  }
0x6f: {  	_ =	shalt  }
0x70: {  	_ =	shalt  }
0x71: {  	_ =	shalt  }
0x72: {  	_ =	shalt  }
0x73: {  	_ =	shalt  }
0x74: {  	_ =	shalt  }
0x75: {  	_ =	shalt  }
0x76: {  	_ =	shalt  }
0x77: {  	_ =	shalt  }
0x78: {  	_ =	shalt  }
0x79: {  	_ =	shalt  }
0x7a: {  	_ =	shalt  }
0x7b: {  	_ =	shalt  }
0x7c: {  	_ =	shalt  }
0x7d: {  	_ =	shalt  }
0x7e: {  	_ =	shalt  }
0x7f: {  	_ =	shalt  }
0x80: {  	_ =	shalt  }
0x81: {  	_ =	shalt  }
0x82: {  	_ =	shalt  }
0x83: {  	_ =	shalt  }
0x84: {  	_ =	shalt  }
0x85: {  	_ =	shalt  }
0x86: {  	_ =	shalt  }
0x87: {  	_ =	shalt  }
.Lfunc_end0:
.L_simem_size_0:
called_computation.1_lowered:
.L_overlay_start_0:
0x88: {  	s2 =	sld [smem:$0x3FD9]  }
0x89: {  	s3 =	sld [smem:$0x3FFE];
	_ =	sdelay $0x1  }
0x8a: {  	s1 =	srdreg.scid  }
0x8b: {  	s0 =	sand.u32 $0x1, s1  }
0x8c: {  	s17 =	sshll.u32 s0, $0xA;
	s2 =	sadd.s32 s3, s2  }
0x8d: {  	s2 =	sadd.s32 s2, s17  }
0x8e: {  	[smem:$0x3FC2] =	sst s2  }
0x8f: {  	_ = 	snop  }
0x90: {  	s2 =	sld [smem:$0x3FD0];
	(tm) =	ssettm $0x1  }
0x91: {  	s18 =	sld [smem:$0x3FFB];
	_ =	sdelay $0x3  }
0x92: {  	_ =	strace s18  }
0x93: {  	s3 =	sld [smem:$0x3FFC];
	_ =	sdelay $0x3  }
0x94: {  	_ =	strace s3  }
0x95: {  	s3 =	sld [smem:$0x3FFD];
	_ =	sdelay $0x3  }
0x96: {  	_ =	strace s3  }
0x97: {  	_ =	strace $0x8FFFFFFF  }
0x98: {  	s19 =	sld [smem:$0x3FDB];
	_ =	sdelay $0x1  }
0x99: {  	s4 =	simm.s32 $_scs_section_size  }
0x9a: {  	s5 =	simm.s32 $_size__tile_overlayer_lowered;
	s6 =	simm.s32 $_tile_overlayer_lowered  }
0x9b: {  	s22 =	simm.s32 $0x1BFF;
	s21 =	sshll.u32 s6, $0x1;
	s3 =	sadd.s32 s4, s19  }
0x9c: {  	s7 =	simm.s32 $0x0;
	s20 =	sshll.u32 s5, $0x1;
	s5 =	sadd.s32 s21, s3  }
0x9d: {  	[timem:s7], [sflag:s22] =	dma.local [hbm:s5], s20  }
0x9e: {  	_ =	swait.ge [sflag:s22], s20  }
0x9f: {  	s4 =	ssub.s32 $0x0, s20;
	[sflag:s22] =	ssyncset.done $0x0  }
0xa0: {  	[sflag:s22] =	ssyncadd.s32 s4;
	_ =	sdelay $0x1  }
0xa1: {  	s23 =	simm.s32 $0x1B8B  }
0xa2: {  	_ =	swait.ge [sflag:s23], $0x1  }
0xa3: {  	[sflag:s23] =	ssyncset.done $0x0  }
0xa4: {  	s25 =	simm.s32 $0x1B8E;
	s24 =	sld [smem:$0x3FFE];
	[sflag:s23] =	ssyncadd.s32 $0xFFFFFFFF  }
0xa5: {  	s26 =	simm.s32 $execute0_lowered;
	[smem:$0x3FD2] =	sst s25  }
0xa6: {  	s5 =	sshll.u32 s26, $0x1;
	_ =	strace $0x80000049;
	[dreg:$0x1] =	wrdreg $0xFFFFFFFF  }
0xa7: {  	s28 =	simm.s32 $_size_execute0_lowered;
	s3 =	sadd.s32 s3, s5;
	[dreg:$0x0] =	wrdreg $0x0  }
0xa8: {  	s5 =	sshll.u32 s28, $0x1;
	[dreg:$0x2] =	wrdreg s3  }
0xa9: {  	[dreg:$0x3] =	wrdreg s5  }
0xaa: {  	[dreg:$0x4] =	wrdreg $0xC0  }
0xab: {  	_ =	task [dreg:s7], $0x5FFFF  }
0xac: {  	[dreg:$0x1] =	wrdreg $0xFFFFFFFF  }
0xad: {  	[dreg:$0x0] =	wrdreg $0x60  }
0xae: {  	[dreg:$0x2] =	wrdreg s2  }
0xaf: {  	[dreg:$0x3] =	wrdreg s24  }
0xb0: {  	[dreg:$0x4] =	wrdreg $0xB8000  }
0xb1: {  	[dreg:$0x5] =	wrdreg $0x9  }
0xb2: {  	_ =	task.clear_ibuf [dreg:s7], $0x6FFFF;
	_ =	strace $0x90000049  }
0xb3: {  	s29 =	simm.s32 $0x9;
	_ =	strace $0x8000004B  }
0xb4: {  	_ =	swait.ge [sflag:s29], $0x1  }
0xb5: {  	[sflag:s29] =	ssyncadd.s32 $0xFFFFFFFF  }
0xb6: {  	_ =	strace $0x9000004B  }
0xb7: {  	_ =	sfence  }
0xb8: {  	s30 =	sld [smem:$0x0];
	_ =	sdelay $0x2  }
0xb9: {  	s31 =	sshll.u32 s1, $0xD;
	s1 =	sshrl.u32 s1, $0x2  }
0xba: {  	s3 =	sand.u32 $0x4000, s31;
	s1 =	sadd.s32 s1, s30  }
0xbb: {  	s0 =	sor.u32 s3, s0;
	s1 =	sshll.u32 s1, $0x11  }
0xbc: {  	s0 =	sor.u32 s1, s0  }
0xbd: {  	s0 =	sadd.s32 $0x8F2B, s0  }
0xbe: {  	[sflag:s0] =	ssyncadd.remote.s32 $0x1  }
0xbf: {  	_ =	sfence.sel $0xFFFF  }
0xc0: {  	[dreg:$0x0] =	wrdreg $0xFFFFFFFF;
	(pc) =	sbr.abs _section_cstart, $3  }
0xc1: {  	[dreg:$0x1] =	wrdreg $0xFFFFFFFF  }
0xc2: {  	_ =	task.clear_ibuf [dreg:s7], $0x2FFFF;
	_ =	strace $0x9FFFFFFF  }
0xc3: {  	(tm) =	ssettm $0x7FFFFFFF  }
tec
execute0_lowered:
.L_overlay_start_1:
0x0: {  	(tag) =	ssettag $0x1  }
0x1: {  	s0 =	rddreg [dreg:$0x0]  }
0x2: {  	s1 =	rddreg [dreg:$0x1];
	s2 =	srdreg.scid  }
0x3: {  	s3 =	rddreg [dreg:$0x2];
	s11 =	stileid.u32;
	s4 =	simm.s32 $0x0  }
0x4: {  	s20 =	simm.s32 $0x3800;
	s21 =	simm.s32 $0x3;
	s6 =	smul.u32 $0x14000, s11  }
0x5: {  	s2 =	sand.u32 $0x1, s2;
	[smem:$0x7FF] =	sst s4;
	s22 =	smul.u32 $0x50000, s11  }
0x6: {  	s8 =	sadd.s32 $0x3600, s1;
	s9 =	sadd.s32 $0xD600, s1;
	s11 =	smul.u32 $0xA0, s11  }
0x7: {  	s5 =	smul.u32 $0x140000, s2;
	_ =	strace $0x8000004A;
	s10 =	ssub.s32 $0x2, s2  }
0x8: {  	s7 =	ssub.s32 $0x0, s2;
	p0 =	seq.s32 s2, $0x0;
	s23 =	sshrl.u32 s10, $0x1  }
0x9: {  	s7 =	sand.u32 $0x70, s7;
	s24 =	sshrl.u32 s22, $0x2;
	s22 =	simm.s32 $0x80  }
0xa: {  	s5 =	sadd.s32 s6, s5;
	s10 =	ssub.s32 s10, s23;
	s25 =	sadd.s32 s11, s7  }
0xb: {  	s11 =	simm.s32 $0x1C;
	s23 =	simm.s32 $0x1;
	s5 =	sshrl.u32 s5, $0x3  }
0xc: {  	s12 =	sshll.u32 s25, $0x4;
	s11 =	simm.s32 @!p0 $0xC;
	s29 =	smax.u32 s10, $0x1  }
0xd: {  	p0 =	sne.s32 s2, $0x0;
	s25 =	simm.s32 $0x2;
	s1 =	sadd.s32 s5, s1  }
0xe: {  	s5 =	sadd.s32 s24, s3;
	s6 =	sadd.s32 s8, s12;
	s7 =	sadd.s32 s9, s12  }
0xf: {  	s13 =	sadd.s32 $0xFFFFFFFF, s11;
	s26 =	sadd.s32 $0x180, s12;
	[dreg:$0xa] =	wrdreg s29  }
0x10: {  	s12 =	sadd.s32 $0x380, s12;
	[dreg:$0x4] =	wrdreg s13;
	s14 =	sadd.s32 s8, s26  }
0x11: {  	s31 =	sshll.u32 s11, $0xA;
	s13 =	sadd.s32 s9, s26;
	[dreg:$0x5] =	wrdreg s14  }
0x12: {  	s24 =	simm.s32 $0x7800;
	s8 =	sadd.s32 s8, s12;
	[dreg:$0x6] =	wrdreg s13  }
0x13: {  	s28 =	sadd.s32 s9, s12;
	s1 =	sadd.s32 $0x65A00, s1;
	[dreg:$0x7] =	wrdreg s8  }
0x14: {  	s30 =	sadd.s32 $0x4000, s5;
	s16 =	sadd.s32 $0x8000, s5;
	[dreg:$0x8] =	wrdreg s28  }
0x15: {  	s17 =	sadd.s32 $0xC000, s5;
	s18 =	sadd.s32 $0x10000, s5;
	[dreg:$0x9] =	wrdreg s1  }
0x16: {  	v0 =	vimm.f32 $0.0e+00;
	s19 =	sadd.s32 $0xFFFFFC00, s31;
	s26 =	simm.s32 $0x0;
	[dreg:$0xb] =	wrdreg s30  }
.LBB2_1:
0x17: {  	s1 =	sand.u32 $0xFE00, s4  }
0x18: {  	s2 =	sand.u32 $0x70, s4;
	s8 =	sshrl.u32 s1, $0x2  }
0x19: {  	s1 =	simm.s32 $0x40;
	s8 =	sor.u32 s2, s8;
	s2 =	simm.s32 $0x0  }
.LBB2_2:
0x1a: {  	p1 =	sne.s32 s1, $0xFFC0  }
0x1b: {  	[tilespmem:s8+$0x3800] =	vst v0;
	s2 =	sadd.s32 $0x10, s2;
	s8 =	smov.u32 s1;
	s1 =	sadd.s32 $0x40, s1  }
.Ltmp0:
0x1c: {  	(pc) =	sbr.rel @p1 .LBB2_2-.Ltmp0, $4  }
0x1d: {  	_ = 	snop  }
0x1e: {  	s8 =	sand.u32 $0xFE00, s8  }
0x1f: {  	s9 =	sand.u32 $0x70, s2;
	s8 =	sshrl.u32 s8, $0x2  }
0x20: {  	s8 =	sor.u32 s9, s8  }
0x21: {  	[tilespmem:s8+$0x3800] =	vst v0  }
0x22: {  	[spmem:s5] =	stream.linear.scatter [tilespmem:s20], [sflag:$0x3], $0x4000, $0x38;
	[tilespmem:$0x1F800] =	vst v63  }
0x23: {  	_ =	swait.ge [sflag:s21], $0x4000  }
0x24: {  	[sflag:s21] =	ssyncset.done $0x0  }
0x25: {  	s1 =	rddreg [dreg:$0xb];
	[sflag:s21] =	ssyncadd.s32 $0xFFFFC000  }
0x26: {  	[spmem:s1] =	stream.linear.scatter [tilespmem:s20], [sflag:$0x3], $0x4000, $0x38;
	[tilespmem:$0x1F800] =	vst v63  }
0x27: {  	_ =	swait.ge [sflag:s21], $0x4000  }
0x28: {  	[sflag:s21] =	ssyncset.done $0x0  }
0x29: {  	[sflag:s21] =	ssyncadd.s32 $0xFFFFC000  }
0x2a: {  	[spmem:s16] =	stream.linear.scatter [tilespmem:s20], [sflag:$0x3], $0x4000, $0x38;
	[tilespmem:$0x1F800] =	vst v63  }
0x2b: {  	_ =	swait.ge [sflag:s21], $0x4000  }
0x2c: {  	[sflag:s21] =	ssyncset.done $0x0  }
0x2d: {  	[sflag:s21] =	ssyncadd.s32 $0xFFFFC000  }
0x2e: {  	[spmem:s17] =	stream.linear.scatter [tilespmem:s20], [sflag:$0x3], $0x4000, $0x38;
	[tilespmem:$0x1F800] =	vst v63  }
0x2f: {  	_ =	swait.ge [sflag:s21], $0x4000  }
0x30: {  	[sflag:s21] =	ssyncset.done $0x0  }
0x31: {  	[sflag:s21] =	ssyncadd.s32 $0xFFFFC000  }
0x32: {  	[spmem:s18] =	stream.linear.scatter [tilespmem:s20], [sflag:$0x3], $0x4000, $0x38;
	[tilespmem:$0x1F800] =	vst v63  }
0x33: {  	_ =	swait.ge [sflag:s21], $0x4000  }
0x34: {  	[sflag:s21] =	ssyncset.done $0x0  }
0x35: {  	[sflag:s21] =	ssyncadd.s32 $0xFFFFC000  }
0x36: {  	s29 =	simm.s32 @p0 $0x0;
	s28 =	simm.s32 @p0 $0x3;
	[bflag:$0x0] =	sbarrier.arrive $0xFFFF  }
0x37: {  	[tilespmem:s29], [sflag:$0x3] =	stream.linear.gather @p0 [hbm4b:s6+s29], $0xC00, $0x38;
	[tilespmem:$0x1F800] =	vst v63  }
0x38: {  	_ =	swait.ge @p0 [sflag:s28], $0xC00  }
0x39: {  	[sflag:s28] =	ssyncset.done @p0 $0x0  }
0x3a: {  	s1 =	simm.s32 @p0 $0x1C00;
	[sflag:s28] =	ssyncadd.s32 @p0 $0xFFFFF400  }
0x3b: {  	[tilespmem:s1], [sflag:$0x3] =	stream.linear.gather @p0 [hbm4b:s7+s29], $0xC00, $0x38;
	[tilespmem:$0x1F800] =	vst v63  }
0x3c: {  	_ =	swait.ge @p0 [sflag:s28], $0xC00  }
0x3d: {  	[sflag:s28] =	ssyncset.done @p0 $0x0  }
0x3e: {  	s31 =	simm.s32 @!p0 $0x0;
	s30 =	simm.s32 @!p0 $0x3;
	[sflag:s28] =	ssyncadd.s32 @p0 $0xFFFFF400  }
0x3f: {  	[tilespmem:s31], [sflag:$0x3] =	stream.linear.gather @!p0 [hbm4b:s6+s31], $0x1C00, $0x38;
	[tilespmem:$0x1F800] =	vst v63  }
0x40: {  	_ =	swait.ge @!p0 [sflag:s30], $0x1C00  }
0x41: {  	[sflag:s30] =	ssyncset.done @!p0 $0x0  }
0x42: {  	s2 =	simm.s32 @!p0 $0x1C00;
	[sflag:s30] =	ssyncadd.s32 @!p0 $0xFFFFE400  }
0x43: {  	[tilespmem:s2], [sflag:$0x3] =	stream.linear.gather @!p0 [hbm4b:s7+s31], $0x1C00, $0x38;
	[tilespmem:$0x1F800] =	vst v63  }
0x44: {  	_ =	swait.ge @!p0 [sflag:s30], $0x1C00  }
0x45: {  	[sflag:s30] =	ssyncset.done @!p0 $0x0  }
0x46: {  	s11 =	simm.s32 $0x0;
	[sflag:s30] =	ssyncadd.s32 @!p0 $0xFFFFE400  }
0x47: {  	[tilespmem:s20], [sflag:$0x1] =	stream.indirect.gather [hbm4b:s0+s22], $0x80, s11, s22, $0xb8;
	[tilespmem:$0x1F800] =	vst v63  }
0x48: {  	_ =	swait.ge [sflag:s23], $0x4000  }
0x49: {  	[sflag:s23] =	ssyncset.done $0x0  }
0x4a: {  	s12 =	simm.s32 $0x80;
	[sflag:s23] =	ssyncadd.s32 $0xFFFFC000  }
0x4b: {  	[tilespmem:s24], [sflag:$0x2] =	stream.indirect.gather [hbm4b:s0+s22], $0x80, s12, s22, $0xb8;
	[tilespmem:$0x1F800] =	vst v63  }
0x4c: {  	s13 =	simm.s32 $0x1C00  }
0x4d: {  	[spmem:s3] =	stream.indirect.scatter.add.f32 [tilespmem:s20], [sflag:$0x3], $0x80, s13, s22, $0xb8;
	[tilespmem:$0x1F800] =	vst v63  }
0x4e: {  	_ =	swait.ge [sflag:s21], $0x4000  }
0x4f: {  	[sflag:s21] =	ssyncset.done $0x0  }
0x50: {  	[sflag:s21] =	ssyncadd.s32 $0xFFFFC000  }
0x51: {  	_ =	swait.ge [sflag:s25], $0x4000  }
0x52: {  	[sflag:s25] =	ssyncset.done $0x0  }
0x53: {  	s14 =	simm.s32 $0x100;
	p1 =	sne.s32 s19, $0x400;
	[sflag:s25] =	ssyncadd.s32 $0xFFFFC000  }
0x54: {  	[tilespmem:s20], [sflag:$0x1] =	stream.indirect.gather [hbm4b:s0+s22], $0x80, s14, s22, $0xb8;
	[tilespmem:$0x1F800] =	vst v63  }
.Ltmp1:
0x55: {  	_ = 	snop;
	(pc) =	sbr.rel @!p1 .LBB2_5-.Ltmp1, $4  }
0x56: {  	s15 =	simm.s32 $0x1C80  }
0x57: {  	[spmem:s3] =	stream.indirect.scatter.add.f32 [tilespmem:s24], [sflag:$0x3], $0x80, s15, s22, $0xb8;
	[tilespmem:$0x1F800] =	vst v63  }
0x58: {  	s8 =	simm.s32 $0x1;
	s9 =	simm.s32 $0x2;
	_ =	swait.ge [sflag:s21], $0x4000  }
0x59: {  	s11 =	simm.s32 $0x400;
	s12 =	simm.s32 $0xFFFFFFFF;
	[sflag:s21] =	ssyncset.done $0x0  }
.LBB2_4:
0x5a: {  	s8 =	smov.u32 s9;
	s12 =	sadd.s32 $0x1, s12  }
0x5b: {  	s10 =	smov.u32 s11;
	s11 =	sadd.s32 $0x400, s11;
	[sflag:s21] =	ssyncadd.s32 $0xFFFFC000  }
0x5c: {  	p1 =	sne.s32 s19, s11  }
0x5d: {  	_ =	swait.ge [sflag:s23], $0x4000  }
0x5e: {  	s10 =	sshra.s32 s10, $0x2;
	[sflag:s23] =	ssyncset.done $0x0  }
0x5f: {  	s13 =	sadd.s32 $0x80, s10;
	[sflag:s23] =	ssyncadd.s32 $0xFFFFC000  }
0x60: {  	[tilespmem:s24], [sflag:$0x2] =	stream.indirect.gather [hbm4b:s0+s22], $0x80, s13, s22, $0xb8;
	[tilespmem:$0x1F800] =	vst v63  }
0x61: {  	s13 =	sadd.s32 $0x1C00, s10  }
0x62: {  	[spmem:s3] =	stream.indirect.scatter.add.f32 [tilespmem:s20], [sflag:$0x3], $0x80, s13, s22, $0xb8;
	[tilespmem:$0x1F800] =	vst v63  }
0x63: {  	_ =	swait.ge [sflag:s21], $0x4000  }
0x64: {  	[sflag:s21] =	ssyncset.done $0x0  }
0x65: {  	[sflag:s21] =	ssyncadd.s32 $0xFFFFC000  }
0x66: {  	_ =	swait.ge [sflag:s25], $0x4000  }
0x67: {  	[sflag:s25] =	ssyncset.done $0x0  }
0x68: {  	s13 =	sadd.s32 $0x100, s10;
	[sflag:s25] =	ssyncadd.s32 $0xFFFFC000  }
0x69: {  	[tilespmem:s20], [sflag:$0x1] =	stream.indirect.gather [hbm4b:s0+s22], $0x80, s13, s22, $0xb8;
	[tilespmem:$0x1F800] =	vst v63  }
.Ltmp2:
0x6a: {  	_ = 	snop;
	(pc) =	sbr.rel @p1 .LBB2_4-.Ltmp2, $4  }
0x6b: {  	s10 =	sadd.s32 $0x1C80, s10  }
0x6c: {  	[spmem:s3] =	stream.indirect.scatter.add.f32 [tilespmem:s24], [sflag:$0x3], $0x80, s10, s22, $0xb8;
	[tilespmem:$0x1F800] =	vst v63  }
0x6d: {  	_ =	swait.ge [sflag:s21], $0x4000  }
0x6e: {  	s9 =	sadd.s32 $0x1, s9;
	[sflag:s21] =	ssyncset.done $0x0  }
.LBB2_5:
0x6f: {  	[sflag:s21] =	ssyncadd.s32 $0xFFFFC000  }
0x70: {  	_ =	swait.ge [sflag:s23], $0x4000  }
0x71: {  	s14 =	sshra.s32 s11, $0x2;
	[sflag:s23] =	ssyncset.done $0x0  }
0x72: {  	s9 =	sadd.s32 $0x80, s14;
	[sflag:s23] =	ssyncadd.s32 $0xFFFFC000  }
0x73: {  	[tilespmem:s24], [sflag:$0x2] =	stream.indirect.gather [hbm4b:s0+s22], $0x80, s9, s22, $0xb8;
	[tilespmem:$0x1F800] =	vst v63  }
0x74: {  	s10 =	sadd.s32 $0x1C00, s14  }
0x75: {  	[spmem:s3] =	stream.indirect.scatter.add.f32 [tilespmem:s20], [sflag:$0x3], $0x80, s10, s22, $0xb8;
	[tilespmem:$0x1F800] =	vst v63  }
0x76: {  	_ =	swait.ge [sflag:s21], $0x4000  }
0x77: {  	[sflag:s21] =	ssyncset.done $0x0  }
0x78: {  	[sflag:s21] =	ssyncadd.s32 $0xFFFFC000  }
0x79: {  	s12 =	sadd.s32 $0x1, s12;
	_ =	swait.ge [sflag:s25], $0x4000  }
0x7a: {  	s12 =	sadd.s32 $0x1, s12;
	s13 =	rddreg [dreg:$0x4]  }
0x7b: {  	[sflag:s25] =	ssyncset.done $0x0;
	p1 =	sge.u32 s12, s13  }
0x7c: {  	[sflag:s25] =	ssyncadd.s32 $0xFFFFC000;
	s11 =	sshra.s32 @!p1 s11, $0x2  }
0x7d: {  	s12 =	simm.s32 @!p1 $0x80;
	s13 =	simm.s32 @!p1 $0x3800;
	s11 =	sadd.s32 @!p1 $0x100, s11  }
0x7e: {  	[tilespmem:s13], [sflag:$0x1] =	stream.indirect.gather @!p1 [hbm4b:s0+s12], $0x80, s11, s12, $0xb8;
	[tilespmem:$0x1F800] =	vst v63  }
0x7f: {  	s14 =	sadd.s32 $0x1C80, s14  }
0x80: {  	[spmem:s3] =	stream.indirect.scatter.add.f32 [tilespmem:s24], [sflag:$0x3], $0x80, s14, s22, $0xb8;
	[tilespmem:$0x1F800] =	vst v63  }
0x81: {  	_ =	swait.ge [sflag:s21], $0x4000  }
0x82: {  	[sflag:s21] =	ssyncset.done $0x0  }
0x83: {  	s15 =	rddreg [dreg:$0x5];
	[sflag:s21] =	ssyncadd.s32 $0xFFFFC000  }
0x84: {  	[tilespmem:s29], [sflag:$0x3] =	stream.linear.gather @p0 [hbm4b:s15+s29], $0xC00, $0x38;
	[tilespmem:$0x1F800] =	vst v63  }
0x85: {  	_ =	swait.ge @p0 [sflag:s28], $0xC00  }
0x86: {  	[sflag:s28] =	ssyncset.done @p0 $0x0  }
0x87: {  	s15 =	rddreg [dreg:$0x6];
	[sflag:s28] =	ssyncadd.s32 @p0 $0xFFFFF400  }
0x88: {  	[tilespmem:s1], [sflag:$0x3] =	stream.linear.gather @p0 [hbm4b:s15+s29], $0xC00, $0x38;
	[tilespmem:$0x1F800] =	vst v63  }
0x89: {  	_ =	swait.ge @p0 [sflag:s28], $0xC00  }
0x8a: {  	[sflag:s28] =	ssyncset.done @p0 $0x0  }
0x8b: {  	s1 =	rddreg [dreg:$0x7];
	[sflag:s28] =	ssyncadd.s32 @p0 $0xFFFFF400  }
0x8c: {  	[tilespmem:s31], [sflag:$0x3] =	stream.linear.gather @!p0 [hbm4b:s1+s31], $0x1C00, $0x38;
	[tilespmem:$0x1F800] =	vst v63  }
0x8d: {  	_ =	swait.ge @!p0 [sflag:s30], $0x1C00  }
0x8e: {  	[sflag:s30] =	ssyncset.done @!p0 $0x0  }
0x8f: {  	s1 =	rddreg [dreg:$0x8];
	[sflag:s30] =	ssyncadd.s32 @!p0 $0xFFFFE400  }
0x90: {  	[tilespmem:s2], [sflag:$0x3] =	stream.linear.gather @!p0 [hbm4b:s1+s31], $0x1C00, $0x38;
	[tilespmem:$0x1F800] =	vst v63  }
0x91: {  	_ =	swait.ge @!p0 [sflag:s30], $0x1C00  }
0x92: {  	[sflag:s30] =	ssyncset.done @!p0 $0x0  }
0x93: {  	[sflag:s30] =	ssyncadd.s32 @!p0 $0xFFFFE400  }
0x94: {  	[tilespmem:s20], [sflag:$0x1] =	stream.indirect.gather [hbm4b:s0+s22], $0x80, s4, s22, $0xb8;
	[tilespmem:$0x1F800] =	vst v63  }
0x95: {  	_ =	swait.ge [sflag:s23], $0x4000  }
0x96: {  	[sflag:s23] =	ssyncset.done $0x0  }
0x97: {  	s30 =	simm.s32 $0x80;
	[sflag:s23] =	ssyncadd.s32 $0xFFFFC000  }
0x98: {  	[tilespmem:s24], [sflag:$0x2] =	stream.indirect.gather [hbm4b:s0+s22], $0x80, s30, s22, $0xb8;
	[tilespmem:$0x1F800] =	vst v63  }
0x99: {  	s1 =	simm.s32 $0x1C00  }
0x9a: {  	[spmem:s3] =	stream.indirect.scatter.add.f32 [tilespmem:s20], [sflag:$0x3], $0x80, s1, s22, $0xb8;
	[tilespmem:$0x1F800] =	vst v63  }
0x9b: {  	_ =	swait.ge [sflag:s21], $0x4000  }
0x9c: {  	[sflag:s21] =	ssyncset.done $0x0  }
0x9d: {  	[sflag:s21] =	ssyncadd.s32 $0xFFFFC000  }
0x9e: {  	_ =	swait.ge [sflag:s25], $0x4000  }
0x9f: {  	[sflag:s25] =	ssyncset.done $0x0  }
0xa0: {  	p2 =	sne.s32 s8, $0x1;
	s2 =	simm.s32 $0x100;
	[sflag:s25] =	ssyncadd.s32 $0xFFFFC000  }
0xa1: {  	[tilespmem:s20], [sflag:$0x1] =	stream.indirect.gather [hbm4b:s0+s22], $0x80, s2, s22, $0xb8;
	[tilespmem:$0x1F800] =	vst v63  }
.Ltmp3:
0xa2: {  	_ = 	snop;
	(pc) =	sbr.rel @!p2 .LBB2_7-.Ltmp3, $4  }
0xa3: {  	s31 =	simm.s32 $0x1C80  }
0xa4: {  	[spmem:s3] =	stream.indirect.scatter.add.f32 [tilespmem:s24], [sflag:$0x3], $0x80, s31, s22, $0xb8;
	[tilespmem:$0x1F800] =	vst v63  }
0xa5: {  	_ =	swait.ge [sflag:s21], $0x4000  }
0xa6: {  	s8 =	sadd.s32 $0xFFFFFFFF, s8;
	[sflag:s21] =	ssyncset.done $0x0  }
.LBB2_6:
0xa7: {  	[sflag:s21] =	ssyncadd.s32 $0xFFFFC000;
	s2 =	sadd.s32 $0x100, s2;
	s1 =	sadd.s32 $0x100, s1  }
0xa8: {  	p2 =	sne.s32 s8, $0x1;
	s8 =	sadd.s32 $0xFFFFFFFF, s8  }
0xa9: {  	_ =	swait.ge [sflag:s23], $0x4000  }
0xaa: {  	[sflag:s23] =	ssyncset.done $0x0  }
0xab: {  	s28 =	sadd.s32 $0xFFFFFF80, s2;
	[sflag:s23] =	ssyncadd.s32 $0xFFFFC000  }
0xac: {  	[tilespmem:s24], [sflag:$0x2] =	stream.indirect.gather [hbm4b:s0+s22], $0x80, s28, s22, $0xb8;
	[tilespmem:$0x1F800] =	vst v63  }
0xad: {  	_ = 	snop  }
0xae: {  	[spmem:s3] =	stream.indirect.scatter.add.f32 [tilespmem:s20], [sflag:$0x3], $0x80, s1, s22, $0xb8;
	[tilespmem:$0x1F800] =	vst v63  }
0xaf: {  	_ =	swait.ge [sflag:s21], $0x4000  }
0xb0: {  	[sflag:s21] =	ssyncset.done $0x0  }
0xb1: {  	[sflag:s21] =	ssyncadd.s32 $0xFFFFC000  }
0xb2: {  	_ =	swait.ge [sflag:s25], $0x4000  }
0xb3: {  	[sflag:s25] =	ssyncset.done $0x0  }
0xb4: {  	[sflag:s25] =	ssyncadd.s32 $0xFFFFC000  }
0xb5: {  	[tilespmem:s20], [sflag:$0x1] =	stream.indirect.gather [hbm4b:s0+s22], $0x80, s2, s22, $0xb8;
	[tilespmem:$0x1F800] =	vst v63  }
.Ltmp4:
0xb6: {  	_ = 	snop;
	(pc) =	sbr.rel @p2 .LBB2_6-.Ltmp4, $4  }
0xb7: {  	s28 =	sadd.s32 $0x80, s1  }
0xb8: {  	[spmem:s3] =	stream.indirect.scatter.add.f32 [tilespmem:s24], [sflag:$0x3], $0x80, s28, s22, $0xb8;
	[tilespmem:$0x1F800] =	vst v63  }
0xb9: {  	_ =	swait.ge [sflag:s21], $0x4000  }
0xba: {  	[sflag:s21] =	ssyncset.done $0x0  }
.LBB2_7:
0xbb: {  	[sflag:s21] =	ssyncadd.s32 $0xFFFFC000  }
0xbc: {  	_ =	swait.ge [sflag:s23], $0x4000  }
0xbd: {  	[sflag:s23] =	ssyncset.done $0x0  }
0xbe: {  	[sflag:s23] =	ssyncadd.s32 $0xFFFFC000  }
0xbf: {  	[tilespmem:s24], [sflag:$0x2] =	stream.indirect.gather [hbm4b:s0+s22], $0x80, s9, s22, $0xb8;
	[tilespmem:$0x1F800] =	vst v63  }
0xc0: {  	_ = 	snop  }
0xc1: {  	[spmem:s3] =	stream.indirect.scatter.add.f32 [tilespmem:s20], [sflag:$0x3], $0x80, s10, s22, $0xb8;
	[tilespmem:$0x1F800] =	vst v63  }
0xc2: {  	_ =	swait.ge [sflag:s21], $0x4000  }
0xc3: {  	[sflag:s21] =	ssyncset.done $0x0  }
0xc4: {  	[sflag:s21] =	ssyncadd.s32 $0xFFFFC000  }
0xc5: {  	_ =	swait.ge [sflag:s25], $0x4000  }
0xc6: {  	[sflag:s25] =	ssyncset.done $0x0  }
0xc7: {  	[sflag:s25] =	ssyncadd.s32 $0xFFFFC000  }
0xc8: {  	[tilespmem:s13], [sflag:$0x1] =	stream.indirect.gather @!p1 [hbm4b:s0+s12], $0x80, s11, s12, $0xb8;
	[tilespmem:$0x1F800] =	vst v63  }
0xc9: {  	_ = 	snop  }
0xca: {  	[spmem:s3] =	stream.indirect.scatter.add.f32 [tilespmem:s24], [sflag:$0x3], $0x80, s14, s22, $0xb8;
	[tilespmem:$0x1F800] =	vst v63  }
0xcb: {  	_ =	swait.ge [sflag:s21], $0x4000  }
0xcc: {  	[sflag:s21] =	ssyncset.done $0x0  }
0xcd: {  	s1 =	stileid.u32;
	[sflag:s21] =	ssyncadd.s32 $0xFFFFC000  }
0xce: {  	s1 =	sshll.u32 s1, $0x6;
	[bflag:$0x0] =	sbarrier.arrive $0xFFFF  }
0xcf: {  	s2 =	sshrl.u32 s5, $0x3;
	s1 =	sor.u32 $0x1C03, s1;
	s8 =	rddreg [dreg:$0x9]  }
0xd0: {  	[hbm:s8], [sflag:s1] =	dma.local [spmem:s2], $0x2800  }
0xd1: {  	_ =	swait.ge [sflag:s21], $0x2800  }
0xd2: {  	s26 =	sadd.s32 $0x1, s26;
	s31 =	rddreg [dreg:$0xa]  }
0xd3: {  	p1 =	sne.s32 s26, s31  }
.Ltmp5:
0xd4: {  	_ = 	snop;
	(pc) =	sbr.rel @p1 .LBB2_1-.Ltmp5, $3  }
0xd5: {  	_ =	sdelay $0x1  }
0xd6: {  	[sflag:s21] =	ssyncset.done $0x0  }
0xd7: {  	[sflag:s21] =	ssyncadd.s32 $0xFFFFD800  }
0xd8: {  	_ =	sfence.sel $0x180000  }
0xd9: {  	[bflag:$0x0] =	sbarrier.arrive $0xFFFF  }
0xda: {  	_ =	strace $0x9000004A  }
0xdb: {  	s0 =	stileid.u32;
	[bflag:$0x2] =	sbarrier.arrive $0xFFFF  }
0xdc: {  	p0 =	sne.s32 s0, $0x0;
	s0 =	rddreg [dreg:$0x3]  }
0xdd: {  	s0 =	sadd.s32 @!p0 $0x100000, s0  }
0xde: {  	[sflag:s0] =	ssyncadd.tile.s32 @!p0 $0x1;
	_ =	shalt  }
.Lfunc_end2:
_tile_overlayer_lowered:
.L_overlay_start_2:
0xdf: {  	(tag) =	ssettag $0x2  }
0xe0: {  	s0 =	rddreg [dreg:$0x0];
	s2 =	stileid.u32  }
0xe1: {  	s1 =	rddreg [dreg:$0x1];
	p0 =	sne.s32 s2, $0x0  }
0xe2: {  	s3 =	rddreg [dreg:$0x2];
	[bflag:$0x3] =	sbarrier.arrive $0xFFFF;
	s2 =	simm.s32 @!p0 $0x1C03  }
0xe3: {  	[timem:s3], [sflag:s2] =	dma.local @!p0 [hbm:s0], s1  }
0xe4: {  	s0 =	simm.s32 @!p0 $0x3  }
0xe5: {  	_ =	swait.ge @!p0 [sflag:s0], s1  }
0xe6: {  	s1 =	ssub.s32 @!p0 $0x0, s1;
	[sflag:s0] =	ssyncset.done @!p0 $0x0  }
0xe7: {  	[sflag:s0] =	ssyncadd.s32 @!p0 s1  }
0xe8: {  	[bflag:$0x3] =	sbarrier.arrive $0xFFFF  }
0xe9: {  	_ =	shalt  }

// kernel: kernel.14.cloned.1.call-start
scs
__scs_entry_jumppad:
0x0: {  	(pc) =	sbr.rel $0x88, $3  }
0x1: {  	(tag) =	ssettag $0x0;
	lr =	simm.s32 $0x1  }
0x2: {  	[smem:$0x3F9B] =	sst lr;
	_ =	strace $0xD0000000  }
0x3: {  	_ = 	snop  }
0x4: {  	_ = 	snop  }
0x5: {  	_ = 	snop  }
0x6: {  	_ = 	snop  }
0x7: {  	_ = 	snop  }
__scs_overlays_trampoline_lowered:
0x8: {  	[smem:$0x3FAA] =	sst s0  }
0x9: {  	[smem:$0x3FAB] =	sst s1  }
0xa: {  	[smem:$0x3FAC] =	sst s2  }
0xb: {  	[smem:$0x3FAD] =	sst s3  }
0xc: {  	[smem:$0x3FAE] =	sst s4  }
0xd: {  	[smem:$0x3FAF] =	sst s5  }
0xe: {  	[smem:$0x3FB0] =	sst s6  }
0xf: {  	[smem:$0x3FB1] =	sst s7  }
0x10: {  	[smem:$0x3FB2] =	sst s8  }
0x11: {  	[smem:$0x3FB3] =	sst s9;
	s0 =	simm.s32 @!p0 $0x0  }
0x12: {  	s1 =	sld [smem:$0x3F99];
	s0 =	simm.s32 @p0 $0x1  }
0x13: {  	[smem:$0x3FB4] =	sst s0;
	s0 =	simm.s32 @!p1 $0x0  }
0x14: {  	s2 =	sld [smem:$0x3F98];
	s0 =	simm.s32 @p1 $0x1  }
0x15: {  	[smem:$0x3FB5] =	sst s0;
	s0 =	simm.s32 @!p2 $0x0  }
0x16: {  	s3 =	sld [smem:$0x3FDB];
	s0 =	simm.s32 @p2 $0x1  }
0x17: {  	s4 =	simm.s32 $0x1BF5;
	[smem:$0x3FB7] =	sst s0  }
0x18: {  	s0 =	sld [smem:$0x3F9A];
	_ =	swait.ge [sflag:s4], $0x0  }
0x19: {  	s7 =	sld [smem:$0x3F9B]  }
0x1a: {  	s8 =	sadd.s32 $0xFFFFE003, lr  }
0x1b: {  	s9 =	sadd.s32 $0xFFFFFEF7, lr;
	s5 =	simm.s32 $0xFFFFFFFF;
	p2 =	slt.u32 s8, $0xFFFFF086  }
0x1c: {  	p1 =	slt.u32 s9, $0xF7A;
	s5 =	simm.s32 @!p2 $0x0  }
0x1d: {  	s5 =	simm.s32 @p1 $0x1;
	p0 =	seq.s32 s7, s2  }
0x1e: {  	s7 =	smul.u32 @!p0 $0xF7A, s2;
	p2 =	seq.s32 @!p0 s5, $0x0  }
0x1f: {  	s9 =	smul.u32 $0xF7A, s1;
	s8 =	simm.s32 @!p0 $0x1BF5;
	p2 =	por !p2, p0  }
0x20: {  	[sflag:s8] =	ssyncset.s32 @!p0 $0xFFFFF086;
	s6 =	sadd.s32 @!p0 s3, s7;
	s7 =	simm.s32 @!p0 $0x108  }
0x21: {  	s3 =	sadd.s32 s3, s9;
	s6 =	sadd.s32 @!p0 $0x88, s6;
	s7 =	simm.s32 @p2 $0x1082  }
0x22: {  	[simem:s7], [sflag:s8] =	dma.local @!p0 [hbm:s6], $0xF7A  }
0x23: {  	s9 =	sor.u32 $0xD0000000, s2;
	s6 =	simm.s32 $0x108;
	_ =	swait.ge @!p0 [sflag:s8], $0x0  }
0x24: {  	s3 =	sadd.s32 $0x88, s3;
	s6 =	simm.s32 @!p1 $0x1082;
	[sflag:s4] =	ssyncset.s32 $0xFFFFF086  }
0x25: {  	[simem:s6], [sflag:s4] =	dma.local [hbm:s3], $0xF7A  }
0x26: {  	[smem:$0x3F9B] =	sst s1;
	(tag) =	ssettag s2;
	_ =	strace s9  }
0x27: {  	s1 =	sld [smem:$0x3FAB]  }
0x28: {  	s2 =	sld [smem:$0x3FAC]  }
0x29: {  	s4 =	sld [smem:$0x3FAE]  }
0x2a: {  	p0 =	seq.s32 s5, $0x0;
	s5 =	sld [smem:$0x3FAF]  }
0x2b: {  	s6 =	sld [smem:$0x3FB0]  }
0x2c: {  	s7 =	sld [smem:$0x3FB1]  }
0x2d: {  	s3 =	simm.s32 $0x108;
	s8 =	sld [smem:$0x3FB2]  }
0x2e: {  	s3 =	simm.s32 @!p0 $0x1082;
	s9 =	sld [smem:$0x3FB3]  }
0x2f: {  	lr =	sadd.s32 s0, s3;
	s0 =	sld [smem:$0x3FAA]  }
0x30: {  	s3 =	sld [smem:$0x3FAD]  }
0x31: {  	[smem:$0x3FB6] =	sst s10  }
0x32: {  	s10 =	sld [smem:$0x3FB4];
	_ =	sdelay $0x3  }
0x33: {  	p0 =	seq.s32 s10, $0x1;
	s10 =	sld [smem:$0x3FB6];
	_ =	sdelay $0x3  }
0x34: {  	[smem:$0x3FB6] =	sst s10  }
0x35: {  	s10 =	sld [smem:$0x3FB5];
	_ =	sdelay $0x3  }
0x36: {  	p1 =	seq.s32 s10, $0x1;
	s10 =	sld [smem:$0x3FB6];
	_ =	sdelay $0x3  }
0x37: {  	[smem:$0x3FB6] =	sst s10  }
0x38: {  	s10 =	sld [smem:$0x3FB7]  }
0x39: {  	_ = 	snop;
	(pc) =	sbr.ind lr, $3  }
0x3a: {  	_ = 	snop  }
0x3b: {  	_ = 	snop  }
0x3c: {  	p2 =	seq.s32 s10, $0x1;
	s10 =	sld [smem:$0x3FB6]  }
0x3d: {  	_ =	shalt  }
0x3e: {  	_ =	shalt  }
0x3f: {  	_ =	shalt  }
0x40: {  	_ =	shalt  }
0x41: {  	_ =	shalt  }
0x42: {  	_ =	shalt  }
0x43: {  	_ =	shalt  }
0x44: {  	_ =	shalt  }
0x45: {  	_ =	shalt  }
0x46: {  	_ =	shalt  }
0x47: {  	_ =	shalt  }
0x48: {  	_ =	shalt  }
0x49: {  	_ =	shalt  }
0x4a: {  	_ =	shalt  }
0x4b: {  	_ =	shalt  }
0x4c: {  	_ =	shalt  }
0x4d: {  	_ =	shalt  }
0x4e: {  	_ =	shalt  }
0x4f: {  	_ =	shalt  }
0x50: {  	_ =	shalt  }
0x51: {  	_ =	shalt  }
0x52: {  	_ =	shalt  }
0x53: {  	_ =	shalt  }
0x54: {  	_ =	shalt  }
0x55: {  	_ =	shalt  }
0x56: {  	_ =	shalt  }
0x57: {  	_ =	shalt  }
0x58: {  	_ =	shalt  }
0x59: {  	_ =	shalt  }
0x5a: {  	_ =	shalt  }
0x5b: {  	_ =	shalt  }
0x5c: {  	_ =	shalt  }
0x5d: {  	_ =	shalt  }
0x5e: {  	_ =	shalt  }
0x5f: {  	_ =	shalt  }
0x60: {  	_ =	shalt  }
0x61: {  	_ =	shalt  }
0x62: {  	_ =	shalt  }
0x63: {  	_ =	shalt  }
0x64: {  	_ =	shalt  }
0x65: {  	_ =	shalt  }
0x66: {  	_ =	shalt  }
0x67: {  	_ =	shalt  }
0x68: {  	_ =	shalt  }
0x69: {  	_ =	shalt  }
0x6a: {  	_ =	shalt  }
0x6b: {  	_ =	shalt  }
0x6c: {  	_ =	shalt  }
0x6d: {  	_ =	shalt  }
0x6e: {  	_ =	shalt  }
0x6f: {  	_ =	shalt  }
0x70: {  	_ =	shalt  }
0x71: {  	_ =	shalt  }
0x72: {  	_ =	shalt  }
0x73: {  	_ =	shalt  }
0x74: {  	_ =	shalt  }
0x75: {  	_ =	shalt  }
0x76: {  	_ =	shalt  }
0x77: {  	_ =	shalt  }
0x78: {  	_ =	shalt  }
0x79: {  	_ =	shalt  }
0x7a: {  	_ =	shalt  }
0x7b: {  	_ =	shalt  }
0x7c: {  	_ =	shalt  }
0x7d: {  	_ =	shalt  }
0x7e: {  	_ =	shalt  }
0x7f: {  	_ =	shalt  }
0x80: {  	_ =	shalt  }
0x81: {  	_ =	shalt  }
0x82: {  	_ =	shalt  }
0x83: {  	_ =	shalt  }
0x84: {  	_ =	shalt  }
0x85: {  	_ =	shalt  }
0x86: {  	_ =	shalt  }
0x87: {  	_ =	shalt  }
.Lfunc_end0:
.L_simem_size_0:
called_computation.2_lowered:
.L_overlay_start_0:
0x88: {  	s2 =	sld [smem:$0x3FD9]  }
0x89: {  	s3 =	sld [smem:$0x3FFE];
	_ =	sdelay $0x1  }
0x8a: {  	s1 =	srdreg.scid  }
0x8b: {  	s0 =	sand.u32 $0x1, s1  }
0x8c: {  	s17 =	sshll.u32 s0, $0xA;
	s2 =	sadd.s32 s3, s2  }
0x8d: {  	s2 =	sadd.s32 s2, s17  }
0x8e: {  	[smem:$0x3FC2] =	sst s2  }
0x8f: {  	_ = 	snop  }
0x90: {  	s2 =	sld [smem:$0x3FD0];
	(tm) =	ssettm $0x1  }
0x91: {  	s18 =	sld [smem:$0x3FFB];
	_ =	sdelay $0x3  }
0x92: {  	_ =	strace s18  }
0x93: {  	s3 =	sld [smem:$0x3FFC];
	_ =	sdelay $0x3  }
0x94: {  	_ =	strace s3  }
0x95: {  	s3 =	sld [smem:$0x3FFD];
	_ =	sdelay $0x3  }
0x96: {  	_ =	strace s3  }
0x97: {  	_ =	strace $0x8FFFFFFF  }
0x98: {  	s19 =	sld [smem:$0x3FDB];
	_ =	sdelay $0x1  }
0x99: {  	s4 =	simm.s32 $_scs_section_size  }
0x9a: {  	s5 =	simm.s32 $_size__tile_overlayer_lowered;
	s6 =	simm.s32 $_tile_overlayer_lowered  }
0x9b: {  	s22 =	simm.s32 $0x1BFF;
	s21 =	sshll.u32 s6, $0x1;
	s3 =	sadd.s32 s4, s19  }
0x9c: {  	s7 =	simm.s32 $0x0;
	s20 =	sshll.u32 s5, $0x1;
	s5 =	sadd.s32 s21, s3  }
0x9d: {  	[timem:s7], [sflag:s22] =	dma.local [hbm:s5], s20  }
0x9e: {  	_ =	swait.ge [sflag:s22], s20  }
0x9f: {  	s4 =	ssub.s32 $0x0, s20;
	[sflag:s22] =	ssyncset.done $0x0  }
0xa0: {  	[sflag:s22] =	ssyncadd.s32 s4;
	_ =	sdelay $0x1  }
0xa1: {  	s23 =	simm.s32 $0x1B8B  }
0xa2: {  	_ =	swait.ge [sflag:s23], $0x1  }
0xa3: {  	[sflag:s23] =	ssyncset.done $0x0  }
0xa4: {  	s25 =	simm.s32 $0x1B8E;
	s24 =	sld [smem:$0x3FFE];
	[sflag:s23] =	ssyncadd.s32 $0xFFFFFFFF  }
0xa5: {  	s26 =	simm.s32 $execute0_lowered;
	[smem:$0x3FD2] =	sst s25  }
0xa6: {  	s5 =	sshll.u32 s26, $0x1;
	_ =	strace $0x8000004C;
	[dreg:$0x1] =	wrdreg $0xFFFFFFFF  }
0xa7: {  	s28 =	simm.s32 $_size_execute0_lowered;
	s3 =	sadd.s32 s3, s5;
	[dreg:$0x0] =	wrdreg $0x0  }
0xa8: {  	s5 =	sshll.u32 s28, $0x1;
	[dreg:$0x2] =	wrdreg s3  }
0xa9: {  	[dreg:$0x3] =	wrdreg s5  }
0xaa: {  	[dreg:$0x4] =	wrdreg $0xC0  }
0xab: {  	_ =	task [dreg:s7], $0x5FFFF  }
0xac: {  	[dreg:$0x1] =	wrdreg $0xFFFFFFFF  }
0xad: {  	[dreg:$0x0] =	wrdreg $0x60  }
0xae: {  	[dreg:$0x2] =	wrdreg s2  }
0xaf: {  	[dreg:$0x3] =	wrdreg s24  }
0xb0: {  	[dreg:$0x4] =	wrdreg $0xB8000  }
0xb1: {  	[dreg:$0x5] =	wrdreg $0x9  }
0xb2: {  	_ =	task.clear_ibuf [dreg:s7], $0x6FFFF;
	_ =	strace $0x9000004C  }
0xb3: {  	s29 =	simm.s32 $0x9;
	_ =	strace $0x8000004E  }
0xb4: {  	_ =	swait.ge [sflag:s29], $0x1  }
0xb5: {  	[sflag:s29] =	ssyncadd.s32 $0xFFFFFFFF  }
0xb6: {  	_ =	strace $0x9000004E  }
0xb7: {  	_ =	sfence  }
0xb8: {  	s30 =	sld [smem:$0x0];
	_ =	sdelay $0x2  }
0xb9: {  	s31 =	sshll.u32 s1, $0xD;
	s1 =	sshrl.u32 s1, $0x2  }
0xba: {  	s3 =	sand.u32 $0x4000, s31;
	s1 =	sadd.s32 s1, s30  }
0xbb: {  	s0 =	sor.u32 s3, s0;
	s1 =	sshll.u32 s1, $0x11  }
0xbc: {  	s0 =	sor.u32 s1, s0  }
0xbd: {  	s0 =	sadd.s32 $0x8F2B, s0  }
0xbe: {  	[sflag:s0] =	ssyncadd.remote.s32 $0x1  }
0xbf: {  	_ =	sfence.sel $0xFFFF  }
0xc0: {  	[dreg:$0x0] =	wrdreg $0xFFFFFFFF;
	(pc) =	sbr.abs _section_cstart, $3  }
0xc1: {  	[dreg:$0x1] =	wrdreg $0xFFFFFFFF  }
0xc2: {  	_ =	task.clear_ibuf [dreg:s7], $0x2FFFF;
	_ =	strace $0x9FFFFFFF  }
0xc3: {  	(tm) =	ssettm $0x7FFFFFFF  }
tec
execute0_lowered:
.L_overlay_start_1:
0x0: {  	(tag) =	ssettag $0x1  }
0x1: {  	s0 =	rddreg [dreg:$0x0]  }
0x2: {  	s1 =	rddreg [dreg:$0x1];
	s2 =	srdreg.scid  }
0x3: {  	s3 =	rddreg [dreg:$0x2];
	s11 =	stileid.u32;
	s4 =	simm.s32 $0x0  }
0x4: {  	s20 =	simm.s32 $0x3800;
	s21 =	simm.s32 $0x3;
	s6 =	smul.u32 $0x14000, s11  }
0x5: {  	s2 =	sand.u32 $0x1, s2;
	[smem:$0x7FF] =	sst s4;
	s22 =	smul.u32 $0x50000, s11  }
0x6: {  	s8 =	sadd.s32 $0x3600, s1;
	s9 =	sadd.s32 $0xD600, s1;
	s11 =	smul.u32 $0xA0, s11  }
0x7: {  	s5 =	smul.u32 $0x140000, s2;
	_ =	strace $0x8000004D;
	s10 =	ssub.s32 $0x2, s2  }
0x8: {  	s7 =	ssub.s32 $0x0, s2;
	p0 =	seq.s32 s2, $0x0;
	s23 =	sshrl.u32 s10, $0x1  }
0x9: {  	s7 =	sand.u32 $0x70, s7;
	s24 =	sshrl.u32 s22, $0x2;
	s22 =	simm.s32 $0x80  }
0xa: {  	s5 =	sadd.s32 s6, s5;
	s10 =	ssub.s32 s10, s23;
	s25 =	sadd.s32 s11, s7  }
0xb: {  	s11 =	simm.s32 $0x1C;
	s23 =	simm.s32 $0x1;
	s5 =	sshrl.u32 s5, $0x3  }
0xc: {  	s12 =	sshll.u32 s25, $0x4;
	s11 =	simm.s32 @!p0 $0xC;
	s29 =	smax.u32 s10, $0x1  }
0xd: {  	p0 =	sne.s32 s2, $0x0;
	s25 =	simm.s32 $0x2;
	s1 =	sadd.s32 s5, s1  }
0xe: {  	s5 =	sadd.s32 s24, s3;
	s6 =	sadd.s32 s8, s12;
	s7 =	sadd.s32 s9, s12  }
0xf: {  	s13 =	sadd.s32 $0xFFFFFFFF, s11;
	s26 =	sadd.s32 $0x180, s12;
	[dreg:$0xa] =	wrdreg s29  }
0x10: {  	s12 =	sadd.s32 $0x380, s12;
	[dreg:$0x4] =	wrdreg s13;
	s14 =	sadd.s32 s8, s26  }
0x11: {  	s31 =	sshll.u32 s11, $0xA;
	s13 =	sadd.s32 s9, s26;
	[dreg:$0x5] =	wrdreg s14  }
0x12: {  	s24 =	simm.s32 $0x7800;
	s8 =	sadd.s32 s8, s12;
	[dreg:$0x6] =	wrdreg s13  }
0x13: {  	s28 =	sadd.s32 s9, s12;
	s1 =	sadd.s32 $0x65A00, s1;
	[dreg:$0x7] =	wrdreg s8  }
0x14: {  	s30 =	sadd.s32 $0x4000, s5;
	s16 =	sadd.s32 $0x8000, s5;
	[dreg:$0x8] =	wrdreg s28  }
0x15: {  	s17 =	sadd.s32 $0xC000, s5;
	s18 =	sadd.s32 $0x10000, s5;
	[dreg:$0x9] =	wrdreg s1  }
0x16: {  	v0 =	vimm.f32 $0.0e+00;
	s19 =	sadd.s32 $0xFFFFFC00, s31;
	s26 =	simm.s32 $0x0;
	[dreg:$0xb] =	wrdreg s30  }
.LBB2_1:
0x17: {  	s1 =	sand.u32 $0xFE00, s4  }
0x18: {  	s2 =	sand.u32 $0x70, s4;
	s8 =	sshrl.u32 s1, $0x2  }
0x19: {  	s1 =	simm.s32 $0x40;
	s8 =	sor.u32 s2, s8;
	s2 =	simm.s32 $0x0  }
.LBB2_2:
0x1a: {  	p1 =	sne.s32 s1, $0xFFC0  }
0x1b: {  	[tilespmem:s8+$0x3800] =	vst v0;
	s2 =	sadd.s32 $0x10, s2;
	s8 =	smov.u32 s1;
	s1 =	sadd.s32 $0x40, s1  }
.Ltmp0:
0x1c: {  	(pc) =	sbr.rel @p1 .LBB2_2-.Ltmp0, $4  }
0x1d: {  	_ = 	snop  }
0x1e: {  	s8 =	sand.u32 $0xFE00, s8  }
0x1f: {  	s9 =	sand.u32 $0x70, s2;
	s8 =	sshrl.u32 s8, $0x2  }
0x20: {  	s8 =	sor.u32 s9, s8  }
0x21: {  	[tilespmem:s8+$0x3800] =	vst v0  }
0x22: {  	[spmem:s5] =	stream.linear.scatter [tilespmem:s20], [sflag:$0x3], $0x4000, $0x38;
	[tilespmem:$0x1F800] =	vst v63  }
0x23: {  	_ =	swait.ge [sflag:s21], $0x4000  }
0x24: {  	[sflag:s21] =	ssyncset.done $0x0  }
0x25: {  	s1 =	rddreg [dreg:$0xb];
	[sflag:s21] =	ssyncadd.s32 $0xFFFFC000  }
0x26: {  	[spmem:s1] =	stream.linear.scatter [tilespmem:s20], [sflag:$0x3], $0x4000, $0x38;
	[tilespmem:$0x1F800] =	vst v63  }
0x27: {  	_ =	swait.ge [sflag:s21], $0x4000  }
0x28: {  	[sflag:s21] =	ssyncset.done $0x0  }
0x29: {  	[sflag:s21] =	ssyncadd.s32 $0xFFFFC000  }
0x2a: {  	[spmem:s16] =	stream.linear.scatter [tilespmem:s20], [sflag:$0x3], $0x4000, $0x38;
	[tilespmem:$0x1F800] =	vst v63  }
0x2b: {  	_ =	swait.ge [sflag:s21], $0x4000  }
0x2c: {  	[sflag:s21] =	ssyncset.done $0x0  }
0x2d: {  	[sflag:s21] =	ssyncadd.s32 $0xFFFFC000  }
0x2e: {  	[spmem:s17] =	stream.linear.scatter [tilespmem:s20], [sflag:$0x3], $0x4000, $0x38;
	[tilespmem:$0x1F800] =	vst v63  }
0x2f: {  	_ =	swait.ge [sflag:s21], $0x4000  }
0x30: {  	[sflag:s21] =	ssyncset.done $0x0  }
0x31: {  	[sflag:s21] =	ssyncadd.s32 $0xFFFFC000  }
0x32: {  	[spmem:s18] =	stream.linear.scatter [tilespmem:s20], [sflag:$0x3], $0x4000, $0x38;
	[tilespmem:$0x1F800] =	vst v63  }
0x33: {  	_ =	swait.ge [sflag:s21], $0x4000  }
0x34: {  	[sflag:s21] =	ssyncset.done $0x0  }
0x35: {  	[sflag:s21] =	ssyncadd.s32 $0xFFFFC000  }
0x36: {  	s29 =	simm.s32 @p0 $0x0;
	s28 =	simm.s32 @p0 $0x3;
	[bflag:$0x0] =	sbarrier.arrive $0xFFFF  }
0x37: {  	[tilespmem:s29], [sflag:$0x3] =	stream.linear.gather @p0 [hbm4b:s6+s29], $0xC00, $0x38;
	[tilespmem:$0x1F800] =	vst v63  }
0x38: {  	_ =	swait.ge @p0 [sflag:s28], $0xC00  }
0x39: {  	[sflag:s28] =	ssyncset.done @p0 $0x0  }
0x3a: {  	s1 =	simm.s32 @p0 $0x1C00;
	[sflag:s28] =	ssyncadd.s32 @p0 $0xFFFFF400  }
0x3b: {  	[tilespmem:s1], [sflag:$0x3] =	stream.linear.gather @p0 [hbm4b:s7+s29], $0xC00, $0x38;
	[tilespmem:$0x1F800] =	vst v63  }
0x3c: {  	_ =	swait.ge @p0 [sflag:s28], $0xC00  }
0x3d: {  	[sflag:s28] =	ssyncset.done @p0 $0x0  }
0x3e: {  	s31 =	simm.s32 @!p0 $0x0;
	s30 =	simm.s32 @!p0 $0x3;
	[sflag:s28] =	ssyncadd.s32 @p0 $0xFFFFF400  }
0x3f: {  	[tilespmem:s31], [sflag:$0x3] =	stream.linear.gather @!p0 [hbm4b:s6+s31], $0x1C00, $0x38;
	[tilespmem:$0x1F800] =	vst v63  }
0x40: {  	_ =	swait.ge @!p0 [sflag:s30], $0x1C00  }
0x41: {  	[sflag:s30] =	ssyncset.done @!p0 $0x0  }
0x42: {  	s2 =	simm.s32 @!p0 $0x1C00;
	[sflag:s30] =	ssyncadd.s32 @!p0 $0xFFFFE400  }
0x43: {  	[tilespmem:s2], [sflag:$0x3] =	stream.linear.gather @!p0 [hbm4b:s7+s31], $0x1C00, $0x38;
	[tilespmem:$0x1F800] =	vst v63  }
0x44: {  	_ =	swait.ge @!p0 [sflag:s30], $0x1C00  }
0x45: {  	[sflag:s30] =	ssyncset.done @!p0 $0x0  }
0x46: {  	s11 =	simm.s32 $0x0;
	[sflag:s30] =	ssyncadd.s32 @!p0 $0xFFFFE400  }
0x47: {  	[tilespmem:s20], [sflag:$0x1] =	stream.indirect.gather [hbm4b:s0+s22], $0x80, s11, s22, $0xb8;
	[tilespmem:$0x1F800] =	vst v63  }
0x48: {  	_ =	swait.ge [sflag:s23], $0x4000  }
0x49: {  	[sflag:s23] =	ssyncset.done $0x0  }
0x4a: {  	s12 =	simm.s32 $0x80;
	[sflag:s23] =	ssyncadd.s32 $0xFFFFC000  }
0x4b: {  	[tilespmem:s24], [sflag:$0x2] =	stream.indirect.gather [hbm4b:s0+s22], $0x80, s12, s22, $0xb8;
	[tilespmem:$0x1F800] =	vst v63  }
0x4c: {  	s13 =	simm.s32 $0x1C00  }
0x4d: {  	[spmem:s3] =	stream.indirect.scatter.add.f32 [tilespmem:s20], [sflag:$0x3], $0x80, s13, s22, $0xb8;
	[tilespmem:$0x1F800] =	vst v63  }
0x4e: {  	_ =	swait.ge [sflag:s21], $0x4000  }
0x4f: {  	[sflag:s21] =	ssyncset.done $0x0  }
0x50: {  	[sflag:s21] =	ssyncadd.s32 $0xFFFFC000  }
0x51: {  	_ =	swait.ge [sflag:s25], $0x4000  }
0x52: {  	[sflag:s25] =	ssyncset.done $0x0  }
0x53: {  	s14 =	simm.s32 $0x100;
	p1 =	sne.s32 s19, $0x400;
	[sflag:s25] =	ssyncadd.s32 $0xFFFFC000  }
0x54: {  	[tilespmem:s20], [sflag:$0x1] =	stream.indirect.gather [hbm4b:s0+s22], $0x80, s14, s22, $0xb8;
	[tilespmem:$0x1F800] =	vst v63  }
.Ltmp1:
0x55: {  	_ = 	snop;
	(pc) =	sbr.rel @!p1 .LBB2_5-.Ltmp1, $4  }
0x56: {  	s15 =	simm.s32 $0x1C80  }
0x57: {  	[spmem:s3] =	stream.indirect.scatter.add.f32 [tilespmem:s24], [sflag:$0x3], $0x80, s15, s22, $0xb8;
	[tilespmem:$0x1F800] =	vst v63  }
0x58: {  	s8 =	simm.s32 $0x1;
	s9 =	simm.s32 $0x2;
	_ =	swait.ge [sflag:s21], $0x4000  }
0x59: {  	s11 =	simm.s32 $0x400;
	s12 =	simm.s32 $0xFFFFFFFF;
	[sflag:s21] =	ssyncset.done $0x0  }
.LBB2_4:
0x5a: {  	s8 =	smov.u32 s9;
	s12 =	sadd.s32 $0x1, s12  }
0x5b: {  	s10 =	smov.u32 s11;
	s11 =	sadd.s32 $0x400, s11;
	[sflag:s21] =	ssyncadd.s32 $0xFFFFC000  }
0x5c: {  	p1 =	sne.s32 s19, s11  }
0x5d: {  	_ =	swait.ge [sflag:s23], $0x4000  }
0x5e: {  	s10 =	sshra.s32 s10, $0x2;
	[sflag:s23] =	ssyncset.done $0x0  }
0x5f: {  	s13 =	sadd.s32 $0x80, s10;
	[sflag:s23] =	ssyncadd.s32 $0xFFFFC000  }
0x60: {  	[tilespmem:s24], [sflag:$0x2] =	stream.indirect.gather [hbm4b:s0+s22], $0x80, s13, s22, $0xb8;
	[tilespmem:$0x1F800] =	vst v63  }
0x61: {  	s13 =	sadd.s32 $0x1C00, s10  }
0x62: {  	[spmem:s3] =	stream.indirect.scatter.add.f32 [tilespmem:s20], [sflag:$0x3], $0x80, s13, s22, $0xb8;
	[tilespmem:$0x1F800] =	vst v63  }
0x63: {  	_ =	swait.ge [sflag:s21], $0x4000  }
0x64: {  	[sflag:s21] =	ssyncset.done $0x0  }
0x65: {  	[sflag:s21] =	ssyncadd.s32 $0xFFFFC000  }
0x66: {  	_ =	swait.ge [sflag:s25], $0x4000  }
0x67: {  	[sflag:s25] =	ssyncset.done $0x0  }
0x68: {  	s13 =	sadd.s32 $0x100, s10;
	[sflag:s25] =	ssyncadd.s32 $0xFFFFC000  }
0x69: {  	[tilespmem:s20], [sflag:$0x1] =	stream.indirect.gather [hbm4b:s0+s22], $0x80, s13, s22, $0xb8;
	[tilespmem:$0x1F800] =	vst v63  }
.Ltmp2:
0x6a: {  	_ = 	snop;
	(pc) =	sbr.rel @p1 .LBB2_4-.Ltmp2, $4  }
0x6b: {  	s10 =	sadd.s32 $0x1C80, s10  }
0x6c: {  	[spmem:s3] =	stream.indirect.scatter.add.f32 [tilespmem:s24], [sflag:$0x3], $0x80, s10, s22, $0xb8;
	[tilespmem:$0x1F800] =	vst v63  }
0x6d: {  	_ =	swait.ge [sflag:s21], $0x4000  }
0x6e: {  	s9 =	sadd.s32 $0x1, s9;
	[sflag:s21] =	ssyncset.done $0x0  }
.LBB2_5:
0x6f: {  	[sflag:s21] =	ssyncadd.s32 $0xFFFFC000  }
0x70: {  	_ =	swait.ge [sflag:s23], $0x4000  }
0x71: {  	s14 =	sshra.s32 s11, $0x2;
	[sflag:s23] =	ssyncset.done $0x0  }
0x72: {  	s9 =	sadd.s32 $0x80, s14;
	[sflag:s23] =	ssyncadd.s32 $0xFFFFC000  }
0x73: {  	[tilespmem:s24], [sflag:$0x2] =	stream.indirect.gather [hbm4b:s0+s22], $0x80, s9, s22, $0xb8;
	[tilespmem:$0x1F800] =	vst v63  }
0x74: {  	s10 =	sadd.s32 $0x1C00, s14  }
0x75: {  	[spmem:s3] =	stream.indirect.scatter.add.f32 [tilespmem:s20], [sflag:$0x3], $0x80, s10, s22, $0xb8;
	[tilespmem:$0x1F800] =	vst v63  }
0x76: {  	_ =	swait.ge [sflag:s21], $0x4000  }
0x77: {  	[sflag:s21] =	ssyncset.done $0x0  }
0x78: {  	[sflag:s21] =	ssyncadd.s32 $0xFFFFC000  }
0x79: {  	s12 =	sadd.s32 $0x1, s12;
	_ =	swait.ge [sflag:s25], $0x4000  }
0x7a: {  	s12 =	sadd.s32 $0x1, s12;
	s13 =	rddreg [dreg:$0x4]  }
0x7b: {  	[sflag:s25] =	ssyncset.done $0x0;
	p1 =	sge.u32 s12, s13  }
0x7c: {  	[sflag:s25] =	ssyncadd.s32 $0xFFFFC000;
	s11 =	sshra.s32 @!p1 s11, $0x2  }
0x7d: {  	s12 =	simm.s32 @!p1 $0x80;
	s13 =	simm.s32 @!p1 $0x3800;
	s11 =	sadd.s32 @!p1 $0x100, s11  }
0x7e: {  	[tilespmem:s13], [sflag:$0x1] =	stream.indirect.gather @!p1 [hbm4b:s0+s12], $0x80, s11, s12, $0xb8;
	[tilespmem:$0x1F800] =	vst v63  }
0x7f: {  	s14 =	sadd.s32 $0x1C80, s14  }
0x80: {  	[spmem:s3] =	stream.indirect.scatter.add.f32 [tilespmem:s24], [sflag:$0x3], $0x80, s14, s22, $0xb8;
	[tilespmem:$0x1F800] =	vst v63  }
0x81: {  	_ =	swait.ge [sflag:s21], $0x4000  }
0x82: {  	[sflag:s21] =	ssyncset.done $0x0  }
0x83: {  	s15 =	rddreg [dreg:$0x5];
	[sflag:s21] =	ssyncadd.s32 $0xFFFFC000  }
0x84: {  	[tilespmem:s29], [sflag:$0x3] =	stream.linear.gather @p0 [hbm4b:s15+s29], $0xC00, $0x38;
	[tilespmem:$0x1F800] =	vst v63  }
0x85: {  	_ =	swait.ge @p0 [sflag:s28], $0xC00  }
0x86: {  	[sflag:s28] =	ssyncset.done @p0 $0x0  }
0x87: {  	s15 =	rddreg [dreg:$0x6];
	[sflag:s28] =	ssyncadd.s32 @p0 $0xFFFFF400  }
0x88: {  	[tilespmem:s1], [sflag:$0x3] =	stream.linear.gather @p0 [hbm4b:s15+s29], $0xC00, $0x38;
	[tilespmem:$0x1F800] =	vst v63  }
0x89: {  	_ =	swait.ge @p0 [sflag:s28], $0xC00  }
0x8a: {  	[sflag:s28] =	ssyncset.done @p0 $0x0  }
0x8b: {  	s1 =	rddreg [dreg:$0x7];
	[sflag:s28] =	ssyncadd.s32 @p0 $0xFFFFF400  }
0x8c: {  	[tilespmem:s31], [sflag:$0x3] =	stream.linear.gather @!p0 [hbm4b:s1+s31], $0x1C00, $0x38;
	[tilespmem:$0x1F800] =	vst v63  }
0x8d: {  	_ =	swait.ge @!p0 [sflag:s30], $0x1C00  }
0x8e: {  	[sflag:s30] =	ssyncset.done @!p0 $0x0  }
0x8f: {  	s1 =	rddreg [dreg:$0x8];
	[sflag:s30] =	ssyncadd.s32 @!p0 $0xFFFFE400  }
0x90: {  	[tilespmem:s2], [sflag:$0x3] =	stream.linear.gather @!p0 [hbm4b:s1+s31], $0x1C00, $0x38;
	[tilespmem:$0x1F800] =	vst v63  }
0x91: {  	_ =	swait.ge @!p0 [sflag:s30], $0x1C00  }
0x92: {  	[sflag:s30] =	ssyncset.done @!p0 $0x0  }
0x93: {  	[sflag:s30] =	ssyncadd.s32 @!p0 $0xFFFFE400  }
0x94: {  	[tilespmem:s20], [sflag:$0x1] =	stream.indirect.gather [hbm4b:s0+s22], $0x80, s4, s22, $0xb8;
	[tilespmem:$0x1F800] =	vst v63  }
0x95: {  	_ =	swait.ge [sflag:s23], $0x4000  }
0x96: {  	[sflag:s23] =	ssyncset.done $0x0  }
0x97: {  	s30 =	simm.s32 $0x80;
	[sflag:s23] =	ssyncadd.s32 $0xFFFFC000  }
0x98: {  	[tilespmem:s24], [sflag:$0x2] =	stream.indirect.gather [hbm4b:s0+s22], $0x80, s30, s22, $0xb8;
	[tilespmem:$0x1F800] =	vst v63  }
0x99: {  	s1 =	simm.s32 $0x1C00  }
0x9a: {  	[spmem:s3] =	stream.indirect.scatter.add.f32 [tilespmem:s20], [sflag:$0x3], $0x80, s1, s22, $0xb8;
	[tilespmem:$0x1F800] =	vst v63  }
0x9b: {  	_ =	swait.ge [sflag:s21], $0x4000  }
0x9c: {  	[sflag:s21] =	ssyncset.done $0x0  }
0x9d: {  	[sflag:s21] =	ssyncadd.s32 $0xFFFFC000  }
0x9e: {  	_ =	swait.ge [sflag:s25], $0x4000  }
0x9f: {  	[sflag:s25] =	ssyncset.done $0x0  }
0xa0: {  	p2 =	sne.s32 s8, $0x1;
	s2 =	simm.s32 $0x100;
	[sflag:s25] =	ssyncadd.s32 $0xFFFFC000  }
0xa1: {  	[tilespmem:s20], [sflag:$0x1] =	stream.indirect.gather [hbm4b:s0+s22], $0x80, s2, s22, $0xb8;
	[tilespmem:$0x1F800] =	vst v63  }
.Ltmp3:
0xa2: {  	_ = 	snop;
	(pc) =	sbr.rel @!p2 .LBB2_7-.Ltmp3, $4  }
0xa3: {  	s31 =	simm.s32 $0x1C80  }
0xa4: {  	[spmem:s3] =	stream.indirect.scatter.add.f32 [tilespmem:s24], [sflag:$0x3], $0x80, s31, s22, $0xb8;
	[tilespmem:$0x1F800] =	vst v63  }
0xa5: {  	_ =	swait.ge [sflag:s21], $0x4000  }
0xa6: {  	s8 =	sadd.s32 $0xFFFFFFFF, s8;
	[sflag:s21] =	ssyncset.done $0x0  }
.LBB2_6:
0xa7: {  	[sflag:s21] =	ssyncadd.s32 $0xFFFFC000;
	s2 =	sadd.s32 $0x100, s2;
	s1 =	sadd.s32 $0x100, s1  }
0xa8: {  	p2 =	sne.s32 s8, $0x1;
	s8 =	sadd.s32 $0xFFFFFFFF, s8  }
0xa9: {  	_ =	swait.ge [sflag:s23], $0x4000  }
0xaa: {  	[sflag:s23] =	ssyncset.done $0x0  }
0xab: {  	s28 =	sadd.s32 $0xFFFFFF80, s2;
	[sflag:s23] =	ssyncadd.s32 $0xFFFFC000  }
0xac: {  	[tilespmem:s24], [sflag:$0x2] =	stream.indirect.gather [hbm4b:s0+s22], $0x80, s28, s22, $0xb8;
	[tilespmem:$0x1F800] =	vst v63  }
0xad: {  	_ = 	snop  }
0xae: {  	[spmem:s3] =	stream.indirect.scatter.add.f32 [tilespmem:s20], [sflag:$0x3], $0x80, s1, s22, $0xb8;
	[tilespmem:$0x1F800] =	vst v63  }
0xaf: {  	_ =	swait.ge [sflag:s21], $0x4000  }
0xb0: {  	[sflag:s21] =	ssyncset.done $0x0  }
0xb1: {  	[sflag:s21] =	ssyncadd.s32 $0xFFFFC000  }
0xb2: {  	_ =	swait.ge [sflag:s25], $0x4000  }
0xb3: {  	[sflag:s25] =	ssyncset.done $0x0  }
0xb4: {  	[sflag:s25] =	ssyncadd.s32 $0xFFFFC000  }
0xb5: {  	[tilespmem:s20], [sflag:$0x1] =	stream.indirect.gather [hbm4b:s0+s22], $0x80, s2, s22, $0xb8;
	[tilespmem:$0x1F800] =	vst v63  }
.Ltmp4:
0xb6: {  	_ = 	snop;
	(pc) =	sbr.rel @p2 .LBB2_6-.Ltmp4, $4  }
0xb7: {  	s28 =	sadd.s32 $0x80, s1  }
0xb8: {  	[spmem:s3] =	stream.indirect.scatter.add.f32 [tilespmem:s24], [sflag:$0x3], $0x80, s28, s22, $0xb8;
	[tilespmem:$0x1F800] =	vst v63  }
0xb9: {  	_ =	swait.ge [sflag:s21], $0x4000  }
0xba: {  	[sflag:s21] =	ssyncset.done $0x0  }
.LBB2_7:
0xbb: {  	[sflag:s21] =	ssyncadd.s32 $0xFFFFC000  }
0xbc: {  	_ =	swait.ge [sflag:s23], $0x4000  }
0xbd: {  	[sflag:s23] =	ssyncset.done $0x0  }
0xbe: {  	[sflag:s23] =	ssyncadd.s32 $0xFFFFC000  }
0xbf: {  	[tilespmem:s24], [sflag:$0x2] =	stream.indirect.gather [hbm4b:s0+s22], $0x80, s9, s22, $0xb8;
	[tilespmem:$0x1F800] =	vst v63  }
0xc0: {  	_ = 	snop  }
0xc1: {  	[spmem:s3] =	stream.indirect.scatter.add.f32 [tilespmem:s20], [sflag:$0x3], $0x80, s10, s22, $0xb8;
	[tilespmem:$0x1F800] =	vst v63  }
0xc2: {  	_ =	swait.ge [sflag:s21], $0x4000  }
0xc3: {  	[sflag:s21] =	ssyncset.done $0x0  }
0xc4: {  	[sflag:s21] =	ssyncadd.s32 $0xFFFFC000  }
0xc5: {  	_ =	swait.ge [sflag:s25], $0x4000  }
0xc6: {  	[sflag:s25] =	ssyncset.done $0x0  }
0xc7: {  	[sflag:s25] =	ssyncadd.s32 $0xFFFFC000  }
0xc8: {  	[tilespmem:s13], [sflag:$0x1] =	stream.indirect.gather @!p1 [hbm4b:s0+s12], $0x80, s11, s12, $0xb8;
	[tilespmem:$0x1F800] =	vst v63  }
0xc9: {  	_ = 	snop  }
0xca: {  	[spmem:s3] =	stream.indirect.scatter.add.f32 [tilespmem:s24], [sflag:$0x3], $0x80, s14, s22, $0xb8;
	[tilespmem:$0x1F800] =	vst v63  }
0xcb: {  	_ =	swait.ge [sflag:s21], $0x4000  }
0xcc: {  	[sflag:s21] =	ssyncset.done $0x0  }
0xcd: {  	s1 =	stileid.u32;
	[sflag:s21] =	ssyncadd.s32 $0xFFFFC000  }
0xce: {  	s1 =	sshll.u32 s1, $0x6;
	[bflag:$0x0] =	sbarrier.arrive $0xFFFF  }
0xcf: {  	s2 =	sshrl.u32 s5, $0x3;
	s1 =	sor.u32 $0x1C03, s1;
	s8 =	rddreg [dreg:$0x9]  }
0xd0: {  	[hbm:s8], [sflag:s1] =	dma.local [spmem:s2], $0x2800  }
0xd1: {  	_ =	swait.ge [sflag:s21], $0x2800  }
0xd2: {  	s26 =	sadd.s32 $0x1, s26;
	s31 =	rddreg [dreg:$0xa]  }
0xd3: {  	p1 =	sne.s32 s26, s31  }
.Ltmp5:
0xd4: {  	_ = 	snop;
	(pc) =	sbr.rel @p1 .LBB2_1-.Ltmp5, $3  }
0xd5: {  	_ =	sdelay $0x1  }
0xd6: {  	[sflag:s21] =	ssyncset.done $0x0  }
0xd7: {  	[sflag:s21] =	ssyncadd.s32 $0xFFFFD800  }
0xd8: {  	_ =	sfence.sel $0x180000  }
0xd9: {  	[bflag:$0x0] =	sbarrier.arrive $0xFFFF  }
0xda: {  	_ =	strace $0x9000004D  }
0xdb: {  	s0 =	stileid.u32;
	[bflag:$0x2] =	sbarrier.arrive $0xFFFF  }
0xdc: {  	p0 =	sne.s32 s0, $0x0;
	s0 =	rddreg [dreg:$0x3]  }
0xdd: {  	s0 =	sadd.s32 @!p0 $0x100000, s0  }
0xde: {  	[sflag:s0] =	ssyncadd.tile.s32 @!p0 $0x1;
	_ =	shalt  }
.Lfunc_end2:
_tile_overlayer_lowered:
.L_overlay_start_2:
0xdf: {  	(tag) =	ssettag $0x2  }
0xe0: {  	s0 =	rddreg [dreg:$0x0];
	s2 =	stileid.u32  }
0xe1: {  	s1 =	rddreg [dreg:$0x1];
	p0 =	sne.s32 s2, $0x0  }
0xe2: {  	s3 =	rddreg [dreg:$0x2];
	[bflag:$0x3] =	sbarrier.arrive $0xFFFF;
	s2 =	simm.s32 @!p0 $0x1C03  }
0xe3: {  	[timem:s3], [sflag:s2] =	dma.local @!p0 [hbm:s0], s1  }
0xe4: {  	s0 =	simm.s32 @!p0 $0x3  }
0xe5: {  	_ =	swait.ge @!p0 [sflag:s0], s1  }
0xe6: {  	s1 =	ssub.s32 @!p0 $0x0, s1;
	[sflag:s0] =	ssyncset.done @!p0 $0x0  }
0xe7: {  	[sflag:s0] =	ssyncadd.s32 @!p0 s1  }
0xe8: {  	[bflag:$0x3] =	sbarrier.arrive $0xFFFF  }
0xe9: {  	_ =	shalt  }

// kernel: kernel.8.cloned.1.call-start
scs
__scs_entry_jumppad:
0x0: {  	(pc) =	sbr.rel $0x88, $3  }
0x1: {  	(tag) =	ssettag $0x0;
	lr =	simm.s32 $0x1  }
0x2: {  	[smem:$0x3F9B] =	sst lr;
	_ =	strace $0xD0000000  }
0x3: {  	_ = 	snop  }
0x4: {  	_ = 	snop  }
0x5: {  	_ = 	snop  }
0x6: {  	_ = 	snop  }
0x7: {  	_ = 	snop  }
__scs_overlays_trampoline_lowered:
0x8: {  	[smem:$0x3FAA] =	sst s0  }
0x9: {  	[smem:$0x3FAB] =	sst s1  }
0xa: {  	[smem:$0x3FAC] =	sst s2  }
0xb: {  	[smem:$0x3FAD] =	sst s3  }
0xc: {  	[smem:$0x3FAE] =	sst s4  }
0xd: {  	[smem:$0x3FAF] =	sst s5  }
0xe: {  	[smem:$0x3FB0] =	sst s6  }
0xf: {  	[smem:$0x3FB1] =	sst s7  }
0x10: {  	[smem:$0x3FB2] =	sst s8  }
0x11: {  	[smem:$0x3FB3] =	sst s9;
	s0 =	simm.s32 @!p0 $0x0  }
0x12: {  	s1 =	sld [smem:$0x3F99];
	s0 =	simm.s32 @p0 $0x1  }
0x13: {  	[smem:$0x3FB4] =	sst s0;
	s0 =	simm.s32 @!p1 $0x0  }
0x14: {  	s2 =	sld [smem:$0x3F98];
	s0 =	simm.s32 @p1 $0x1  }
0x15: {  	[smem:$0x3FB5] =	sst s0;
	s0 =	simm.s32 @!p2 $0x0  }
0x16: {  	s3 =	sld [smem:$0x3FDB];
	s0 =	simm.s32 @p2 $0x1  }
0x17: {  	s4 =	simm.s32 $0x1BF5;
	[smem:$0x3FB7] =	sst s0  }
0x18: {  	s0 =	sld [smem:$0x3F9A];
	_ =	swait.ge [sflag:s4], $0x0  }
0x19: {  	s7 =	sld [smem:$0x3F9B]  }
0x1a: {  	s8 =	sadd.s32 $0xFFFFE003, lr  }
0x1b: {  	s9 =	sadd.s32 $0xFFFFFEF7, lr;
	s5 =	simm.s32 $0xFFFFFFFF;
	p2 =	slt.u32 s8, $0xFFFFF086  }
0x1c: {  	p1 =	slt.u32 s9, $0xF7A;
	s5 =	simm.s32 @!p2 $0x0  }
0x1d: {  	s5 =	simm.s32 @p1 $0x1;
	p0 =	seq.s32 s7, s2  }
0x1e: {  	s7 =	smul.u32 @!p0 $0xF7A, s2;
	p2 =	seq.s32 @!p0 s5, $0x0  }
0x1f: {  	s9 =	smul.u32 $0xF7A, s1;
	s8 =	simm.s32 @!p0 $0x1BF5;
	p2 =	por !p2, p0  }
0x20: {  	[sflag:s8] =	ssyncset.s32 @!p0 $0xFFFFF086;
	s6 =	sadd.s32 @!p0 s3, s7;
	s7 =	simm.s32 @!p0 $0x108  }
0x21: {  	s3 =	sadd.s32 s3, s9;
	s6 =	sadd.s32 @!p0 $0x88, s6;
	s7 =	simm.s32 @p2 $0x1082  }
0x22: {  	[simem:s7], [sflag:s8] =	dma.local @!p0 [hbm:s6], $0xF7A  }
0x23: {  	s9 =	sor.u32 $0xD0000000, s2;
	s6 =	simm.s32 $0x108;
	_ =	swait.ge @!p0 [sflag:s8], $0x0  }
0x24: {  	s3 =	sadd.s32 $0x88, s3;
	s6 =	simm.s32 @!p1 $0x1082;
	[sflag:s4] =	ssyncset.s32 $0xFFFFF086  }
0x25: {  	[simem:s6], [sflag:s4] =	dma.local [hbm:s3], $0xF7A  }
0x26: {  	[smem:$0x3F9B] =	sst s1;
	(tag) =	ssettag s2;
	_ =	strace s9  }
0x27: {  	s1 =	sld [smem:$0x3FAB]  }
0x28: {  	s2 =	sld [smem:$0x3FAC]  }
0x29: {  	s4 =	sld [smem:$0x3FAE]  }
0x2a: {  	p0 =	seq.s32 s5, $0x0;
	s5 =	sld [smem:$0x3FAF]  }
0x2b: {  	s6 =	sld [smem:$0x3FB0]  }
0x2c: {  	s7 =	sld [smem:$0x3FB1]  }
0x2d: {  	s3 =	simm.s32 $0x108;
	s8 =	sld [smem:$0x3FB2]  }
0x2e: {  	s3 =	simm.s32 @!p0 $0x1082;
	s9 =	sld [smem:$0x3FB3]  }
0x2f: {  	lr =	sadd.s32 s0, s3;
	s0 =	sld [smem:$0x3FAA]  }
0x30: {  	s3 =	sld [smem:$0x3FAD]  }
0x31: {  	[smem:$0x3FB6] =	sst s10  }
0x32: {  	s10 =	sld [smem:$0x3FB4];
	_ =	sdelay $0x3  }
0x33: {  	p0 =	seq.s32 s10, $0x1;
	s10 =	sld [smem:$0x3FB6];
	_ =	sdelay $0x3  }
0x34: {  	[smem:$0x3FB6] =	sst s10  }
0x35: {  	s10 =	sld [smem:$0x3FB5];
	_ =	sdelay $0x3  }
0x36: {  	p1 =	seq.s32 s10, $0x1;
	s10 =	sld [smem:$0x3FB6];
	_ =	sdelay $0x3  }
0x37: {  	[smem:$0x3FB6] =	sst s10  }
0x38: {  	s10 =	sld [smem:$0x3FB7]  }
0x39: {  	_ = 	snop;
	(pc) =	sbr.ind lr, $3  }
0x3a: {  	_ = 	snop  }
0x3b: {  	_ = 	snop  }
0x3c: {  	p2 =	seq.s32 s10, $0x1;
	s10 =	sld [smem:$0x3FB6]  }
0x3d: {  	_ =	shalt  }
0x3e: {  	_ =	shalt  }
0x3f: {  	_ =	shalt  }
0x40: {  	_ =	shalt  }
0x41: {  	_ =	shalt  }
0x42: {  	_ =	shalt  }
0x43: {  	_ =	shalt  }
0x44: {  	_ =	shalt  }
0x45: {  	_ =	shalt  }
0x46: {  	_ =	shalt  }
0x47: {  	_ =	shalt  }
0x48: {  	_ =	shalt  }
0x49: {  	_ =	shalt  }
0x4a: {  	_ =	shalt  }
0x4b: {  	_ =	shalt  }
0x4c: {  	_ =	shalt  }
0x4d: {  	_ =	shalt  }
0x4e: {  	_ =	shalt  }
0x4f: {  	_ =	shalt  }
0x50: {  	_ =	shalt  }
0x51: {  	_ =	shalt  }
0x52: {  	_ =	shalt  }
0x53: {  	_ =	shalt  }
0x54: {  	_ =	shalt  }
0x55: {  	_ =	shalt  }
0x56: {  	_ =	shalt  }
0x57: {  	_ =	shalt  }
0x58: {  	_ =	shalt  }
0x59: {  	_ =	shalt  }
0x5a: {  	_ =	shalt  }
0x5b: {  	_ =	shalt  }
0x5c: {  	_ =	shalt  }
0x5d: {  	_ =	shalt  }
0x5e: {  	_ =	shalt  }
0x5f: {  	_ =	shalt  }
0x60: {  	_ =	shalt  }
0x61: {  	_ =	shalt  }
0x62: {  	_ =	shalt  }
0x63: {  	_ =	shalt  }
0x64: {  	_ =	shalt  }
0x65: {  	_ =	shalt  }
0x66: {  	_ =	shalt  }
0x67: {  	_ =	shalt  }
0x68: {  	_ =	shalt  }
0x69: {  	_ =	shalt  }
0x6a: {  	_ =	shalt  }
0x6b: {  	_ =	shalt  }
0x6c: {  	_ =	shalt  }
0x6d: {  	_ =	shalt  }
0x6e: {  	_ =	shalt  }
0x6f: {  	_ =	shalt  }
0x70: {  	_ =	shalt  }
0x71: {  	_ =	shalt  }
0x72: {  	_ =	shalt  }
0x73: {  	_ =	shalt  }
0x74: {  	_ =	shalt  }
0x75: {  	_ =	shalt  }
0x76: {  	_ =	shalt  }
0x77: {  	_ =	shalt  }
0x78: {  	_ =	shalt  }
0x79: {  	_ =	shalt  }
0x7a: {  	_ =	shalt  }
0x7b: {  	_ =	shalt  }
0x7c: {  	_ =	shalt  }
0x7d: {  	_ =	shalt  }
0x7e: {  	_ =	shalt  }
0x7f: {  	_ =	shalt  }
0x80: {  	_ =	shalt  }
0x81: {  	_ =	shalt  }
0x82: {  	_ =	shalt  }
0x83: {  	_ =	shalt  }
0x84: {  	_ =	shalt  }
0x85: {  	_ =	shalt  }
0x86: {  	_ =	shalt  }
0x87: {  	_ =	shalt  }
.Lfunc_end0:
.L_simem_size_0:
called_computation_lowered:
.L_overlay_start_0:
0x88: {  	s2 =	sld [smem:$0x3FD9]  }
0x89: {  	s3 =	sld [smem:$0x3FFE];
	_ =	sdelay $0x1  }
0x8a: {  	s1 =	srdreg.scid  }
0x8b: {  	s0 =	sand.u32 $0x1, s1  }
0x8c: {  	s17 =	sshll.u32 s0, $0xA;
	s2 =	sadd.s32 s3, s2  }
0x8d: {  	s2 =	sadd.s32 s2, s17  }
0x8e: {  	[smem:$0x3FC2] =	sst s2  }
0x8f: {  	_ = 	snop  }
0x90: {  	s2 =	sld [smem:$0x3FD0];
	(tm) =	ssettm $0x1  }
0x91: {  	s18 =	sld [smem:$0x3FFB];
	_ =	sdelay $0x3  }
0x92: {  	_ =	strace s18  }
0x93: {  	s3 =	sld [smem:$0x3FFC];
	_ =	sdelay $0x3  }
0x94: {  	_ =	strace s3  }
0x95: {  	s3 =	sld [smem:$0x3FFD];
	_ =	sdelay $0x3  }
0x96: {  	_ =	strace s3  }
0x97: {  	_ =	strace $0x8FFFFFFF  }
0x98: {  	s19 =	sld [smem:$0x3FDB];
	_ =	sdelay $0x1  }
0x99: {  	s4 =	simm.s32 $_scs_section_size  }
0x9a: {  	s5 =	simm.s32 $_size__tile_overlayer_lowered;
	s6 =	simm.s32 $_tile_overlayer_lowered  }
0x9b: {  	s22 =	simm.s32 $0x1BFF;
	s21 =	sshll.u32 s6, $0x1;
	s3 =	sadd.s32 s4, s19  }
0x9c: {  	s7 =	simm.s32 $0x0;
	s20 =	sshll.u32 s5, $0x1;
	s5 =	sadd.s32 s21, s3  }
0x9d: {  	[timem:s7], [sflag:s22] =	dma.local [hbm:s5], s20  }
0x9e: {  	_ =	swait.ge [sflag:s22], s20  }
0x9f: {  	s4 =	ssub.s32 $0x0, s20;
	[sflag:s22] =	ssyncset.done $0x0  }
0xa0: {  	[sflag:s22] =	ssyncadd.s32 s4;
	_ =	sdelay $0x1  }
0xa1: {  	s23 =	simm.s32 $0x1B8B  }
0xa2: {  	_ =	swait.ge [sflag:s23], $0x1  }
0xa3: {  	[sflag:s23] =	ssyncset.done $0x0  }
0xa4: {  	s25 =	simm.s32 $0x1B8E;
	s24 =	sld [smem:$0x3FFE];
	[sflag:s23] =	ssyncadd.s32 $0xFFFFFFFF  }
0xa5: {  	s26 =	simm.s32 $execute0_lowered;
	[smem:$0x3FD2] =	sst s25  }
0xa6: {  	s5 =	sshll.u32 s26, $0x1;
	_ =	strace $0x80000046;
	[dreg:$0x1] =	wrdreg $0xFFFFFFFF  }
0xa7: {  	s28 =	simm.s32 $_size_execute0_lowered;
	s3 =	sadd.s32 s3, s5;
	[dreg:$0x0] =	wrdreg $0x0  }
0xa8: {  	s5 =	sshll.u32 s28, $0x1;
	[dreg:$0x2] =	wrdreg s3  }
0xa9: {  	[dreg:$0x3] =	wrdreg s5  }
0xaa: {  	[dreg:$0x4] =	wrdreg $0xC0  }
0xab: {  	_ =	task [dreg:s7], $0x5FFFF  }
0xac: {  	[dreg:$0x1] =	wrdreg $0xFFFFFFFF  }
0xad: {  	[dreg:$0x0] =	wrdreg $0x60  }
0xae: {  	[dreg:$0x2] =	wrdreg s24  }
0xaf: {  	[dreg:$0x3] =	wrdreg s2  }
0xb0: {  	[dreg:$0x4] =	wrdreg $0x29000  }
0xb1: {  	[dreg:$0x5] =	wrdreg $0x9  }
0xb2: {  	_ =	task.clear_ibuf [dreg:s7], $0x6FFFF;
	_ =	strace $0x90000046  }
0xb3: {  	s29 =	simm.s32 $0x9;
	_ =	strace $0x80000048  }
0xb4: {  	_ =	swait.ge [sflag:s29], $0x1  }
0xb5: {  	[sflag:s29] =	ssyncadd.s32 $0xFFFFFFFF  }
0xb6: {  	_ =	strace $0x90000048  }
0xb7: {  	_ =	sfence  }
0xb8: {  	s30 =	sld [smem:$0x0];
	_ =	sdelay $0x2  }
0xb9: {  	s31 =	sshll.u32 s1, $0xD;
	s1 =	sshrl.u32 s1, $0x2  }
0xba: {  	s3 =	sand.u32 $0x4000, s31;
	s1 =	sadd.s32 s1, s30  }
0xbb: {  	s0 =	sor.u32 s3, s0;
	s1 =	sshll.u32 s1, $0x11  }
0xbc: {  	s0 =	sor.u32 s1, s0  }
0xbd: {  	s0 =	sadd.s32 $0x8F2B, s0  }
0xbe: {  	[sflag:s0] =	ssyncadd.remote.s32 $0x1  }
0xbf: {  	_ =	sfence.sel $0xFFFF  }
0xc0: {  	[dreg:$0x0] =	wrdreg $0xFFFFFFFF;
	(pc) =	sbr.abs _section_cstart, $3  }
0xc1: {  	[dreg:$0x1] =	wrdreg $0xFFFFFFFF  }
0xc2: {  	_ =	task.clear_ibuf [dreg:s7], $0x2FFFF;
	_ =	strace $0x9FFFFFFF  }
0xc3: {  	(tm) =	ssettm $0x7FFFFFFF  }
tec
execute0_lowered:
.L_overlay_start_1:
0x0: {  	(tag) =	ssettag $0x1  }
0x1: {  	s4 =	rddreg [dreg:$0x0]  }
0x2: {  	s5 =	rddreg [dreg:$0x1];
	s1 =	srdreg.scid  }
0x3: {  	s0 =	stileid.u32;
	s2 =	rddreg [dreg:$0x2]  }
0x4: {  	s3 =	simm.s32 $0x0;
	s12 =	simm.s32 $0x2880;
	s13 =	simm.s32 $0x1  }
0x5: {  	s14 =	simm.s32 $0x80;
	s15 =	simm.s32 $0x2800;
	s18 =	simm.s32 $0x20  }
0x6: {  	s19 =	simm.s32 $0x10;
	s20 =	simm.s32 $0x0;
	s6 =	sand.u32 $0x1, s1  }
0x7: {  	s7 =	sshll.u32 s0, $0x1;
	s1 =	rddreg [dreg:$0x3];
	s8 =	smul.u32 $0x500, s0  }
0x8: {  	[smem:$0x7FF] =	sst s3;
	s10 =	smul.u32 $0xA00, s0;
	s16 =	sshll.u32 s0, $0x6  }
0x9: {  	s7 =	sor.u32 s6, s7;
	_ =	strace $0x80000047;
	s9 =	ssub.s32 $0x2, s6  }
0xa: {  	s6 =	sshll.u32 s6, $0x7;
	s16 =	sor.u32 $0x1C01, s16;
	s7 =	smul.u32 $0x500, s7  }
0xb: {  	s30 =	sshrl.u32 s9, $0x1;
	s6 =	sor.u32 s6, s8;
	s31 =	sshrl.u32 s10, $0x2  }
0xc: {  	s6 =	sshrl.u32 s6, $0x3;
	s4 =	sadd.s32 s7, s4;
	s7 =	ssub.s32 s9, s30  }
0xd: {  	s5 =	sadd.s32 s5, s6;
	s6 =	sadd.s32 s31, s2;
	s4 =	sadd.s32 $0xD600, s4  }
0xe: {  	s7 =	smax.u32 s7, $0x1;
	s8 =	sadd.s32 $0x80, s6;
	s9 =	sadd.s32 $0x100, s6  }
0xf: {  	v0 =	vimm.f32 $0.0e+00;
	v1 =	vimm.f32 $1.000000000e+00;
	s10 =	sadd.s32 $0x180, s6;
	s11 =	sadd.s32 $0x200, s6;
	s17 =	sshrl.u32 s6, $0x3  }
.LBB2_1:
0x10: {  	[tilespmem:$0x2880] =	vst v0  }
0x11: {  	[tilespmem:$0x2800] =	vst v1  }
0x12: {  	[tilespmem:$0x2890] =	vst v0  }
0x13: {  	[tilespmem:$0x2810] =	vst v1  }
0x14: {  	[tilespmem:$0x28A0] =	vst v0  }
0x15: {  	[tilespmem:$0x2820] =	vst v1  }
0x16: {  	[tilespmem:$0x28B0] =	vst v0  }
0x17: {  	[tilespmem:$0x2830] =	vst v1  }
0x18: {  	[tilespmem:$0x28C0] =	vst v0  }
0x19: {  	[tilespmem:$0x2840] =	vst v1  }
0x1a: {  	[tilespmem:$0x28D0] =	vst v0  }
0x1b: {  	[tilespmem:$0x2850] =	vst v1  }
0x1c: {  	[tilespmem:$0x28E0] =	vst v0  }
0x1d: {  	[tilespmem:$0x2860] =	vst v1  }
0x1e: {  	[tilespmem:$0x28F0] =	vst v0  }
0x1f: {  	[tilespmem:$0x2870] =	vst v1  }
0x20: {  	[spmem:s6] =	stream.linear.scatter [tilespmem:s12], [sflag:$0x1], $0x80, $0x38;
	[tilespmem:$0x2B80] =	vst v63  }
0x21: {  	_ =	swait.ge [sflag:s13], $0x80  }
0x22: {  	[sflag:s13] =	ssyncset.done $0x0  }
0x23: {  	[sflag:s13] =	ssyncadd.s32 $0xFFFFFF80  }
0x24: {  	[spmem:s8] =	stream.linear.scatter [tilespmem:s12], [sflag:$0x1], $0x80, $0x38;
	[tilespmem:$0x2B80] =	vst v63  }
0x25: {  	_ =	swait.ge [sflag:s13], $0x80  }
0x26: {  	[sflag:s13] =	ssyncset.done $0x0  }
0x27: {  	[sflag:s13] =	ssyncadd.s32 $0xFFFFFF80  }
0x28: {  	[spmem:s9] =	stream.linear.scatter [tilespmem:s12], [sflag:$0x1], $0x80, $0x38;
	[tilespmem:$0x2B80] =	vst v63  }
0x29: {  	_ =	swait.ge [sflag:s13], $0x80  }
0x2a: {  	[sflag:s13] =	ssyncset.done $0x0  }
0x2b: {  	[sflag:s13] =	ssyncadd.s32 $0xFFFFFF80  }
0x2c: {  	[spmem:s10] =	stream.linear.scatter [tilespmem:s12], [sflag:$0x1], $0x80, $0x38;
	[tilespmem:$0x2B80] =	vst v63  }
0x2d: {  	_ =	swait.ge [sflag:s13], $0x80  }
0x2e: {  	[sflag:s13] =	ssyncset.done $0x0  }
0x2f: {  	[sflag:s13] =	ssyncadd.s32 $0xFFFFFF80  }
0x30: {  	[spmem:s11] =	stream.linear.scatter [tilespmem:s12], [sflag:$0x1], $0x80, $0x38;
	[tilespmem:$0x2B80] =	vst v63  }
0x31: {  	_ =	swait.ge [sflag:s13], $0x80  }
0x32: {  	[sflag:s13] =	ssyncset.done $0x0  }
0x33: {  	[sflag:s13] =	ssyncadd.s32 $0xFFFFFF80  }
0x34: {  	[tilespmem:s3], [sflag:$0x1] =	stream.linear.gather [hbm4b:s4+s3], $0x2800, $0x38;
	[tilespmem:$0x2B80] =	vst v63  }
0x35: {  	_ =	swait.ge [sflag:s13], $0x2800  }
0x36: {  	[sflag:s13] =	ssyncset.done $0x0  }
0x37: {  	[sflag:s13] =	ssyncadd.s32 $0xFFFFD800  }
0x38: {  	s21 =	simm.s32 $0x0;
	[bflag:$0x0] =	sbarrier.arrive $0xFFFF  }
0x39: {  	[spmem:s2] =	stream.indirect.scatter.add.f32 [tilespmem:s15], [sflag:$0x1], $0x1, s21, s14, $0xb8;
	[tilespmem:$0x2B80] =	vst v63  }
0x3a: {  	_ =	swait.ge [sflag:s13], $0x80  }
0x3b: {  	s21 =	simm.s32 $0x200;
	[sflag:s13] =	ssyncset.done $0x0  }
.LBB2_2:
0x3c: {  	s22 =	sshra.s32 s21, $0x2;
	[sflag:s13] =	ssyncadd.s32 $0xFFFFFF80;
	p0 =	sne.s32 s21, $0x9E00  }
0x3d: {  	[spmem:s2] =	stream.indirect.scatter.add.f32 [tilespmem:s15], [sflag:$0x1], $0x1, s22, s14, $0xb8;
	[tilespmem:$0x2B80] =	vst v63  }
.Ltmp0:
0x3e: {  	_ = 	snop;
	(pc) =	sbr.rel @p0 .LBB2_2-.Ltmp0, $4  }
0x3f: {  	_ = 	snop  }
0x40: {  	s21 =	sadd.s32 $0x200, s21  }
0x41: {  	_ =	swait.ge [sflag:s13], $0x80  }
0x42: {  	[sflag:s13] =	ssyncset.done $0x0  }
0x43: {  	s20 =	sadd.s32 $0x1, s20  }
0x44: {  	[sflag:s13] =	ssyncadd.s32 $0xFFFFFF80;
	p0 =	sne.s32 s20, s7  }
.Ltmp1:
0x45: {  	[bflag:$0x0] =	sbarrier.arrive $0xFFFF;
	(pc) =	sbr.rel @p0 .LBB2_1-.Ltmp1, $4  }
0x46: {  	[hbm:s5@s18], [sflag:s16] =	dma.strided [spmem:s17@s19], $0x50, s13, $0x10   }
0x47: {  	_ =	swait.ge [sflag:s13], $0x50  }
0x48: {  	[sflag:s13] =	ssyncset.done $0x0  }
0x49: {  	[sflag:s13] =	ssyncadd.s32 $0xFFFFFFB0  }
0x4a: {  	_ =	sfence.sel $0x180000  }
0x4b: {  	[bflag:$0x0] =	sbarrier.arrive $0xFFFF  }
0x4c: {  	p0 =	sne.s32 s0, $0x0;
	_ =	strace $0x90000047  }
0x4d: {  	s0 =	sadd.s32 @!p0 $0x100000, s1;
	[bflag:$0x2] =	sbarrier.arrive $0xFFFF  }
0x4e: {  	[sflag:s0] =	ssyncadd.tile.s32 @!p0 $0x1;
	_ =	shalt  }
.Lfunc_end2:
_tile_overlayer_lowered:
.L_overlay_start_2:
0x4f: {  	(tag) =	ssettag $0x2  }
0x50: {  	s0 =	rddreg [dreg:$0x0];
	s2 =	stileid.u32  }
0x51: {  	s1 =	rddreg [dreg:$0x1];
	p0 =	sne.s32 s2, $0x0  }
0x52: {  	s3 =	rddreg [dreg:$0x2];
	[bflag:$0x3] =	sbarrier.arrive $0xFFFF;
	s2 =	simm.s32 @!p0 $0x1C01  }
0x53: {  	[timem:s3], [sflag:s2] =	dma.local @!p0 [hbm:s0], s1  }
0x54: {  	s0 =	simm.s32 @!p0 $0x1  }
0x55: {  	_ =	swait.ge @!p0 [sflag:s0], s1  }
0x56: {  	s1 =	ssub.s32 @!p0 $0x0, s1;
	[sflag:s0] =	ssyncset.done @!p0 $0x0  }
0x57: {  	[sflag:s0] =	ssyncadd.s32 @!p0 s1  }
0x58: {  	[bflag:$0x3] =	sbarrier.arrive $0xFFFF  }
0x59: {  	_ =	shalt  }

</sc_bundles>
